<compile_context>
chip_gen: v7x
topology: tpu7x:2x2x1
jax: 0.10.2.dev20260603
libtpu: 0.0.44.dev20260713+nightly
codegen_flags: <defaults>
</compile_context>

<pallas_src>
import functools

import jax
import jax.numpy as jnp
from jax import lax
from jax.experimental import pallas as pl
from jax.experimental.pallas import tpu as pltpu
from jax.experimental.pallas import tpu_sc as plsc

N = 10000
D = 128
E = 320000
NT = 10240
NC = 2
NS = 16
NW = NC * NS
B = 128
CH = 80
MAIN = 72
H0 = 40
H1 = CH - H0
EROWS = 2500
TAILE = E - NW * MAIN * B
TPAD = NW * 8 * B - TAILE
ROWS_PER_TILE = NT // NS


def _mesh():
    return plsc.VectorSubcoreMesh(
        core_axis_name="c", subcore_axis_name="s", num_cores=NC, num_subcores=NS
    )


@functools.lru_cache(maxsize=None)
def _build_hist():

    @functools.partial(
        pl.kernel,
        mesh=_mesh(),
        out_type=jax.ShapeDtypeStruct((NC, NT), jnp.float32),
        scratch_types=[
            pltpu.VMEM((CH, B), jnp.int32),
            pltpu.VMEM((B,), jnp.float32),
            pltpu.VMEM((ROWS_PER_TILE,), jnp.float32),
            pltpu.VMEM_SHARED((NT,), jnp.float32),
            pltpu.SemaphoreType.DMA,
        ],
    )
    def hist(ei_hbm, tail_hbm, out_hbm, idx_v, ones_v, zer_v, deg_s, sem):
        c = lax.axis_index("c")
        s = lax.axis_index("s")
        w = c * NS + s
        for i in range(ROWS_PER_TILE // 16):
            zer_v[pl.ds(i * 16, 16)] = jnp.zeros((16,), jnp.float32)
        for i in range(B // 16):
            ones_v[pl.ds(i * 16, 16)] = jnp.ones((16,), jnp.float32)
        pltpu.sync_copy(zer_v, deg_s.at[pl.ds(s * ROWS_PER_TILE, ROWS_PER_TILE)])
        pltpu.sync_copy(ei_hbm.at[1, pl.ds(w * MAIN, MAIN)],
                        idx_v.at[pl.ds(0, MAIN)])
        pltpu.sync_copy(tail_hbm.at[1, w], idx_v.at[pl.ds(MAIN, 8)])
        plsc.subcore_barrier()

        def issue(j, carry):
            pltpu.async_copy(ones_v, deg_s.at[idx_v.at[j]], sem, add=True)
            return carry

        lax.fori_loop(0, CH, issue, 0)

        def drain(j, carry):
            pltpu.make_async_copy(ones_v, deg_s.at[idx_v.at[j]], sem).wait()
            return carry

        lax.fori_loop(0, CH, drain, 0)
        plsc.subcore_barrier()

        @pl.when(s == 0)
        def _():
            pltpu.sync_copy(deg_s, out_hbm.at[c])

    return hist


@functools.lru_cache(maxsize=None)
def _build_agg():

    @functools.partial(
        pl.kernel,
        mesh=_mesh(),
        out_type=jax.ShapeDtypeStruct((NC * NT, D), jnp.float32),
        scratch_types=[
            pltpu.VMEM((H0, B), jnp.int32),
            pltpu.VMEM((H0, B), jnp.int32),
            pltpu.VMEM((B, D), jnp.float32),
            pltpu.VMEM((B, D), jnp.float32),
            pltpu.VMEM_SHARED((NT, D), jnp.float32),
            pltpu.SemaphoreType.DMA,
            pltpu.SemaphoreType.DMA,
        ],
    )
    def agg(ei_hbm, tail_hbm, z_hbm, out_hbm,
            dst_v, src_v, buf0, buf1, acc_s, g0a, g1a):
        c = lax.axis_index("c")
        s = lax.axis_index("s")
        w = c * NS + s
        r0 = s * ROWS_PER_TILE

        def zrow(r, carry):
            for i in range(D // 16):
                buf0[r, pl.ds(i * 16, 16)] = jnp.zeros((16,), jnp.float32)
            return carry

        lax.fori_loop(0, B, zrow, 0)
        for r in range(ROWS_PER_TILE // B):
            pltpu.sync_copy(buf0, acc_s.at[pl.ds(r0 + r * B, B)])
        plsc.subcore_barrier()

        def gather(j, buf, sem):
            pltpu.async_copy(z_hbm.at[dst_v.at[j]], buf, sem)

        def gather_wait(j, buf, sem):
            pltpu.make_async_copy(z_hbm.at[dst_v.at[j]], buf, sem).wait()

        def scatter(j, buf):
            pltpu.sync_copy(buf, acc_s.at[src_v.at[j]], add=True)

        def run_half(nch):
            gather(0, buf0, g0a)

            def body(i, carry):
                j0 = i * 2
                j1 = j0 + 1
                gather(j1, buf1, g1a)
                gather_wait(j0, buf0, g0a)
                scatter(j0, buf0)
                gather(j1 + 1, buf0, g0a)
                gather_wait(j1, buf1, g1a)
                scatter(j1, buf1)
                return carry

            lax.fori_loop(0, nch // 2 - 1, body, 0)
            gather(nch - 1, buf1, g1a)
            gather_wait(nch - 2, buf0, g0a)
            scatter(nch - 2, buf0)
            gather_wait(nch - 1, buf1, g1a)
            scatter(nch - 1, buf1)

        pltpu.sync_copy(ei_hbm.at[1, pl.ds(w * MAIN, H0)], dst_v)
        pltpu.sync_copy(ei_hbm.at[0, pl.ds(w * MAIN, H0)], src_v)
        run_half(H0)
        pltpu.sync_copy(ei_hbm.at[1, pl.ds(w * MAIN + H0, MAIN - H0)],
                        dst_v.at[pl.ds(0, MAIN - H0)])
        pltpu.sync_copy(ei_hbm.at[0, pl.ds(w * MAIN + H0, MAIN - H0)],
                        src_v.at[pl.ds(0, MAIN - H0)])
        pltpu.sync_copy(tail_hbm.at[1, w], dst_v.at[pl.ds(MAIN - H0, 8)])
        pltpu.sync_copy(tail_hbm.at[0, w], src_v.at[pl.ds(MAIN - H0, 8)])
        run_half(H1)

        plsc.subcore_barrier()
        pltpu.sync_copy(
            acc_s.at[pl.ds(r0, ROWS_PER_TILE)],
            out_hbm.at[pl.ds(c * NT + r0, ROWS_PER_TILE)],
        )

    return agg


def _diag_scale(dinv_row):
    r = lax.broadcasted_iota(jnp.int32, (D, D), 0)
    l = lax.broadcasted_iota(jnp.int32, (D, D), 1)
    return jnp.where(r == l, jnp.broadcast_to(dinv_row, (D, D)), 0.0)


def _scale_matmul_kernel(x_ref, w_ref, deg_ref, z_ref):
    i = pl.program_id(0)
    y = lax.dot_general(
        x_ref[...], w_ref[...], (((1,), (1,)), ((), ())),
        preferred_element_type=jnp.float32,
    )
    nsub = y.shape[0] // D
    for k in range(nsub):
        row = i * nsub + k
        dvec = deg_ref[0, pl.ds(row, 1), :] + deg_ref[1, pl.ds(row, 1), :]
        grow = row * D + lax.broadcasted_iota(jnp.int32, (1, D), 1)
        dinv = jnp.where(grow < N, lax.rsqrt(dvec), 0.0)
        z_ref[pl.ds(k * D, D), :] = lax.dot_general(
            _diag_scale(dinv), y[k * D:(k + 1) * D, :],
            (((1,), (0,)), ((), ())), preferred_element_type=jnp.float32,
        )


def _finish_kernel(acc_ref, deg_ref, b_ref, o_ref):
    i = pl.program_id(0)
    acc = acc_ref[0] + acc_ref[1]
    nsub = acc.shape[0] // D
    for k in range(nsub):
        row = i * nsub + k
        dvec = deg_ref[0, pl.ds(row, 1), :] + deg_ref[1, pl.ds(row, 1), :]
        dinv = lax.rsqrt(dvec)
        o_ref[pl.ds(k * D, D), :] = lax.dot_general(
            _diag_scale(dinv), acc[k * D:(k + 1) * D, :],
            (((1,), (0,)), ((), ())), preferred_element_type=jnp.float32,
        ) + b_ref[...]


def kernel(x, edge_index, W, b):
    ei = edge_index.reshape(2, EROWS, B)
    padv = N + (jnp.arange(TPAD, dtype=jnp.int32) % (NT - N))
    tail = jnp.concatenate(
        [edge_index[:, NW * MAIN * B:], jnp.broadcast_to(padv, (2, TPAD))],
        axis=1,
    ).reshape(2, NW, 8, B)

    deg = _build_hist()(ei, tail)
    deg2 = deg.reshape(NC, NT // D, D)

    blk = 1280
    z = pl.pallas_call(
        _scale_matmul_kernel,
        grid=(NT // blk,),
        in_specs=[
            pl.BlockSpec((blk, D), lambda i: (i, 0)),
            pl.BlockSpec((D, D), lambda i: (0, 0)),
            pl.BlockSpec((NC, NT // D, D), lambda i: (0, 0, 0)),
        ],
        out_specs=pl.BlockSpec((blk, D), lambda i: (i, 0)),
        out_shape=jax.ShapeDtypeStruct((NT, D), jnp.float32),
    )(x, W, deg2)

    acc = _build_agg()(ei, tail, z)

    oblk = 2048
    out = pl.pallas_call(
        _finish_kernel,
        grid=(NT // oblk,),
        in_specs=[
            pl.BlockSpec((NC, oblk, D), lambda i: (0, i, 0)),
            pl.BlockSpec((NC, NT // D, D), lambda i: (0, 0, 0)),
            pl.BlockSpec((1, D), lambda i: (0, 0)),
        ],
        out_specs=pl.BlockSpec((oblk, D), lambda i: (i, 0)),
        out_shape=jax.ShapeDtypeStruct((N, D), jnp.float32),
    )(acc.reshape(NC, NT, D), deg2, b.reshape(1, D))
    return out

# --- scband reference (transcript-rebuilt; emitter-appended) ---
"""Pipeline reference for scband-graph-sageconvolution-65128884076836 (READ-ONLY COPY).

The authoritative reference and input builder live on the scoring server;
editing this copy changes nothing except your own understanding.
"""

import jax, jax.numpy as jnp
import numpy as np

N = 10000
D_IN = 128
D_OUT = 128
E = 320000


def setup_inputs(seed: int = 0) -> dict:
    key = jax.random.key(seed)
    k1, k2, k3, k4 = jax.random.split(key, 4)
    x = jax.random.normal(k1, (N, D_IN), dtype=jnp.float32)
    edge_index = jax.random.randint(k2, (2, E), 0, N, dtype=jnp.int32)
    # nn.Linear(in_features, out_features) parameters
    W = jax.random.normal(k3, (D_OUT, D_IN), dtype=jnp.float32) * 0.05
    b = jax.random.normal(k4, (D_OUT,), dtype=jnp.float32) * 0.05
    return {"x": x, "edge_index": edge_index, "W": W, "b": b}


def reference(x, edge_index, W, b):
    # _make_adj: to_dense_adj(edge_index).squeeze(0) -- scatter-add of edges into dense NxN
    src = edge_index[0]
    dst = edge_index[1]
    adj = jnp.zeros((N, N), dtype=jnp.float32).at[src, dst].add(1.0)
    # D = diag(colsum(adj) ** -0.5); adj_normalized = D @ adj @ D
    deg = jnp.sum(adj, axis=0)
    d_inv_sqrt = deg ** (-0.5)
    adj_normalized = d_inv_sqrt[:, None] * adj * d_inv_sqrt[None, :]
    # mean aggregator path: x_neighbors = adj_normalized @ x
    x_neighbors = jnp.matmul(adj_normalized, x)
    x_concat = x_neighbors
    # out = self.linear(x_concat)
    out = jnp.matmul(x_concat, W.T) + b
    return out

if __name__ == "__main__":
    import jax
    _d = setup_inputs()
    print(jax.jit(kernel)(*tuple(_d.values())))

</pallas_src>

<mosaic_0001>
#map = affine_map<(d0, d1) -> (0, 0, 0)>
#map1 = affine_map<(d0, d1) -> (0, 0, 0, 0)>
#map2 = affine_map<(d0, d1) -> (0, 0)>
module attributes {stable_mosaic.version = 14 : i64} {
  func.func @agg(%arg0: i32, %arg1: i32, %arg2: memref<2x2500x128xi32, #tpu.memory_space<hbm>>, %arg3: memref<2x32x8x128xi32, #tpu.memory_space<hbm>>, %arg4: memref<10240x128xf32, #tpu.memory_space<hbm>>, %arg5: memref<20480x128xf32, #tpu.memory_space<hbm>>, %arg6: memref<40x128xi32, #tpu.memory_space<vmem>>, %arg7: memref<40x128xi32, #tpu.memory_space<vmem>>, %arg8: memref<128x128xf32, #tpu.memory_space<vmem>>, %arg9: memref<128x128xf32, #tpu.memory_space<vmem>>, %arg10: memref<10240x128xf32, #tpu.memory_space<vmem_shared>>, %arg11: memref<!tpu.dma_semaphore, #tpu.memory_space<semaphore_mem>>, %arg12: memref<!tpu.dma_semaphore, #tpu.memory_space<semaphore_mem>>) attributes {dimension_semantics = [#tpu.dimension_semantics<core_parallel>, #tpu.dimension_semantics<subcore_parallel>], iteration_bounds = array<i64: 2, 16>, scalar_prefetch = 0 : i64, scratch_operands = 7 : i64, tpu.core_type = #tpu.core_type<sc_vector_subcore>, window_params = [{transform_indices = #map}, {transform_indices = #map1}, {transform_indices = #map2}, {transform_indices = #map2}]} {
    %mul3A = arith.constant 16 : i32
    %mul3A_0 = arith.muli %arg0, %mul3A : i32
    %add3A = arith.addi %mul3A_0, %arg1 : i32
    %mul3A_1 = arith.constant 640 : i32
    %mul3A_2 = arith.muli %arg1, %mul3A_1 : i32
    %scan3A = arith.constant 0 : i32
    %scan3A_3 = arith.constant 0 : i32
    %scan3A_4 = arith.constant 128 : i32
    %scan3A_5 = arith.addi %scan3A_3, %scan3A_4 : i32
    %scan3A_6 = arith.constant 1 : i32
    scf.for %scan3A_109 = %scan3A_3 to %scan3A_5 step %scan3A_6  : i32 {
      %broadcast_in_dim3A = arith.constant 0.000000e+00 : f32
      %broadcast_in_dim3A_110 = vector.broadcast %broadcast_in_dim3A : f32 to vector<16xf32>
      %swap3A = arith.index_cast %scan3A_109 : i32 to index
      %swap3A_111 = arith.constant 0 : index
      %swap3A_112 = tpu.vector_load %arg8[%swap3A, %swap3A_111] {strides = array<i32>} : memref<128x128xf32, #tpu.memory_space<vmem>>, vector<1x16xf32>,
      %swap3A_113 = vector.shape_cast %swap3A_112 : vector<1x16xf32> to vector<16xf32>
      %swap3A_114 = vector.shape_cast %broadcast_in_dim3A_110 : vector<16xf32> to vector<1x16xf32>
      tpu.vector_store %arg8[%swap3A, %swap3A_111], %swap3A_114 {strides = array<i32>} : memref<128x128xf32, #tpu.memory_space<vmem>>, vector<1x16xf32>,
      %broadcast_in_dim3A_115 = arith.constant 0.000000e+00 : f32
      %broadcast_in_dim3A_116 = vector.broadcast %broadcast_in_dim3A_115 : f32 to vector<16xf32>
      %swap3A_117 = arith.index_cast %scan3A_109 : i32 to index
      %swap3A_118 = arith.constant 16 : index
      %swap3A_119 = tpu.vector_load %arg8[%swap3A_117, %swap3A_118] {strides = array<i32>} : memref<128x128xf32, #tpu.memory_space<vmem>>, vector<1x16xf32>,
      %swap3A_120 = vector.shape_cast %swap3A_119 : vector<1x16xf32> to vector<16xf32>
      %swap3A_121 = vector.shape_cast %broadcast_in_dim3A_116 : vector<16xf32> to vector<1x16xf32>
      tpu.vector_store %arg8[%swap3A_117, %swap3A_118], %swap3A_121 {strides = array<i32>} : memref<128x128xf32, #tpu.memory_space<vmem>>, vector<1x16xf32>,
      %broadcast_in_dim3A_122 = arith.constant 0.000000e+00 : f32
      %broadcast_in_dim3A_123 = vector.broadcast %broadcast_in_dim3A_122 : f32 to vector<16xf32>
      %swap3A_124 = arith.index_cast %scan3A_109 : i32 to index
      %swap3A_125 = arith.constant 32 : index
      %swap3A_126 = tpu.vector_load %arg8[%swap3A_124, %swap3A_125] {strides = array<i32>} : memref<128x128xf32, #tpu.memory_space<vmem>>, vector<1x16xf32>,
      %swap3A_127 = vector.shape_cast %swap3A_126 : vector<1x16xf32> to vector<16xf32>
      %swap3A_128 = vector.shape_cast %broadcast_in_dim3A_123 : vector<16xf32> to vector<1x16xf32>
      tpu.vector_store %arg8[%swap3A_124, %swap3A_125], %swap3A_128 {strides = array<i32>} : memref<128x128xf32, #tpu.memory_space<vmem>>, vector<1x16xf32>,
      %broadcast_in_dim3A_129 = arith.constant 0.000000e+00 : f32
      %broadcast_in_dim3A_130 = vector.broadcast %broadcast_in_dim3A_129 : f32 to vector<16xf32>
      %swap3A_131 = arith.index_cast %scan3A_109 : i32 to index
      %swap3A_132 = arith.constant 48 : index
      %swap3A_133 = tpu.vector_load %arg8[%swap3A_131, %swap3A_132] {strides = array<i32>} : memref<128x128xf32, #tpu.memory_space<vmem>>, vector<1x16xf32>,
      %swap3A_134 = vector.shape_cast %swap3A_133 : vector<1x16xf32> to vector<16xf32>
      %swap3A_135 = vector.shape_cast %broadcast_in_dim3A_130 : vector<16xf32> to vector<1x16xf32>
      tpu.vector_store %arg8[%swap3A_131, %swap3A_132], %swap3A_135 {strides = array<i32>} : memref<128x128xf32, #tpu.memory_space<vmem>>, vector<1x16xf32>,
      %broadcast_in_dim3A_136 = arith.constant 0.000000e+00 : f32
      %broadcast_in_dim3A_137 = vector.broadcast %broadcast_in_dim3A_136 : f32 to vector<16xf32>
      %swap3A_138 = arith.index_cast %scan3A_109 : i32 to index
      %swap3A_139 = arith.constant 64 : index
      %swap3A_140 = tpu.vector_load %arg8[%swap3A_138, %swap3A_139] {strides = array<i32>} : memref<128x128xf32, #tpu.memory_space<vmem>>, vector<1x16xf32>,
      %swap3A_141 = vector.shape_cast %swap3A_140 : vector<1x16xf32> to vector<16xf32>
      %swap3A_142 = vector.shape_cast %broadcast_in_dim3A_137 : vector<16xf32> to vector<1x16xf32>
      tpu.vector_store %arg8[%swap3A_138, %swap3A_139], %swap3A_142 {strides = array<i32>} : memref<128x128xf32, #tpu.memory_space<vmem>>, vector<1x16xf32>,
      %broadcast_in_dim3A_143 = arith.constant 0.000000e+00 : f32
      %broadcast_in_dim3A_144 = vector.broadcast %broadcast_in_dim3A_143 : f32 to vector<16xf32>
      %swap3A_145 = arith.index_cast %scan3A_109 : i32 to index
      %swap3A_146 = arith.constant 80 : index
      %swap3A_147 = tpu.vector_load %arg8[%swap3A_145, %swap3A_146] {strides = array<i32>} : memref<128x128xf32, #tpu.memory_space<vmem>>, vector<1x16xf32>,
      %swap3A_148 = vector.shape_cast %swap3A_147 : vector<1x16xf32> to vector<16xf32>
      %swap3A_149 = vector.shape_cast %broadcast_in_dim3A_144 : vector<16xf32> to vector<1x16xf32>
      tpu.vector_store %arg8[%swap3A_145, %swap3A_146], %swap3A_149 {strides = array<i32>} : memref<128x128xf32, #tpu.memory_space<vmem>>, vector<1x16xf32>,
      %broadcast_in_dim3A_150 = arith.constant 0.000000e+00 : f32
      %broadcast_in_dim3A_151 = vector.broadcast %broadcast_in_dim3A_150 : f32 to vector<16xf32>
      %swap3A_152 = arith.index_cast %scan3A_109 : i32 to index
      %swap3A_153 = arith.constant 96 : index
      %swap3A_154 = tpu.vector_load %arg8[%swap3A_152, %swap3A_153] {strides = array<i32>} : memref<128x128xf32, #tpu.memory_space<vmem>>, vector<1x16xf32>,
      %swap3A_155 = vector.shape_cast %swap3A_154 : vector<1x16xf32> to vector<16xf32>
      %swap3A_156 = vector.shape_cast %broadcast_in_dim3A_151 : vector<16xf32> to vector<1x16xf32>
      tpu.vector_store %arg8[%swap3A_152, %swap3A_153], %swap3A_156 {strides = array<i32>} : memref<128x128xf32, #tpu.memory_space<vmem>>, vector<1x16xf32>,
      %broadcast_in_dim3A_157 = arith.constant 0.000000e+00 : f32
      %broadcast_in_dim3A_158 = vector.broadcast %broadcast_in_dim3A_157 : f32 to vector<16xf32>
      %swap3A_159 = arith.index_cast %scan3A_109 : i32 to index
      %swap3A_160 = arith.constant 112 : index
      %swap3A_161 = tpu.vector_load %arg8[%swap3A_159, %swap3A_160] {strides = array<i32>} : memref<128x128xf32, #tpu.memory_space<vmem>>, vector<1x16xf32>,
      %swap3A_162 = vector.shape_cast %swap3A_161 : vector<1x16xf32> to vector<16xf32>
      %swap3A_163 = vector.shape_cast %broadcast_in_dim3A_158 : vector<16xf32> to vector<1x16xf32>
      tpu.vector_store %arg8[%swap3A_159, %swap3A_160], %swap3A_163 {strides = array<i32>} : memref<128x128xf32, #tpu.memory_space<vmem>>, vector<1x16xf32>,
    }
    %scan3A_7 = arith.constant 128 : i32
    %add3A_8 = arith.constant 0 : i32
    %add3A_9 = arith.addi %mul3A_2, %add3A_8 : i32
    "tpu.region"() ({
      %run_scoped3A_109 = tpu.sem_alloc : memref<!tpu.dma_semaphore, #tpu.memory_space<semaphore_mem>>
      %dma_start3A_110 = arith.constant 0 : i32
      %dma_start3A_111 = tpu.memref_slice %arg10[%add3A_9, %dma_start3A_110] : memref<10240x128xf32, #tpu.memory_space<vmem_shared>> -> memref<128x128xf32, #tpu.memory_space<vmem_shared>>
      %dma_start3A_112 = arith.constant 0 : i32
      %dma_start3A_113 = tpu.memref_slice %arg10[%add3A_9, %dma_start3A_112] : memref<10240x128xf32, #tpu.memory_space<vmem_shared>> -> memref<128x128xf32, #tpu.memory_space<vmem_shared>>
      tpu.enqueue_dma source(%arg8 : memref<128x128xf32, #tpu.memory_space<vmem>>) target(%dma_start3A_113 : memref<128x128xf32, #tpu.memory_space<vmem_shared>>) target_semaphore(%run_scoped3A_109 : memref<!tpu.dma_semaphore, #tpu.memory_space<semaphore_mem>>)
      %dma_wait3A_114 = arith.constant 0 : i32
      %dma_wait3A_115 = tpu.memref_slice %arg10[%add3A_9, %dma_wait3A_114] : memref<10240x128xf32, #tpu.memory_space<vmem_shared>> -> memref<128x128xf32, #tpu.memory_space<vmem_shared>>
      %dma_wait3A_116 = arith.constant 0 : i32
      %dma_wait3A_117 = tpu.memref_slice %arg10[%add3A_9, %dma_wait3A_116] : memref<10240x128xf32, #tpu.memory_space<vmem_shared>> -> memref<128x128xf32, #tpu.memory_space<vmem_shared>>
      tpu.wait_dma2 semaphore(%run_scoped3A_109 : memref<!tpu.dma_semaphore, #tpu.memory_space<semaphore_mem>>) src(%arg8 : memref<128x128xf32, #tpu.memory_space<vmem>>) dst(%dma_wait3A_117 : memref<128x128xf32, #tpu.memory_space<vmem_shared>>)
      tpu.yield
    }) : () -> ()
    %add3A_10 = arith.constant 128 : i32
    %add3A_11 = arith.addi %mul3A_2, %add3A_10 : i32
    "tpu.region"() ({
      %run_scoped3A_109 = tpu.sem_alloc : memref<!tpu.dma_semaphore, #tpu.memory_space<semaphore_mem>>
      %dma_start3A_110 = arith.constant 0 : i32
      %dma_start3A_111 = tpu.memref_slice %arg10[%add3A_11, %dma_start3A_110] : memref<10240x128xf32, #tpu.memory_space<vmem_shared>> -> memref<128x128xf32, #tpu.memory_space<vmem_shared>>
      %dma_start3A_112 = arith.constant 0 : i32
      %dma_start3A_113 = tpu.memref_slice %arg10[%add3A_11, %dma_start3A_112] : memref<10240x128xf32, #tpu.memory_space<vmem_shared>> -> memref<128x128xf32, #tpu.memory_space<vmem_shared>>
      tpu.enqueue_dma source(%arg8 : memref<128x128xf32, #tpu.memory_space<vmem>>) target(%dma_start3A_113 : memref<128x128xf32, #tpu.memory_space<vmem_shared>>) target_semaphore(%run_scoped3A_109 : memref<!tpu.dma_semaphore, #tpu.memory_space<semaphore_mem>>)
      %dma_wait3A_114 = arith.constant 0 : i32
      %dma_wait3A_115 = tpu.memref_slice %arg10[%add3A_11, %dma_wait3A_114] : memref<10240x128xf32, #tpu.memory_space<vmem_shared>> -> memref<128x128xf32, #tpu.memory_space<vmem_shared>>
      %dma_wait3A_116 = arith.constant 0 : i32
      %dma_wait3A_117 = tpu.memref_slice %arg10[%add3A_11, %dma_wait3A_116] : memref<10240x128xf32, #tpu.memory_space<vmem_shared>> -> memref<128x128xf32, #tpu.memory_space<vmem_shared>>
      tpu.wait_dma2 semaphore(%run_scoped3A_109 : memref<!tpu.dma_semaphore, #tpu.memory_space<semaphore_mem>>) src(%arg8 : memref<128x128xf32, #tpu.memory_space<vmem>>) dst(%dma_wait3A_117 : memref<128x128xf32, #tpu.memory_space<vmem_shared>>)
      tpu.yield
    }) : () -> ()
    %add3A_12 = arith.constant 256 : i32
    %add3A_13 = arith.addi %mul3A_2, %add3A_12 : i32
    "tpu.region"() ({
      %run_scoped3A_109 = tpu.sem_alloc : memref<!tpu.dma_semaphore, #tpu.memory_space<semaphore_mem>>
      %dma_start3A_110 = arith.constant 0 : i32
      %dma_start3A_111 = tpu.memref_slice %arg10[%add3A_13, %dma_start3A_110] : memref<10240x128xf32, #tpu.memory_space<vmem_shared>> -> memref<128x128xf32, #tpu.memory_space<vmem_shared>>
      %dma_start3A_112 = arith.constant 0 : i32
      %dma_start3A_113 = tpu.memref_slice %arg10[%add3A_13, %dma_start3A_112] : memref<10240x128xf32, #tpu.memory_space<vmem_shared>> -> memref<128x128xf32, #tpu.memory_space<vmem_shared>>
      tpu.enqueue_dma source(%arg8 : memref<128x128xf32, #tpu.memory_space<vmem>>) target(%dma_start3A_113 : memref<128x128xf32, #tpu.memory_space<vmem_shared>>) target_semaphore(%run_scoped3A_109 : memref<!tpu.dma_semaphore, #tpu.memory_space<semaphore_mem>>)
      %dma_wait3A_114 = arith.constant 0 : i32
      %dma_wait3A_115 = tpu.memref_slice %arg10[%add3A_13, %dma_wait3A_114] : memref<10240x128xf32, #tpu.memory_space<vmem_shared>> -> memref<128x128xf32, #tpu.memory_space<vmem_shared>>
      %dma_wait3A_116 = arith.constant 0 : i32
      %dma_wait3A_117 = tpu.memref_slice %arg10[%add3A_13, %dma_wait3A_116] : memref<10240x128xf32, #tpu.memory_space<vmem_shared>> -> memref<128x128xf32, #tpu.memory_space<vmem_shared>>
      tpu.wait_dma2 semaphore(%run_scoped3A_109 : memref<!tpu.dma_semaphore, #tpu.memory_space<semaphore_mem>>) src(%arg8 : memref<128x128xf32, #tpu.memory_space<vmem>>) dst(%dma_wait3A_117 : memref<128x128xf32, #tpu.memory_space<vmem_shared>>)
      tpu.yield
    }) : () -> ()
    %add3A_14 = arith.constant 384 : i32
    %add3A_15 = arith.addi %mul3A_2, %add3A_14 : i32
    "tpu.region"() ({
      %run_scoped3A_109 = tpu.sem_alloc : memref<!tpu.dma_semaphore, #tpu.memory_space<semaphore_mem>>
      %dma_start3A_110 = arith.constant 0 : i32
      %dma_start3A_111 = tpu.memref_slice %arg10[%add3A_15, %dma_start3A_110] : memref<10240x128xf32, #tpu.memory_space<vmem_shared>> -> memref<128x128xf32, #tpu.memory_space<vmem_shared>>
      %dma_start3A_112 = arith.constant 0 : i32
      %dma_start3A_113 = tpu.memref_slice %arg10[%add3A_15, %dma_start3A_112] : memref<10240x128xf32, #tpu.memory_space<vmem_shared>> -> memref<128x128xf32, #tpu.memory_space<vmem_shared>>
      tpu.enqueue_dma source(%arg8 : memref<128x128xf32, #tpu.memory_space<vmem>>) target(%dma_start3A_113 : memref<128x128xf32, #tpu.memory_space<vmem_shared>>) target_semaphore(%run_scoped3A_109 : memref<!tpu.dma_semaphore, #tpu.memory_space<semaphore_mem>>)
      %dma_wait3A_114 = arith.constant 0 : i32
      %dma_wait3A_115 = tpu.memref_slice %arg10[%add3A_15, %dma_wait3A_114] : memref<10240x128xf32, #tpu.memory_space<vmem_shared>> -> memref<128x128xf32, #tpu.memory_space<vmem_shared>>
      %dma_wait3A_116 = arith.constant 0 : i32
      %dma_wait3A_117 = tpu.memref_slice %arg10[%add3A_15, %dma_wait3A_116] : memref<10240x128xf32, #tpu.memory_space<vmem_shared>> -> memref<128x128xf32, #tpu.memory_space<vmem_shared>>
      tpu.wait_dma2 semaphore(%run_scoped3A_109 : memref<!tpu.dma_semaphore, #tpu.memory_space<semaphore_mem>>) src(%arg8 : memref<128x128xf32, #tpu.memory_space<vmem>>) dst(%dma_wait3A_117 : memref<128x128xf32, #tpu.memory_space<vmem_shared>>)
      tpu.yield
    }) : () -> ()
    %add3A_16 = arith.constant 512 : i32
    %add3A_17 = arith.addi %mul3A_2, %add3A_16 : i32
    "tpu.region"() ({
      %run_scoped3A_109 = tpu.sem_alloc : memref<!tpu.dma_semaphore, #tpu.memory_space<semaphore_mem>>
      %dma_start3A_110 = arith.constant 0 : i32
      %dma_start3A_111 = tpu.memref_slice %arg10[%add3A_17, %dma_start3A_110] : memref<10240x128xf32, #tpu.memory_space<vmem_shared>> -> memref<128x128xf32, #tpu.memory_space<vmem_shared>>
      %dma_start3A_112 = arith.constant 0 : i32
      %dma_start3A_113 = tpu.memref_slice %arg10[%add3A_17, %dma_start3A_112] : memref<10240x128xf32, #tpu.memory_space<vmem_shared>> -> memref<128x128xf32, #tpu.memory_space<vmem_shared>>
      tpu.enqueue_dma source(%arg8 : memref<128x128xf32, #tpu.memory_space<vmem>>) target(%dma_start3A_113 : memref<128x128xf32, #tpu.memory_space<vmem_shared>>) target_semaphore(%run_scoped3A_109 : memref<!tpu.dma_semaphore, #tpu.memory_space<semaphore_mem>>)
      %dma_wait3A_114 = arith.constant 0 : i32
      %dma_wait3A_115 = tpu.memref_slice %arg10[%add3A_17, %dma_wait3A_114] : memref<10240x128xf32, #tpu.memory_space<vmem_shared>> -> memref<128x128xf32, #tpu.memory_space<vmem_shared>>
      %dma_wait3A_116 = arith.constant 0 : i32
      %dma_wait3A_117 = tpu.memref_slice %arg10[%add3A_17, %dma_wait3A_116] : memref<10240x128xf32, #tpu.memory_space<vmem_shared>> -> memref<128x128xf32, #tpu.memory_space<vmem_shared>>
      tpu.wait_dma2 semaphore(%run_scoped3A_109 : memref<!tpu.dma_semaphore, #tpu.memory_space<semaphore_mem>>) src(%arg8 : memref<128x128xf32, #tpu.memory_space<vmem>>) dst(%dma_wait3A_117 : memref<128x128xf32, #tpu.memory_space<vmem_shared>>)
      tpu.yield
    }) : () -> ()
    %barrier3A = arith.constant 0 : index
    tpu.barrier barrier_id(%barrier3A)
    %mul3A_18 = arith.constant 72 : i32
    %mul3A_19 = arith.muli %add3A, %mul3A_18 : i32
    %run_scoped3A = arith.constant 1 : i32
    "tpu.region"() ({
      %run_scoped3A_109 = tpu.sem_alloc : memref<!tpu.dma_semaphore, #tpu.memory_space<semaphore_mem>>
      %dma_start3A_110 = arith.constant 0 : i32
      %dma_start3A_111 = tpu.memref_slice %arg2[%run_scoped3A, %mul3A_19, %dma_start3A_110] : memref<2x2500x128xi32, #tpu.memory_space<hbm>> -> memref<1x40x128xi32, #tpu.memory_space<hbm>>
      %dma_start3A_112 = tpu.memref_squeeze %dma_start3A_111 : memref<1x40x128xi32, #tpu.memory_space<hbm>> -> memref<40x128xi32, #tpu.memory_space<hbm>>
      %dma_start3A_113 = arith.constant 0 : i32
      %dma_start3A_114 = tpu.memref_slice %arg2[%run_scoped3A, %mul3A_19, %dma_start3A_113] : memref<2x2500x128xi32, #tpu.memory_space<hbm>> -> memref<1x40x128xi32, #tpu.memory_space<hbm>>
      %dma_start3A_115 = tpu.memref_squeeze %dma_start3A_114 : memref<1x40x128xi32, #tpu.memory_space<hbm>> -> memref<40x128xi32, #tpu.memory_space<hbm>>
      tpu.enqueue_dma source(%dma_start3A_115 : memref<40x128xi32, #tpu.memory_space<hbm>>) target(%arg6 : memref<40x128xi32, #tpu.memory_space<vmem>>) target_semaphore(%run_scoped3A_109 : memref<!tpu.dma_semaphore, #tpu.memory_space<semaphore_mem>>)
      %dma_wait3A_116 = arith.constant 0 : i32
      %dma_wait3A_117 = tpu.memref_slice %arg2[%run_scoped3A, %mul3A_19, %dma_wait3A_116] : memref<2x2500x128xi32, #tpu.memory_space<hbm>> -> memref<1x40x128xi32, #tpu.memory_space<hbm>>
      %dma_wait3A_118 = tpu.memref_squeeze %dma_wait3A_117 : memref<1x40x128xi32, #tpu.memory_space<hbm>> -> memref<40x128xi32, #tpu.memory_space<hbm>>
      %dma_wait3A_119 = arith.constant 0 : i32
      %dma_wait3A_120 = tpu.memref_slice %arg2[%run_scoped3A, %mul3A_19, %dma_wait3A_119] : memref<2x2500x128xi32, #tpu.memory_space<hbm>> -> memref<1x40x128xi32, #tpu.memory_space<hbm>>
      %dma_wait3A_121 = tpu.memref_squeeze %dma_wait3A_120 : memref<1x40x128xi32, #tpu.memory_space<hbm>> -> memref<40x128xi32, #tpu.memory_space<hbm>>
      tpu.wait_dma2 semaphore(%run_scoped3A_109 : memref<!tpu.dma_semaphore, #tpu.memory_space<semaphore_mem>>) src(%dma_wait3A_121 : memref<40x128xi32, #tpu.memory_space<hbm>>) dst(%arg6 : memref<40x128xi32, #tpu.memory_space<vmem>>)
      tpu.yield
    }) : () -> ()
    %mul3A_20 = arith.constant 72 : i32
    %mul3A_21 = arith.muli %add3A, %mul3A_20 : i32
    %run_scoped3A_22 = arith.constant 0 : i32
    "tpu.region"() ({
      %run_scoped3A_109 = tpu.sem_alloc : memref<!tpu.dma_semaphore, #tpu.memory_space<semaphore_mem>>
      %dma_start3A_110 = arith.constant 0 : i32
      %dma_start3A_111 = tpu.memref_slice %arg2[%run_scoped3A_22, %mul3A_21, %dma_start3A_110] : memref<2x2500x128xi32, #tpu.memory_space<hbm>> -> memref<1x40x128xi32, #tpu.memory_space<hbm>>
      %dma_start3A_112 = tpu.memref_squeeze %dma_start3A_111 : memref<1x40x128xi32, #tpu.memory_space<hbm>> -> memref<40x128xi32, #tpu.memory_space<hbm>>
      %dma_start3A_113 = arith.constant 0 : i32
      %dma_start3A_114 = tpu.memref_slice %arg2[%run_scoped3A_22, %mul3A_21, %dma_start3A_113] : memref<2x2500x128xi32, #tpu.memory_space<hbm>> -> memref<1x40x128xi32, #tpu.memory_space<hbm>>
      %dma_start3A_115 = tpu.memref_squeeze %dma_start3A_114 : memref<1x40x128xi32, #tpu.memory_space<hbm>> -> memref<40x128xi32, #tpu.memory_space<hbm>>
      tpu.enqueue_dma source(%dma_start3A_115 : memref<40x128xi32, #tpu.memory_space<hbm>>) target(%arg7 : memref<40x128xi32, #tpu.memory_space<vmem>>) target_semaphore(%run_scoped3A_109 : memref<!tpu.dma_semaphore, #tpu.memory_space<semaphore_mem>>)
      %dma_wait3A_116 = arith.constant 0 : i32
      %dma_wait3A_117 = tpu.memref_slice %arg2[%run_scoped3A_22, %mul3A_21, %dma_wait3A_116] : memref<2x2500x128xi32, #tpu.memory_space<hbm>> -> memref<1x40x128xi32, #tpu.memory_space<hbm>>
      %dma_wait3A_118 = tpu.memref_squeeze %dma_wait3A_117 : memref<1x40x128xi32, #tpu.memory_space<hbm>> -> memref<40x128xi32, #tpu.memory_space<hbm>>
      %dma_wait3A_119 = arith.constant 0 : i32
      %dma_wait3A_120 = tpu.memref_slice %arg2[%run_scoped3A_22, %mul3A_21, %dma_wait3A_119] : memref<2x2500x128xi32, #tpu.memory_space<hbm>> -> memref<1x40x128xi32, #tpu.memory_space<hbm>>
      %dma_wait3A_121 = tpu.memref_squeeze %dma_wait3A_120 : memref<1x40x128xi32, #tpu.memory_space<hbm>> -> memref<40x128xi32, #tpu.memory_space<hbm>>
      tpu.wait_dma2 semaphore(%run_scoped3A_109 : memref<!tpu.dma_semaphore, #tpu.memory_space<semaphore_mem>>) src(%dma_wait3A_121 : memref<40x128xi32, #tpu.memory_space<hbm>>) dst(%arg7 : memref<40x128xi32, #tpu.memory_space<vmem>>)
      tpu.yield
    }) : () -> ()
    %dma_start3A = arith.constant 0 : i32
    %dma_start3A_23 = arith.constant 0 : i32
    %dma_start3A_24 = tpu.memref_slice %arg6[%dma_start3A, %dma_start3A_23] : memref<40x128xi32, #tpu.memory_space<vmem>> -> memref<1x128xi32, #tpu.memory_space<vmem>>
    %dma_start3A_25 = tpu.memref_squeeze %dma_start3A_24 : memref<1x128xi32, #tpu.memory_space<vmem>> -> memref<128xi32, #tpu.memory_space<vmem>>
    %dma_start3A_26 = arith.constant 0 : i32
    %dma_start3A_27 = arith.constant 0 : i32
    %dma_start3A_28 = tpu.memref_slice %arg4[%dma_start3A_26, %dma_start3A_27] : memref<10240x128xf32, #tpu.memory_space<hbm>> -> memref<10240x128xf32, #tpu.memory_space<hbm>>
    tpu.enqueue_indirect_dma source(%dma_start3A_28 : memref<10240x128xf32, #tpu.memory_space<hbm>>) target(%arg8 : memref<128x128xf32, #tpu.memory_space<vmem>>) offsets(%dma_start3A_25 : memref<128xi32, #tpu.memory_space<vmem>>) semaphore(%arg11 : memref<!tpu.dma_semaphore, #tpu.memory_space<semaphore_mem>>)
    %scan3A_29 = arith.constant 0 : i32
    %scan3A_30 = arith.constant 0 : i32
    %scan3A_31 = arith.constant 19 : i32
    %scan3A_32 = arith.addi %scan3A_30, %scan3A_31 : i32
    %scan3A_33 = arith.constant 1 : i32
    scf.for %scan3A_109 = %scan3A_30 to %scan3A_32 step %scan3A_33  : i32 {
      %mul3A_110 = arith.constant 2 : i32
      %mul3A_111 = arith.muli %scan3A_109, %mul3A_110 : i32
      %add3A_112 = arith.constant 1 : i32
      %add3A_113 = arith.addi %mul3A_111, %add3A_112 : i32
      %dma_start3A_114 = arith.constant 0 : i32
      %dma_start3A_115 = tpu.memref_slice %arg6[%add3A_113, %dma_start3A_114] : memref<40x128xi32, #tpu.memory_space<vmem>> -> memref<1x128xi32, #tpu.memory_space<vmem>>
      %dma_start3A_116 = tpu.memref_squeeze %dma_start3A_115 : memref<1x128xi32, #tpu.memory_space<vmem>> -> memref<128xi32, #tpu.memory_space<vmem>>
      %dma_start3A_117 = arith.constant 0 : i32
      %dma_start3A_118 = arith.constant 0 : i32
      %dma_start3A_119 = tpu.memref_slice %arg4[%dma_start3A_117, %dma_start3A_118] : memref<10240x128xf32, #tpu.memory_space<hbm>> -> memref<10240x128xf32, #tpu.memory_space<hbm>>
      tpu.enqueue_indirect_dma source(%dma_start3A_119 : memref<10240x128xf32, #tpu.memory_space<hbm>>) target(%arg9 : memref<128x128xf32, #tpu.memory_space<vmem>>) offsets(%dma_start3A_116 : memref<128xi32, #tpu.memory_space<vmem>>) semaphore(%arg12 : memref<!tpu.dma_semaphore, #tpu.memory_space<semaphore_mem>>)
      %dma_wait3A_120 = arith.constant 0 : i32
      %dma_wait3A_121 = tpu.memref_slice %arg6[%mul3A_111, %dma_wait3A_120] : memref<40x128xi32, #tpu.memory_space<vmem>> -> memref<1x128xi32, #tpu.memory_space<vmem>>
      %dma_wait3A_122 = tpu.memref_squeeze %dma_wait3A_121 : memref<1x128xi32, #tpu.memory_space<vmem>> -> memref<128xi32, #tpu.memory_space<vmem>>
      %dma_wait3A_123 = arith.constant 0 : i32
      %dma_wait3A_124 = arith.constant 0 : i32
      %dma_wait3A_125 = tpu.memref_slice %arg4[%dma_wait3A_123, %dma_wait3A_124] : memref<10240x128xf32, #tpu.memory_space<hbm>> -> memref<10240x128xf32, #tpu.memory_space<hbm>>
      tpu.wait_indirect_dma semaphore(%arg11 : memref<!tpu.dma_semaphore, #tpu.memory_space<semaphore_mem>>) src(%dma_wait3A_125 : memref<10240x128xf32, #tpu.memory_space<hbm>>) dst(%arg8 : memref<128x128xf32, #tpu.memory_space<vmem>>)
      "tpu.region"() ({
        %run_scoped3A_140 = tpu.sem_alloc : memref<!tpu.dma_semaphore, #tpu.memory_space<semaphore_mem>>
        %dma_start3A_141 = arith.constant 0 : i32
        %dma_start3A_142 = tpu.memref_slice %arg7[%mul3A_111, %dma_start3A_141] : memref<40x128xi32, #tpu.memory_space<vmem>> -> memref<1x128xi32, #tpu.memory_space<vmem>>
        %dma_start3A_143 = tpu.memref_squeeze %dma_start3A_142 : memref<1x128xi32, #tpu.memory_space<vmem>> -> memref<128xi32, #tpu.memory_space<vmem>>
        %dma_start3A_144 = arith.constant 0 : i32
        %dma_start3A_145 = arith.constant 0 : i32
        %dma_start3A_146 = tpu.memref_slice %arg10[%dma_start3A_144, %dma_start3A_145] : memref<10240x128xf32, #tpu.memory_space<vmem_shared>> -> memref<10240x128xf32, #tpu.memory_space<vmem_shared>>
        tpu.enqueue_indirect_dma source(%arg8 : memref<128x128xf32, #tpu.memory_space<vmem>>) target(%dma_start3A_146 : memref<10240x128xf32, #tpu.memory_space<vmem_shared>>) offsets(%dma_start3A_143 : memref<128xi32, #tpu.memory_space<vmem>>) semaphore(%run_scoped3A_140 : memref<!tpu.dma_semaphore, #tpu.memory_space<semaphore_mem>>) {add = true}
        %dma_wait3A_147 = arith.constant 0 : i32
        %dma_wait3A_148 = tpu.memref_slice %arg7[%mul3A_111, %dma_wait3A_147] : memref<40x128xi32, #tpu.memory_space<vmem>> -> memref<1x128xi32, #tpu.memory_space<vmem>>
        %dma_wait3A_149 = tpu.memref_squeeze %dma_wait3A_148 : memref<1x128xi32, #tpu.memory_space<vmem>> -> memref<128xi32, #tpu.memory_space<vmem>>
        %dma_wait3A_150 = arith.constant 0 : i32
        %dma_wait3A_151 = arith.constant 0 : i32
        %dma_wait3A_152 = tpu.memref_slice %arg10[%dma_wait3A_150, %dma_wait3A_151] : memref<10240x128xf32, #tpu.memory_space<vmem_shared>> -> memref<10240x128xf32, #tpu.memory_space<vmem_shared>>
        tpu.wait_indirect_dma semaphore(%run_scoped3A_140 : memref<!tpu.dma_semaphore, #tpu.memory_space<semaphore_mem>>) src(%arg8 : memref<128x128xf32, #tpu.memory_space<vmem>>) dst(%dma_wait3A_152 : memref<10240x128xf32, #tpu.memory_space<vmem_shared>>)
        tpu.yield
      }) : () -> ()
      %add3A_126 = arith.constant 1 : i32
      %add3A_127 = arith.addi %add3A_113, %add3A_126 : i32
      %dma_start3A_128 = arith.constant 0 : i32
      %dma_start3A_129 = tpu.memref_slice %arg6[%add3A_127, %dma_start3A_128] : memref<40x128xi32, #tpu.memory_space<vmem>> -> memref<1x128xi32, #tpu.memory_space<vmem>>
      %dma_start3A_130 = tpu.memref_squeeze %dma_start3A_129 : memref<1x128xi32, #tpu.memory_space<vmem>> -> memref<128xi32, #tpu.memory_space<vmem>>
      %dma_start3A_131 = arith.constant 0 : i32
      %dma_start3A_132 = arith.constant 0 : i32
      %dma_start3A_133 = tpu.memref_slice %arg4[%dma_start3A_131, %dma_start3A_132] : memref<10240x128xf32, #tpu.memory_space<hbm>> -> memref<10240x128xf32, #tpu.memory_space<hbm>>
      tpu.enqueue_indirect_dma source(%dma_start3A_133 : memref<10240x128xf32, #tpu.memory_space<hbm>>) target(%arg8 : memref<128x128xf32, #tpu.memory_space<vmem>>) offsets(%dma_start3A_130 : memref<128xi32, #tpu.memory_space<vmem>>) semaphore(%arg11 : memref<!tpu.dma_semaphore, #tpu.memory_space<semaphore_mem>>)
      %dma_wait3A_134 = arith.constant 0 : i32
      %dma_wait3A_135 = tpu.memref_slice %arg6[%add3A_113, %dma_wait3A_134] : memref<40x128xi32, #tpu.memory_space<vmem>> -> memref<1x128xi32, #tpu.memory_space<vmem>>
      %dma_wait3A_136 = tpu.memref_squeeze %dma_wait3A_135 : memref<1x128xi32, #tpu.memory_space<vmem>> -> memref<128xi32, #tpu.memory_space<vmem>>
      %dma_wait3A_137 = arith.constant 0 : i32
      %dma_wait3A_138 = arith.constant 0 : i32
      %dma_wait3A_139 = tpu.memref_slice %arg4[%dma_wait3A_137, %dma_wait3A_138] : memref<10240x128xf32, #tpu.memory_space<hbm>> -> memref<10240x128xf32, #tpu.memory_space<hbm>>
      tpu.wait_indirect_dma semaphore(%arg12 : memref<!tpu.dma_semaphore, #tpu.memory_space<semaphore_mem>>) src(%dma_wait3A_139 : memref<10240x128xf32, #tpu.memory_space<hbm>>) dst(%arg9 : memref<128x128xf32, #tpu.memory_space<vmem>>)
      "tpu.region"() ({
        %run_scoped3A_140 = tpu.sem_alloc : memref<!tpu.dma_semaphore, #tpu.memory_space<semaphore_mem>>
        %dma_start3A_141 = arith.constant 0 : i32
        %dma_start3A_142 = tpu.memref_slice %arg7[%add3A_113, %dma_start3A_141] : memref<40x128xi32, #tpu.memory_space<vmem>> -> memref<1x128xi32, #tpu.memory_space<vmem>>
        %dma_start3A_143 = tpu.memref_squeeze %dma_start3A_142 : memref<1x128xi32, #tpu.memory_space<vmem>> -> memref<128xi32, #tpu.memory_space<vmem>>
        %dma_start3A_144 = arith.constant 0 : i32
        %dma_start3A_145 = arith.constant 0 : i32
        %dma_start3A_146 = tpu.memref_slice %arg10[%dma_start3A_144, %dma_start3A_145] : memref<10240x128xf32, #tpu.memory_space<vmem_shared>> -> memref<10240x128xf32, #tpu.memory_space<vmem_shared>>
        tpu.enqueue_indirect_dma source(%arg9 : memref<128x128xf32, #tpu.memory_space<vmem>>) target(%dma_start3A_146 : memref<10240x128xf32, #tpu.memory_space<vmem_shared>>) offsets(%dma_start3A_143 : memref<128xi32, #tpu.memory_space<vmem>>) semaphore(%run_scoped3A_140 : memref<!tpu.dma_semaphore, #tpu.memory_space<semaphore_mem>>) {add = true}
        %dma_wait3A_147 = arith.constant 0 : i32
        %dma_wait3A_148 = tpu.memref_slice %arg7[%add3A_113, %dma_wait3A_147] : memref<40x128xi32, #tpu.memory_space<vmem>> -> memref<1x128xi32, #tpu.memory_space<vmem>>
        %dma_wait3A_149 = tpu.memref_squeeze %dma_wait3A_148 : memref<1x128xi32, #tpu.memory_space<vmem>> -> memref<128xi32, #tpu.memory_space<vmem>>
        %dma_wait3A_150 = arith.constant 0 : i32
        %dma_wait3A_151 = arith.constant 0 : i32
        %dma_wait3A_152 = tpu.memref_slice %arg10[%dma_wait3A_150, %dma_wait3A_151] : memref<10240x128xf32, #tpu.memory_space<vmem_shared>> -> memref<10240x128xf32, #tpu.memory_space<vmem_shared>>
        tpu.wait_indirect_dma semaphore(%run_scoped3A_140 : memref<!tpu.dma_semaphore, #tpu.memory_space<semaphore_mem>>) src(%arg9 : memref<128x128xf32, #tpu.memory_space<vmem>>) dst(%dma_wait3A_152 : memref<10240x128xf32, #tpu.memory_space<vmem_shared>>)
        tpu.yield
      }) : () -> ()
    }
    %scan3A_34 = arith.constant 19 : i32
    %dma_start3A_35 = arith.constant 39 : i32
    %dma_start3A_36 = arith.constant 0 : i32
    %dma_start3A_37 = tpu.memref_slice %arg6[%dma_start3A_35, %dma_start3A_36] : memref<40x128xi32, #tpu.memory_space<vmem>> -> memref<1x128xi32, #tpu.memory_space<vmem>>
    %dma_start3A_38 = tpu.memref_squeeze %dma_start3A_37 : memref<1x128xi32, #tpu.memory_space<vmem>> -> memref<128xi32, #tpu.memory_space<vmem>>
    %dma_start3A_39 = arith.constant 0 : i32
    %dma_start3A_40 = arith.constant 0 : i32
    %dma_start3A_41 = tpu.memref_slice %arg4[%dma_start3A_39, %dma_start3A_40] : memref<10240x128xf32, #tpu.memory_space<hbm>> -> memref<10240x128xf32, #tpu.memory_space<hbm>>
    tpu.enqueue_indirect_dma source(%dma_start3A_41 : memref<10240x128xf32, #tpu.memory_space<hbm>>) target(%arg9 : memref<128x128xf32, #tpu.memory_space<vmem>>) offsets(%dma_start3A_38 : memref<128xi32, #tpu.memory_space<vmem>>) semaphore(%arg12 : memref<!tpu.dma_semaphore, #tpu.memory_space<semaphore_mem>>)
    %dma_wait3A = arith.constant 38 : i32
    %dma_wait3A_42 = arith.constant 0 : i32
    %dma_wait3A_43 = tpu.memref_slice %arg6[%dma_wait3A, %dma_wait3A_42] : memref<40x128xi32, #tpu.memory_space<vmem>> -> memref<1x128xi32, #tpu.memory_space<vmem>>
    %dma_wait3A_44 = tpu.memref_squeeze %dma_wait3A_43 : memref<1x128xi32, #tpu.memory_space<vmem>> -> memref<128xi32, #tpu.memory_space<vmem>>
    %dma_wait3A_45 = arith.constant 0 : i32
    %dma_wait3A_46 = arith.constant 0 : i32
    %dma_wait3A_47 = tpu.memref_slice %arg4[%dma_wait3A_45, %dma_wait3A_46] : memref<10240x128xf32, #tpu.memory_space<hbm>> -> memref<10240x128xf32, #tpu.memory_space<hbm>>
    tpu.wait_indirect_dma semaphore(%arg11 : memref<!tpu.dma_semaphore, #tpu.memory_space<semaphore_mem>>) src(%dma_wait3A_47 : memref<10240x128xf32, #tpu.memory_space<hbm>>) dst(%arg8 : memref<128x128xf32, #tpu.memory_space<vmem>>)
    %run_scoped3A_48 = arith.constant 38 : i32
    "tpu.region"() ({
      %run_scoped3A_109 = tpu.sem_alloc : memref<!tpu.dma_semaphore, #tpu.memory_space<semaphore_mem>>
      %dma_start3A_110 = arith.constant 0 : i32
      %dma_start3A_111 = tpu.memref_slice %arg7[%run_scoped3A_48, %dma_start3A_110] : memref<40x128xi32, #tpu.memory_space<vmem>> -> memref<1x128xi32, #tpu.memory_space<vmem>>
      %dma_start3A_112 = tpu.memref_squeeze %dma_start3A_111 : memref<1x128xi32, #tpu.memory_space<vmem>> -> memref<128xi32, #tpu.memory_space<vmem>>
      %dma_start3A_113 = arith.constant 0 : i32
      %dma_start3A_114 = arith.constant 0 : i32
      %dma_start3A_115 = tpu.memref_slice %arg10[%dma_start3A_113, %dma_start3A_114] : memref<10240x128xf32, #tpu.memory_space<vmem_shared>> -> memref<10240x128xf32, #tpu.memory_space<vmem_shared>>
      tpu.enqueue_indirect_dma source(%arg8 : memref<128x128xf32, #tpu.memory_space<vmem>>) target(%dma_start3A_115 : memref<10240x128xf32, #tpu.memory_space<vmem_shared>>) offsets(%dma_start3A_112 : memref<128xi32, #tpu.memory_space<vmem>>) semaphore(%run_scoped3A_109 : memref<!tpu.dma_semaphore, #tpu.memory_space<semaphore_mem>>) {add = true}
      %dma_wait3A_116 = arith.constant 0 : i32
      %dma_wait3A_117 = tpu.memref_slice %arg7[%run_scoped3A_48, %dma_wait3A_116] : memref<40x128xi32, #tpu.memory_space<vmem>> -> memref<1x128xi32, #tpu.memory_space<vmem>>
      %dma_wait3A_118 = tpu.memref_squeeze %dma_wait3A_117 : memref<1x128xi32, #tpu.memory_space<vmem>> -> memref<128xi32, #tpu.memory_space<vmem>>
      %dma_wait3A_119 = arith.constant 0 : i32
      %dma_wait3A_120 = arith.constant 0 : i32
      %dma_wait3A_121 = tpu.memref_slice %arg10[%dma_wait3A_119, %dma_wait3A_120] : memref<10240x128xf32, #tpu.memory_space<vmem_shared>> -> memref<10240x128xf32, #tpu.memory_space<vmem_shared>>
      tpu.wait_indirect_dma semaphore(%run_scoped3A_109 : memref<!tpu.dma_semaphore, #tpu.memory_space<semaphore_mem>>) src(%arg8 : memref<128x128xf32, #tpu.memory_space<vmem>>) dst(%dma_wait3A_121 : memref<10240x128xf32, #tpu.memory_space<vmem_shared>>)
      tpu.yield
    }) : () -> ()
    %dma_wait3A_49 = arith.constant 39 : i32
    %dma_wait3A_50 = arith.constant 0 : i32
    %dma_wait3A_51 = tpu.memref_slice %arg6[%dma_wait3A_49, %dma_wait3A_50] : memref<40x128xi32, #tpu.memory_space<vmem>> -> memref<1x128xi32, #tpu.memory_space<vmem>>
    %dma_wait3A_52 = tpu.memref_squeeze %dma_wait3A_51 : memref<1x128xi32, #tpu.memory_space<vmem>> -> memref<128xi32, #tpu.memory_space<vmem>>
    %dma_wait3A_53 = arith.constant 0 : i32
    %dma_wait3A_54 = arith.constant 0 : i32
    %dma_wait3A_55 = tpu.memref_slice %arg4[%dma_wait3A_53, %dma_wait3A_54] : memref<10240x128xf32, #tpu.memory_space<hbm>> -> memref<10240x128xf32, #tpu.memory_space<hbm>>
    tpu.wait_indirect_dma semaphore(%arg12 : memref<!tpu.dma_semaphore, #tpu.memory_space<semaphore_mem>>) src(%dma_wait3A_55 : memref<10240x128xf32, #tpu.memory_space<hbm>>) dst(%arg9 : memref<128x128xf32, #tpu.memory_space<vmem>>)
    %run_scoped3A_56 = arith.constant 39 : i32
    "tpu.region"() ({
      %run_scoped3A_109 = tpu.sem_alloc : memref<!tpu.dma_semaphore, #tpu.memory_space<semaphore_mem>>
      %dma_start3A_110 = arith.constant 0 : i32
      %dma_start3A_111 = tpu.memref_slice %arg7[%run_scoped3A_56, %dma_start3A_110] : memref<40x128xi32, #tpu.memory_space<vmem>> -> memref<1x128xi32, #tpu.memory_space<vmem>>
      %dma_start3A_112 = tpu.memref_squeeze %dma_start3A_111 : memref<1x128xi32, #tpu.memory_space<vmem>> -> memref<128xi32, #tpu.memory_space<vmem>>
      %dma_start3A_113 = arith.constant 0 : i32
      %dma_start3A_114 = arith.constant 0 : i32
      %dma_start3A_115 = tpu.memref_slice %arg10[%dma_start3A_113, %dma_start3A_114] : memref<10240x128xf32, #tpu.memory_space<vmem_shared>> -> memref<10240x128xf32, #tpu.memory_space<vmem_shared>>
      tpu.enqueue_indirect_dma source(%arg9 : memref<128x128xf32, #tpu.memory_space<vmem>>) target(%dma_start3A_115 : memref<10240x128xf32, #tpu.memory_space<vmem_shared>>) offsets(%dma_start3A_112 : memref<128xi32, #tpu.memory_space<vmem>>) semaphore(%run_scoped3A_109 : memref<!tpu.dma_semaphore, #tpu.memory_space<semaphore_mem>>) {add = true}
      %dma_wait3A_116 = arith.constant 0 : i32
      %dma_wait3A_117 = tpu.memref_slice %arg7[%run_scoped3A_56, %dma_wait3A_116] : memref<40x128xi32, #tpu.memory_space<vmem>> -> memref<1x128xi32, #tpu.memory_space<vmem>>
      %dma_wait3A_118 = tpu.memref_squeeze %dma_wait3A_117 : memref<1x128xi32, #tpu.memory_space<vmem>> -> memref<128xi32, #tpu.memory_space<vmem>>
      %dma_wait3A_119 = arith.constant 0 : i32
      %dma_wait3A_120 = arith.constant 0 : i32
      %dma_wait3A_121 = tpu.memref_slice %arg10[%dma_wait3A_119, %dma_wait3A_120] : memref<10240x128xf32, #tpu.memory_space<vmem_shared>> -> memref<10240x128xf32, #tpu.memory_space<vmem_shared>>
      tpu.wait_indirect_dma semaphore(%run_scoped3A_109 : memref<!tpu.dma_semaphore, #tpu.memory_space<semaphore_mem>>) src(%arg9 : memref<128x128xf32, #tpu.memory_space<vmem>>) dst(%dma_wait3A_121 : memref<10240x128xf32, #tpu.memory_space<vmem_shared>>)
      tpu.yield
    }) : () -> ()
    %mul3A_57 = arith.constant 72 : i32
    %mul3A_58 = arith.muli %add3A, %mul3A_57 : i32
    %add3A_59 = arith.constant 40 : i32
    %add3A_60 = arith.addi %mul3A_58, %add3A_59 : i32
    %run_scoped3A_61 = arith.constant 1 : i32
    "tpu.region"() ({
      %run_scoped3A_109 = tpu.sem_alloc : memref<!tpu.dma_semaphore, #tpu.memory_space<semaphore_mem>>
      %dma_start3A_110 = arith.constant 0 : i32
      %dma_start3A_111 = arith.constant 0 : i32
      %dma_start3A_112 = tpu.memref_slice %arg6[%dma_start3A_110, %dma_start3A_111] : memref<40x128xi32, #tpu.memory_space<vmem>> -> memref<32x128xi32, #tpu.memory_space<vmem>>
      %dma_start3A_113 = arith.constant 0 : i32
      %dma_start3A_114 = tpu.memref_slice %arg2[%run_scoped3A_61, %add3A_60, %dma_start3A_113] : memref<2x2500x128xi32, #tpu.memory_space<hbm>> -> memref<1x32x128xi32, #tpu.memory_space<hbm>>
      %dma_start3A_115 = tpu.memref_squeeze %dma_start3A_114 : memref<1x32x128xi32, #tpu.memory_space<hbm>> -> memref<32x128xi32, #tpu.memory_space<hbm>>
      %dma_start3A_116 = arith.constant 0 : i32
      %dma_start3A_117 = arith.constant 0 : i32
      %dma_start3A_118 = tpu.memref_slice %arg6[%dma_start3A_116, %dma_start3A_117] : memref<40x128xi32, #tpu.memory_space<vmem>> -> memref<32x128xi32, #tpu.memory_space<vmem>>
      %dma_start3A_119 = arith.constant 0 : i32
      %dma_start3A_120 = tpu.memref_slice %arg2[%run_scoped3A_61, %add3A_60, %dma_start3A_119] : memref<2x2500x128xi32, #tpu.memory_space<hbm>> -> memref<1x32x128xi32, #tpu.memory_space<hbm>>
      %dma_start3A_121 = tpu.memref_squeeze %dma_start3A_120 : memref<1x32x128xi32, #tpu.memory_space<hbm>> -> memref<32x128xi32, #tpu.memory_space<hbm>>
      tpu.enqueue_dma source(%dma_start3A_121 : memref<32x128xi32, #tpu.memory_space<hbm>>) target(%dma_start3A_118 : memref<32x128xi32, #tpu.memory_space<vmem>>) target_semaphore(%run_scoped3A_109 : memref<!tpu.dma_semaphore, #tpu.memory_space<semaphore_mem>>)
      %dma_wait3A_122 = arith.constant 0 : i32
      %dma_wait3A_123 = arith.constant 0 : i32
      %dma_wait3A_124 = tpu.memref_slice %arg6[%dma_wait3A_122, %dma_wait3A_123] : memref<40x128xi32, #tpu.memory_space<vmem>> -> memref<32x128xi32, #tpu.memory_space<vmem>>
      %dma_wait3A_125 = arith.constant 0 : i32
      %dma_wait3A_126 = tpu.memref_slice %arg2[%run_scoped3A_61, %add3A_60, %dma_wait3A_125] : memref<2x2500x128xi32, #tpu.memory_space<hbm>> -> memref<1x32x128xi32, #tpu.memory_space<hbm>>
      %dma_wait3A_127 = tpu.memref_squeeze %dma_wait3A_126 : memref<1x32x128xi32, #tpu.memory_space<hbm>> -> memref<32x128xi32, #tpu.memory_space<hbm>>
      %dma_wait3A_128 = arith.constant 0 : i32
      %dma_wait3A_129 = arith.constant 0 : i32
      %dma_wait3A_130 = tpu.memref_slice %arg6[%dma_wait3A_128, %dma_wait3A_129] : memref<40x128xi32, #tpu.memory_space<vmem>> -> memref<32x128xi32, #tpu.memory_space<vmem>>
      %dma_wait3A_131 = arith.constant 0 : i32
      %dma_wait3A_132 = tpu.memref_slice %arg2[%run_scoped3A_61, %add3A_60, %dma_wait3A_131] : memref<2x2500x128xi32, #tpu.memory_space<hbm>> -> memref<1x32x128xi32, #tpu.memory_space<hbm>>
      %dma_wait3A_133 = tpu.memref_squeeze %dma_wait3A_132 : memref<1x32x128xi32, #tpu.memory_space<hbm>> -> memref<32x128xi32, #tpu.memory_space<hbm>>
      tpu.wait_dma2 semaphore(%run_scoped3A_109 : memref<!tpu.dma_semaphore, #tpu.memory_space<semaphore_mem>>) src(%dma_wait3A_133 : memref<32x128xi32, #tpu.memory_space<hbm>>) dst(%dma_wait3A_130 : memref<32x128xi32, #tpu.memory_space<vmem>>)
      tpu.yield
    }) : () -> ()
    %mul3A_62 = arith.constant 72 : i32
    %mul3A_63 = arith.muli %add3A, %mul3A_62 : i32
    %add3A_64 = arith.constant 40 : i32
    %add3A_65 = arith.addi %mul3A_63, %add3A_64 : i32
    %run_scoped3A_66 = arith.constant 0 : i32
    "tpu.region"() ({
      %run_scoped3A_109 = tpu.sem_alloc : memref<!tpu.dma_semaphore, #tpu.memory_space<semaphore_mem>>
      %dma_start3A_110 = arith.constant 0 : i32
      %dma_start3A_111 = arith.constant 0 : i32
      %dma_start3A_112 = tpu.memref_slice %arg7[%dma_start3A_110, %dma_start3A_111] : memref<40x128xi32, #tpu.memory_space<vmem>> -> memref<32x128xi32, #tpu.memory_space<vmem>>
      %dma_start3A_113 = arith.constant 0 : i32
      %dma_start3A_114 = tpu.memref_slice %arg2[%run_scoped3A_66, %add3A_65, %dma_start3A_113] : memref<2x2500x128xi32, #tpu.memory_space<hbm>> -> memref<1x32x128xi32, #tpu.memory_space<hbm>>
      %dma_start3A_115 = tpu.memref_squeeze %dma_start3A_114 : memref<1x32x128xi32, #tpu.memory_space<hbm>> -> memref<32x128xi32, #tpu.memory_space<hbm>>
      %dma_start3A_116 = arith.constant 0 : i32
      %dma_start3A_117 = arith.constant 0 : i32
      %dma_start3A_118 = tpu.memref_slice %arg7[%dma_start3A_116, %dma_start3A_117] : memref<40x128xi32, #tpu.memory_space<vmem>> -> memref<32x128xi32, #tpu.memory_space<vmem>>
      %dma_start3A_119 = arith.constant 0 : i32
      %dma_start3A_120 = tpu.memref_slice %arg2[%run_scoped3A_66, %add3A_65, %dma_start3A_119] : memref<2x2500x128xi32, #tpu.memory_space<hbm>> -> memref<1x32x128xi32, #tpu.memory_space<hbm>>
      %dma_start3A_121 = tpu.memref_squeeze %dma_start3A_120 : memref<1x32x128xi32, #tpu.memory_space<hbm>> -> memref<32x128xi32, #tpu.memory_space<hbm>>
      tpu.enqueue_dma source(%dma_start3A_121 : memref<32x128xi32, #tpu.memory_space<hbm>>) target(%dma_start3A_118 : memref<32x128xi32, #tpu.memory_space<vmem>>) target_semaphore(%run_scoped3A_109 : memref<!tpu.dma_semaphore, #tpu.memory_space<semaphore_mem>>)
      %dma_wait3A_122 = arith.constant 0 : i32
      %dma_wait3A_123 = arith.constant 0 : i32
      %dma_wait3A_124 = tpu.memref_slice %arg7[%dma_wait3A_122, %dma_wait3A_123] : memref<40x128xi32, #tpu.memory_space<vmem>> -> memref<32x128xi32, #tpu.memory_space<vmem>>
      %dma_wait3A_125 = arith.constant 0 : i32
      %dma_wait3A_126 = tpu.memref_slice %arg2[%run_scoped3A_66, %add3A_65, %dma_wait3A_125] : memref<2x2500x128xi32, #tpu.memory_space<hbm>> -> memref<1x32x128xi32, #tpu.memory_space<hbm>>
      %dma_wait3A_127 = tpu.memref_squeeze %dma_wait3A_126 : memref<1x32x128xi32, #tpu.memory_space<hbm>> -> memref<32x128xi32, #tpu.memory_space<hbm>>
      %dma_wait3A_128 = arith.constant 0 : i32
      %dma_wait3A_129 = arith.constant 0 : i32
      %dma_wait3A_130 = tpu.memref_slice %arg7[%dma_wait3A_128, %dma_wait3A_129] : memref<40x128xi32, #tpu.memory_space<vmem>> -> memref<32x128xi32, #tpu.memory_space<vmem>>
      %dma_wait3A_131 = arith.constant 0 : i32
      %dma_wait3A_132 = tpu.memref_slice %arg2[%run_scoped3A_66, %add3A_65, %dma_wait3A_131] : memref<2x2500x128xi32, #tpu.memory_space<hbm>> -> memref<1x32x128xi32, #tpu.memory_space<hbm>>
      %dma_wait3A_133 = tpu.memref_squeeze %dma_wait3A_132 : memref<1x32x128xi32, #tpu.memory_space<hbm>> -> memref<32x128xi32, #tpu.memory_space<hbm>>
      tpu.wait_dma2 semaphore(%run_scoped3A_109 : memref<!tpu.dma_semaphore, #tpu.memory_space<semaphore_mem>>) src(%dma_wait3A_133 : memref<32x128xi32, #tpu.memory_space<hbm>>) dst(%dma_wait3A_130 : memref<32x128xi32, #tpu.memory_space<vmem>>)
      tpu.yield
    }) : () -> ()
    %run_scoped3A_67 = arith.constant 1 : i32
    "tpu.region"() ({
      %run_scoped3A_109 = tpu.sem_alloc : memref<!tpu.dma_semaphore, #tpu.memory_space<semaphore_mem>>
      %dma_start3A_110 = arith.constant 32 : i32
      %dma_start3A_111 = arith.constant 0 : i32
      %dma_start3A_112 = tpu.memref_slice %arg6[%dma_start3A_110, %dma_start3A_111] : memref<40x128xi32, #tpu.memory_space<vmem>> -> memref<8x128xi32, #tpu.memory_space<vmem>>
      %dma_start3A_113 = arith.constant 0 : i32
      %dma_start3A_114 = arith.constant 0 : i32
      %dma_start3A_115 = tpu.memref_slice %arg3[%run_scoped3A_67, %add3A, %dma_start3A_113, %dma_start3A_114] : memref<2x32x8x128xi32, #tpu.memory_space<hbm>> -> memref<1x1x8x128xi32, #tpu.memory_space<hbm>>
      %dma_start3A_116 = tpu.memref_squeeze %dma_start3A_115 : memref<1x1x8x128xi32, #tpu.memory_space<hbm>> -> memref<8x128xi32, #tpu.memory_space<hbm>>
      %dma_start3A_117 = arith.constant 32 : i32
      %dma_start3A_118 = arith.constant 0 : i32
      %dma_start3A_119 = tpu.memref_slice %arg6[%dma_start3A_117, %dma_start3A_118] : memref<40x128xi32, #tpu.memory_space<vmem>> -> memref<8x128xi32, #tpu.memory_space<vmem>>
      %dma_start3A_120 = arith.constant 0 : i32
      %dma_start3A_121 = arith.constant 0 : i32
      %dma_start3A_122 = tpu.memref_slice %arg3[%run_scoped3A_67, %add3A, %dma_start3A_120, %dma_start3A_121] : memref<2x32x8x128xi32, #tpu.memory_space<hbm>> -> memref<1x1x8x128xi32, #tpu.memory_space<hbm>>
      %dma_start3A_123 = tpu.memref_squeeze %dma_start3A_122 : memref<1x1x8x128xi32, #tpu.memory_space<hbm>> -> memref<8x128xi32, #tpu.memory_space<hbm>>
      tpu.enqueue_dma source(%dma_start3A_123 : memref<8x128xi32, #tpu.memory_space<hbm>>) target(%dma_start3A_119 : memref<8x128xi32, #tpu.memory_space<vmem>>) target_semaphore(%run_scoped3A_109 : memref<!tpu.dma_semaphore, #tpu.memory_space<semaphore_mem>>)
      %dma_wait3A_124 = arith.constant 32 : i32
      %dma_wait3A_125 = arith.constant 0 : i32
      %dma_wait3A_126 = tpu.memref_slice %arg6[%dma_wait3A_124, %dma_wait3A_125] : memref<40x128xi32, #tpu.memory_space<vmem>> -> memref<8x128xi32, #tpu.memory_space<vmem>>
      %dma_wait3A_127 = arith.constant 0 : i32
      %dma_wait3A_128 = arith.constant 0 : i32
      %dma_wait3A_129 = tpu.memref_slice %arg3[%run_scoped3A_67, %add3A, %dma_wait3A_127, %dma_wait3A_128] : memref<2x32x8x128xi32, #tpu.memory_space<hbm>> -> memref<1x1x8x128xi32, #tpu.memory_space<hbm>>
      %dma_wait3A_130 = tpu.memref_squeeze %dma_wait3A_129 : memref<1x1x8x128xi32, #tpu.memory_space<hbm>> -> memref<8x128xi32, #tpu.memory_space<hbm>>
      %dma_wait3A_131 = arith.constant 32 : i32
      %dma_wait3A_132 = arith.constant 0 : i32
      %dma_wait3A_133 = tpu.memref_slice %arg6[%dma_wait3A_131, %dma_wait3A_132] : memref<40x128xi32, #tpu.memory_space<vmem>> -> memref<8x128xi32, #tpu.memory_space<vmem>>
      %dma_wait3A_134 = arith.constant 0 : i32
      %dma_wait3A_135 = arith.constant 0 : i32
      %dma_wait3A_136 = tpu.memref_slice %arg3[%run_scoped3A_67, %add3A, %dma_wait3A_134, %dma_wait3A_135] : memref<2x32x8x128xi32, #tpu.memory_space<hbm>> -> memref<1x1x8x128xi32, #tpu.memory_space<hbm>>
      %dma_wait3A_137 = tpu.memref_squeeze %dma_wait3A_136 : memref<1x1x8x128xi32, #tpu.memory_space<hbm>> -> memref<8x128xi32, #tpu.memory_space<hbm>>
      tpu.wait_dma2 semaphore(%run_scoped3A_109 : memref<!tpu.dma_semaphore, #tpu.memory_space<semaphore_mem>>) src(%dma_wait3A_137 : memref<8x128xi32, #tpu.memory_space<hbm>>) dst(%dma_wait3A_133 : memref<8x128xi32, #tpu.memory_space<vmem>>)
      tpu.yield
    }) : () -> ()
    %run_scoped3A_68 = arith.constant 0 : i32
    "tpu.region"() ({
      %run_scoped3A_109 = tpu.sem_alloc : memref<!tpu.dma_semaphore, #tpu.memory_space<semaphore_mem>>
      %dma_start3A_110 = arith.constant 32 : i32
      %dma_start3A_111 = arith.constant 0 : i32
      %dma_start3A_112 = tpu.memref_slice %arg7[%dma_start3A_110, %dma_start3A_111] : memref<40x128xi32, #tpu.memory_space<vmem>> -> memref<8x128xi32, #tpu.memory_space<vmem>>
      %dma_start3A_113 = arith.constant 0 : i32
      %dma_start3A_114 = arith.constant 0 : i32
      %dma_start3A_115 = tpu.memref_slice %arg3[%run_scoped3A_68, %add3A, %dma_start3A_113, %dma_start3A_114] : memref<2x32x8x128xi32, #tpu.memory_space<hbm>> -> memref<1x1x8x128xi32, #tpu.memory_space<hbm>>
      %dma_start3A_116 = tpu.memref_squeeze %dma_start3A_115 : memref<1x1x8x128xi32, #tpu.memory_space<hbm>> -> memref<8x128xi32, #tpu.memory_space<hbm>>
      %dma_start3A_117 = arith.constant 32 : i32
      %dma_start3A_118 = arith.constant 0 : i32
      %dma_start3A_119 = tpu.memref_slice %arg7[%dma_start3A_117, %dma_start3A_118] : memref<40x128xi32, #tpu.memory_space<vmem>> -> memref<8x128xi32, #tpu.memory_space<vmem>>
      %dma_start3A_120 = arith.constant 0 : i32
      %dma_start3A_121 = arith.constant 0 : i32
      %dma_start3A_122 = tpu.memref_slice %arg3[%run_scoped3A_68, %add3A, %dma_start3A_120, %dma_start3A_121] : memref<2x32x8x128xi32, #tpu.memory_space<hbm>> -> memref<1x1x8x128xi32, #tpu.memory_space<hbm>>
      %dma_start3A_123 = tpu.memref_squeeze %dma_start3A_122 : memref<1x1x8x128xi32, #tpu.memory_space<hbm>> -> memref<8x128xi32, #tpu.memory_space<hbm>>
      tpu.enqueue_dma source(%dma_start3A_123 : memref<8x128xi32, #tpu.memory_space<hbm>>) target(%dma_start3A_119 : memref<8x128xi32, #tpu.memory_space<vmem>>) target_semaphore(%run_scoped3A_109 : memref<!tpu.dma_semaphore, #tpu.memory_space<semaphore_mem>>)
      %dma_wait3A_124 = arith.constant 32 : i32
      %dma_wait3A_125 = arith.constant 0 : i32
      %dma_wait3A_126 = tpu.memref_slice %arg7[%dma_wait3A_124, %dma_wait3A_125] : memref<40x128xi32, #tpu.memory_space<vmem>> -> memref<8x128xi32, #tpu.memory_space<vmem>>
      %dma_wait3A_127 = arith.constant 0 : i32
      %dma_wait3A_128 = arith.constant 0 : i32
      %dma_wait3A_129 = tpu.memref_slice %arg3[%run_scoped3A_68, %add3A, %dma_wait3A_127, %dma_wait3A_128] : memref<2x32x8x128xi32, #tpu.memory_space<hbm>> -> memref<1x1x8x128xi32, #tpu.memory_space<hbm>>
      %dma_wait3A_130 = tpu.memref_squeeze %dma_wait3A_129 : memref<1x1x8x128xi32, #tpu.memory_space<hbm>> -> memref<8x128xi32, #tpu.memory_space<hbm>>
      %dma_wait3A_131 = arith.constant 32 : i32
      %dma_wait3A_132 = arith.constant 0 : i32
      %dma_wait3A_133 = tpu.memref_slice %arg7[%dma_wait3A_131, %dma_wait3A_132] : memref<40x128xi32, #tpu.memory_space<vmem>> -> memref<8x128xi32, #tpu.memory_space<vmem>>
      %dma_wait3A_134 = arith.constant 0 : i32
      %dma_wait3A_135 = arith.constant 0 : i32
      %dma_wait3A_136 = tpu.memref_slice %arg3[%run_scoped3A_68, %add3A, %dma_wait3A_134, %dma_wait3A_135] : memref<2x32x8x128xi32, #tpu.memory_space<hbm>> -> memref<1x1x8x128xi32, #tpu.memory_space<hbm>>
      %dma_wait3A_137 = tpu.memref_squeeze %dma_wait3A_136 : memref<1x1x8x128xi32, #tpu.memory_space<hbm>> -> memref<8x128xi32, #tpu.memory_space<hbm>>
      tpu.wait_dma2 semaphore(%run_scoped3A_109 : memref<!tpu.dma_semaphore, #tpu.memory_space<semaphore_mem>>) src(%dma_wait3A_137 : memref<8x128xi32, #tpu.memory_space<hbm>>) dst(%dma_wait3A_133 : memref<8x128xi32, #tpu.memory_space<vmem>>)
      tpu.yield
    }) : () -> ()
    %dma_start3A_69 = arith.constant 0 : i32
    %dma_start3A_70 = arith.constant 0 : i32
    %dma_start3A_71 = tpu.memref_slice %arg6[%dma_start3A_69, %dma_start3A_70] : memref<40x128xi32, #tpu.memory_space<vmem>> -> memref<1x128xi32, #tpu.memory_space<vmem>>
    %dma_start3A_72 = tpu.memref_squeeze %dma_start3A_71 : memref<1x128xi32, #tpu.memory_space<vmem>> -> memref<128xi32, #tpu.memory_space<vmem>>
    %dma_start3A_73 = arith.constant 0 : i32
    %dma_start3A_74 = arith.constant 0 : i32
    %dma_start3A_75 = tpu.memref_slice %arg4[%dma_start3A_73, %dma_start3A_74] : memref<10240x128xf32, #tpu.memory_space<hbm>> -> memref<10240x128xf32, #tpu.memory_space<hbm>>
    tpu.enqueue_indirect_dma source(%dma_start3A_75 : memref<10240x128xf32, #tpu.memory_space<hbm>>) target(%arg8 : memref<128x128xf32, #tpu.memory_space<vmem>>) offsets(%dma_start3A_72 : memref<128xi32, #tpu.memory_space<vmem>>) semaphore(%arg11 : memref<!tpu.dma_semaphore, #tpu.memory_space<semaphore_mem>>)
    %scan3A_76 = arith.constant 0 : i32
    %scan3A_77 = arith.constant 0 : i32
    %scan3A_78 = arith.constant 19 : i32
    %scan3A_79 = arith.addi %scan3A_77, %scan3A_78 : i32
    %scan3A_80 = arith.constant 1 : i32
    scf.for %scan3A_109 = %scan3A_77 to %scan3A_79 step %scan3A_80  : i32 {
      %mul3A_110 = arith.constant 2 : i32
      %mul3A_111 = arith.muli %scan3A_109, %mul3A_110 : i32
      %add3A_112 = arith.constant 1 : i32
      %add3A_113 = arith.addi %mul3A_111, %add3A_112 : i32
      %dma_start3A_114 = arith.constant 0 : i32
      %dma_start3A_115 = tpu.memref_slice %arg6[%add3A_113, %dma_start3A_114] : memref<40x128xi32, #tpu.memory_space<vmem>> -> memref<1x128xi32, #tpu.memory_space<vmem>>
      %dma_start3A_116 = tpu.memref_squeeze %dma_start3A_115 : memref<1x128xi32, #tpu.memory_space<vmem>> -> memref<128xi32, #tpu.memory_space<vmem>>
      %dma_start3A_117 = arith.constant 0 : i32
      %dma_start3A_118 = arith.constant 0 : i32
      %dma_start3A_119 = tpu.memref_slice %arg4[%dma_start3A_117, %dma_start3A_118] : memref<10240x128xf32, #tpu.memory_space<hbm>> -> memref<10240x128xf32, #tpu.memory_space<hbm>>
      tpu.enqueue_indirect_dma source(%dma_start3A_119 : memref<10240x128xf32, #tpu.memory_space<hbm>>) target(%arg9 : memref<128x128xf32, #tpu.memory_space<vmem>>) offsets(%dma_start3A_116 : memref<128xi32, #tpu.memory_space<vmem>>) semaphore(%arg12 : memref<!tpu.dma_semaphore, #tpu.memory_space<semaphore_mem>>)
      %dma_wait3A_120 = arith.constant 0 : i32
      %dma_wait3A_121 = tpu.memref_slice %arg6[%mul3A_111, %dma_wait3A_120] : memref<40x128xi32, #tpu.memory_space<vmem>> -> memref<1x128xi32, #tpu.memory_space<vmem>>
      %dma_wait3A_122 = tpu.memref_squeeze %dma_wait3A_121 : memref<1x128xi32, #tpu.memory_space<vmem>> -> memref<128xi32, #tpu.memory_space<vmem>>
      %dma_wait3A_123 = arith.constant 0 : i32
      %dma_wait3A_124 = arith.constant 0 : i32
      %dma_wait3A_125 = tpu.memref_slice %arg4[%dma_wait3A_123, %dma_wait3A_124] : memref<10240x128xf32, #tpu.memory_space<hbm>> -> memref<10240x128xf32, #tpu.memory_space<hbm>>
      tpu.wait_indirect_dma semaphore(%arg11 : memref<!tpu.dma_semaphore, #tpu.memory_space<semaphore_mem>>) src(%dma_wait3A_125 : memref<10240x128xf32, #tpu.memory_space<hbm>>) dst(%arg8 : memref<128x128xf32, #tpu.memory_space<vmem>>)
      "tpu.region"() ({
        %run_scoped3A_140 = tpu.sem_alloc : memref<!tpu.dma_semaphore, #tpu.memory_space<semaphore_mem>>
        %dma_start3A_141 = arith.constant 0 : i32
        %dma_start3A_142 = tpu.memref_slice %arg7[%mul3A_111, %dma_start3A_141] : memref<40x128xi32, #tpu.memory_space<vmem>> -> memref<1x128xi32, #tpu.memory_space<vmem>>
        %dma_start3A_143 = tpu.memref_squeeze %dma_start3A_142 : memref<1x128xi32, #tpu.memory_space<vmem>> -> memref<128xi32, #tpu.memory_space<vmem>>
        %dma_start3A_144 = arith.constant 0 : i32
        %dma_start3A_145 = arith.constant 0 : i32
        %dma_start3A_146 = tpu.memref_slice %arg10[%dma_start3A_144, %dma_start3A_145] : memref<10240x128xf32, #tpu.memory_space<vmem_shared>> -> memref<10240x128xf32, #tpu.memory_space<vmem_shared>>
        tpu.enqueue_indirect_dma source(%arg8 : memref<128x128xf32, #tpu.memory_space<vmem>>) target(%dma_start3A_146 : memref<10240x128xf32, #tpu.memory_space<vmem_shared>>) offsets(%dma_start3A_143 : memref<128xi32, #tpu.memory_space<vmem>>) semaphore(%run_scoped3A_140 : memref<!tpu.dma_semaphore, #tpu.memory_space<semaphore_mem>>) {add = true}
        %dma_wait3A_147 = arith.constant 0 : i32
        %dma_wait3A_148 = tpu.memref_slice %arg7[%mul3A_111, %dma_wait3A_147] : memref<40x128xi32, #tpu.memory_space<vmem>> -> memref<1x128xi32, #tpu.memory_space<vmem>>
        %dma_wait3A_149 = tpu.memref_squeeze %dma_wait3A_148 : memref<1x128xi32, #tpu.memory_space<vmem>> -> memref<128xi32, #tpu.memory_space<vmem>>
        %dma_wait3A_150 = arith.constant 0 : i32
        %dma_wait3A_151 = arith.constant 0 : i32
        %dma_wait3A_152 = tpu.memref_slice %arg10[%dma_wait3A_150, %dma_wait3A_151] : memref<10240x128xf32, #tpu.memory_space<vmem_shared>> -> memref<10240x128xf32, #tpu.memory_space<vmem_shared>>
        tpu.wait_indirect_dma semaphore(%run_scoped3A_140 : memref<!tpu.dma_semaphore, #tpu.memory_space<semaphore_mem>>) src(%arg8 : memref<128x128xf32, #tpu.memory_space<vmem>>) dst(%dma_wait3A_152 : memref<10240x128xf32, #tpu.memory_space<vmem_shared>>)
        tpu.yield
      }) : () -> ()
      %add3A_126 = arith.constant 1 : i32
      %add3A_127 = arith.addi %add3A_113, %add3A_126 : i32
      %dma_start3A_128 = arith.constant 0 : i32
      %dma_start3A_129 = tpu.memref_slice %arg6[%add3A_127, %dma_start3A_128] : memref<40x128xi32, #tpu.memory_space<vmem>> -> memref<1x128xi32, #tpu.memory_space<vmem>>
      %dma_start3A_130 = tpu.memref_squeeze %dma_start3A_129 : memref<1x128xi32, #tpu.memory_space<vmem>> -> memref<128xi32, #tpu.memory_space<vmem>>
      %dma_start3A_131 = arith.constant 0 : i32
      %dma_start3A_132 = arith.constant 0 : i32
      %dma_start3A_133 = tpu.memref_slice %arg4[%dma_start3A_131, %dma_start3A_132] : memref<10240x128xf32, #tpu.memory_space<hbm>> -> memref<10240x128xf32, #tpu.memory_space<hbm>>
      tpu.enqueue_indirect_dma source(%dma_start3A_133 : memref<10240x128xf32, #tpu.memory_space<hbm>>) target(%arg8 : memref<128x128xf32, #tpu.memory_space<vmem>>) offsets(%dma_start3A_130 : memref<128xi32, #tpu.memory_space<vmem>>) semaphore(%arg11 : memref<!tpu.dma_semaphore, #tpu.memory_space<semaphore_mem>>)
      %dma_wait3A_134 = arith.constant 0 : i32
      %dma_wait3A_135 = tpu.memref_slice %arg6[%add3A_113, %dma_wait3A_134] : memref<40x128xi32, #tpu.memory_space<vmem>> -> memref<1x128xi32, #tpu.memory_space<vmem>>
      %dma_wait3A_136 = tpu.memref_squeeze %dma_wait3A_135 : memref<1x128xi32, #tpu.memory_space<vmem>> -> memref<128xi32, #tpu.memory_space<vmem>>
      %dma_wait3A_137 = arith.constant 0 : i32
      %dma_wait3A_138 = arith.constant 0 : i32
      %dma_wait3A_139 = tpu.memref_slice %arg4[%dma_wait3A_137, %dma_wait3A_138] : memref<10240x128xf32, #tpu.memory_space<hbm>> -> memref<10240x128xf32, #tpu.memory_space<hbm>>
      tpu.wait_indirect_dma semaphore(%arg12 : memref<!tpu.dma_semaphore, #tpu.memory_space<semaphore_mem>>) src(%dma_wait3A_139 : memref<10240x128xf32, #tpu.memory_space<hbm>>) dst(%arg9 : memref<128x128xf32, #tpu.memory_space<vmem>>)
      "tpu.region"() ({
        %run_scoped3A_140 = tpu.sem_alloc : memref<!tpu.dma_semaphore, #tpu.memory_space<semaphore_mem>>
        %dma_start3A_141 = arith.constant 0 : i32
        %dma_start3A_142 = tpu.memref_slice %arg7[%add3A_113, %dma_start3A_141] : memref<40x128xi32, #tpu.memory_space<vmem>> -> memref<1x128xi32, #tpu.memory_space<vmem>>
        %dma_start3A_143 = tpu.memref_squeeze %dma_start3A_142 : memref<1x128xi32, #tpu.memory_space<vmem>> -> memref<128xi32, #tpu.memory_space<vmem>>
        %dma_start3A_144 = arith.constant 0 : i32
        %dma_start3A_145 = arith.constant 0 : i32
        %dma_start3A_146 = tpu.memref_slice %arg10[%dma_start3A_144, %dma_start3A_145] : memref<10240x128xf32, #tpu.memory_space<vmem_shared>> -> memref<10240x128xf32, #tpu.memory_space<vmem_shared>>
        tpu.enqueue_indirect_dma source(%arg9 : memref<128x128xf32, #tpu.memory_space<vmem>>) target(%dma_start3A_146 : memref<10240x128xf32, #tpu.memory_space<vmem_shared>>) offsets(%dma_start3A_143 : memref<128xi32, #tpu.memory_space<vmem>>) semaphore(%run_scoped3A_140 : memref<!tpu.dma_semaphore, #tpu.memory_space<semaphore_mem>>) {add = true}
        %dma_wait3A_147 = arith.constant 0 : i32
        %dma_wait3A_148 = tpu.memref_slice %arg7[%add3A_113, %dma_wait3A_147] : memref<40x128xi32, #tpu.memory_space<vmem>> -> memref<1x128xi32, #tpu.memory_space<vmem>>
        %dma_wait3A_149 = tpu.memref_squeeze %dma_wait3A_148 : memref<1x128xi32, #tpu.memory_space<vmem>> -> memref<128xi32, #tpu.memory_space<vmem>>
        %dma_wait3A_150 = arith.constant 0 : i32
        %dma_wait3A_151 = arith.constant 0 : i32
        %dma_wait3A_152 = tpu.memref_slice %arg10[%dma_wait3A_150, %dma_wait3A_151] : memref<10240x128xf32, #tpu.memory_space<vmem_shared>> -> memref<10240x128xf32, #tpu.memory_space<vmem_shared>>
        tpu.wait_indirect_dma semaphore(%run_scoped3A_140 : memref<!tpu.dma_semaphore, #tpu.memory_space<semaphore_mem>>) src(%arg9 : memref<128x128xf32, #tpu.memory_space<vmem>>) dst(%dma_wait3A_152 : memref<10240x128xf32, #tpu.memory_space<vmem_shared>>)
        tpu.yield
      }) : () -> ()
    }
    %scan3A_81 = arith.constant 19 : i32
    %dma_start3A_82 = arith.constant 39 : i32
    %dma_start3A_83 = arith.constant 0 : i32
    %dma_start3A_84 = tpu.memref_slice %arg6[%dma_start3A_82, %dma_start3A_83] : memref<40x128xi32, #tpu.memory_space<vmem>> -> memref<1x128xi32, #tpu.memory_space<vmem>>
    %dma_start3A_85 = tpu.memref_squeeze %dma_start3A_84 : memref<1x128xi32, #tpu.memory_space<vmem>> -> memref<128xi32, #tpu.memory_space<vmem>>
    %dma_start3A_86 = arith.constant 0 : i32
    %dma_start3A_87 = arith.constant 0 : i32
    %dma_start3A_88 = tpu.memref_slice %arg4[%dma_start3A_86, %dma_start3A_87] : memref<10240x128xf32, #tpu.memory_space<hbm>> -> memref<10240x128xf32, #tpu.memory_space<hbm>>
    tpu.enqueue_indirect_dma source(%dma_start3A_88 : memref<10240x128xf32, #tpu.memory_space<hbm>>) target(%arg9 : memref<128x128xf32, #tpu.memory_space<vmem>>) offsets(%dma_start3A_85 : memref<128xi32, #tpu.memory_space<vmem>>) semaphore(%arg12 : memref<!tpu.dma_semaphore, #tpu.memory_space<semaphore_mem>>)
    %dma_wait3A_89 = arith.constant 38 : i32
    %dma_wait3A_90 = arith.constant 0 : i32
    %dma_wait3A_91 = tpu.memref_slice %arg6[%dma_wait3A_89, %dma_wait3A_90] : memref<40x128xi32, #tpu.memory_space<vmem>> -> memref<1x128xi32, #tpu.memory_space<vmem>>
    %dma_wait3A_92 = tpu.memref_squeeze %dma_wait3A_91 : memref<1x128xi32, #tpu.memory_space<vmem>> -> memref<128xi32, #tpu.memory_space<vmem>>
    %dma_wait3A_93 = arith.constant 0 : i32
    %dma_wait3A_94 = arith.constant 0 : i32
    %dma_wait3A_95 = tpu.memref_slice %arg4[%dma_wait3A_93, %dma_wait3A_94] : memref<10240x128xf32, #tpu.memory_space<hbm>> -> memref<10240x128xf32, #tpu.memory_space<hbm>>
    tpu.wait_indirect_dma semaphore(%arg11 : memref<!tpu.dma_semaphore, #tpu.memory_space<semaphore_mem>>) src(%dma_wait3A_95 : memref<10240x128xf32, #tpu.memory_space<hbm>>) dst(%arg8 : memref<128x128xf32, #tpu.memory_space<vmem>>)
    %run_scoped3A_96 = arith.constant 38 : i32
    "tpu.region"() ({
      %run_scoped3A_109 = tpu.sem_alloc : memref<!tpu.dma_semaphore, #tpu.memory_space<semaphore_mem>>
      %dma_start3A_110 = arith.constant 0 : i32
      %dma_start3A_111 = tpu.memref_slice %arg7[%run_scoped3A_96, %dma_start3A_110] : memref<40x128xi32, #tpu.memory_space<vmem>> -> memref<1x128xi32, #tpu.memory_space<vmem>>
      %dma_start3A_112 = tpu.memref_squeeze %dma_start3A_111 : memref<1x128xi32, #tpu.memory_space<vmem>> -> memref<128xi32, #tpu.memory_space<vmem>>
      %dma_start3A_113 = arith.constant 0 : i32
      %dma_start3A_114 = arith.constant 0 : i32
      %dma_start3A_115 = tpu.memref_slice %arg10[%dma_start3A_113, %dma_start3A_114] : memref<10240x128xf32, #tpu.memory_space<vmem_shared>> -> memref<10240x128xf32, #tpu.memory_space<vmem_shared>>
      tpu.enqueue_indirect_dma source(%arg8 : memref<128x128xf32, #tpu.memory_space<vmem>>) target(%dma_start3A_115 : memref<10240x128xf32, #tpu.memory_space<vmem_shared>>) offsets(%dma_start3A_112 : memref<128xi32, #tpu.memory_space<vmem>>) semaphore(%run_scoped3A_109 : memref<!tpu.dma_semaphore, #tpu.memory_space<semaphore_mem>>) {add = true}
      %dma_wait3A_116 = arith.constant 0 : i32
      %dma_wait3A_117 = tpu.memref_slice %arg7[%run_scoped3A_96, %dma_wait3A_116] : memref<40x128xi32, #tpu.memory_space<vmem>> -> memref<1x128xi32, #tpu.memory_space<vmem>>
      %dma_wait3A_118 = tpu.memref_squeeze %dma_wait3A_117 : memref<1x128xi32, #tpu.memory_space<vmem>> -> memref<128xi32, #tpu.memory_space<vmem>>
      %dma_wait3A_119 = arith.constant 0 : i32
      %dma_wait3A_120 = arith.constant 0 : i32
      %dma_wait3A_121 = tpu.memref_slice %arg10[%dma_wait3A_119, %dma_wait3A_120] : memref<10240x128xf32, #tpu.memory_space<vmem_shared>> -> memref<10240x128xf32, #tpu.memory_space<vmem_shared>>
      tpu.wait_indirect_dma semaphore(%run_scoped3A_109 : memref<!tpu.dma_semaphore, #tpu.memory_space<semaphore_mem>>) src(%arg8 : memref<128x128xf32, #tpu.memory_space<vmem>>) dst(%dma_wait3A_121 : memref<10240x128xf32, #tpu.memory_space<vmem_shared>>)
      tpu.yield
    }) : () -> ()
    %dma_wait3A_97 = arith.constant 39 : i32
    %dma_wait3A_98 = arith.constant 0 : i32
    %dma_wait3A_99 = tpu.memref_slice %arg6[%dma_wait3A_97, %dma_wait3A_98] : memref<40x128xi32, #tpu.memory_space<vmem>> -> memref<1x128xi32, #tpu.memory_space<vmem>>
    %dma_wait3A_100 = tpu.memref_squeeze %dma_wait3A_99 : memref<1x128xi32, #tpu.memory_space<vmem>> -> memref<128xi32, #tpu.memory_space<vmem>>
    %dma_wait3A_101 = arith.constant 0 : i32
    %dma_wait3A_102 = arith.constant 0 : i32
    %dma_wait3A_103 = tpu.memref_slice %arg4[%dma_wait3A_101, %dma_wait3A_102] : memref<10240x128xf32, #tpu.memory_space<hbm>> -> memref<10240x128xf32, #tpu.memory_space<hbm>>
    tpu.wait_indirect_dma semaphore(%arg12 : memref<!tpu.dma_semaphore, #tpu.memory_space<semaphore_mem>>) src(%dma_wait3A_103 : memref<10240x128xf32, #tpu.memory_space<hbm>>) dst(%arg9 : memref<128x128xf32, #tpu.memory_space<vmem>>)
    %run_scoped3A_104 = arith.constant 39 : i32
    "tpu.region"() ({
      %run_scoped3A_109 = tpu.sem_alloc : memref<!tpu.dma_semaphore, #tpu.memory_space<semaphore_mem>>
      %dma_start3A_110 = arith.constant 0 : i32
      %dma_start3A_111 = tpu.memref_slice %arg7[%run_scoped3A_104, %dma_start3A_110] : memref<40x128xi32, #tpu.memory_space<vmem>> -> memref<1x128xi32, #tpu.memory_space<vmem>>
      %dma_start3A_112 = tpu.memref_squeeze %dma_start3A_111 : memref<1x128xi32, #tpu.memory_space<vmem>> -> memref<128xi32, #tpu.memory_space<vmem>>
      %dma_start3A_113 = arith.constant 0 : i32
      %dma_start3A_114 = arith.constant 0 : i32
      %dma_start3A_115 = tpu.memref_slice %arg10[%dma_start3A_113, %dma_start3A_114] : memref<10240x128xf32, #tpu.memory_space<vmem_shared>> -> memref<10240x128xf32, #tpu.memory_space<vmem_shared>>
      tpu.enqueue_indirect_dma source(%arg9 : memref<128x128xf32, #tpu.memory_space<vmem>>) target(%dma_start3A_115 : memref<10240x128xf32, #tpu.memory_space<vmem_shared>>) offsets(%dma_start3A_112 : memref<128xi32, #tpu.memory_space<vmem>>) semaphore(%run_scoped3A_109 : memref<!tpu.dma_semaphore, #tpu.memory_space<semaphore_mem>>) {add = true}
      %dma_wait3A_116 = arith.constant 0 : i32
      %dma_wait3A_117 = tpu.memref_slice %arg7[%run_scoped3A_104, %dma_wait3A_116] : memref<40x128xi32, #tpu.memory_space<vmem>> -> memref<1x128xi32, #tpu.memory_space<vmem>>
      %dma_wait3A_118 = tpu.memref_squeeze %dma_wait3A_117 : memref<1x128xi32, #tpu.memory_space<vmem>> -> memref<128xi32, #tpu.memory_space<vmem>>
      %dma_wait3A_119 = arith.constant 0 : i32
      %dma_wait3A_120 = arith.constant 0 : i32
      %dma_wait3A_121 = tpu.memref_slice %arg10[%dma_wait3A_119, %dma_wait3A_120] : memref<10240x128xf32, #tpu.memory_space<vmem_shared>> -> memref<10240x128xf32, #tpu.memory_space<vmem_shared>>
      tpu.wait_indirect_dma semaphore(%run_scoped3A_109 : memref<!tpu.dma_semaphore, #tpu.memory_space<semaphore_mem>>) src(%arg9 : memref<128x128xf32, #tpu.memory_space<vmem>>) dst(%dma_wait3A_121 : memref<10240x128xf32, #tpu.memory_space<vmem_shared>>)
      tpu.yield
    }) : () -> ()
    %barrier3A_105 = arith.constant 0 : index
    tpu.barrier barrier_id(%barrier3A_105)
    %mul3A_106 = arith.constant 10240 : i32
    %mul3A_107 = arith.muli %arg0, %mul3A_106 : i32
    %add3A_108 = arith.addi %mul3A_107, %mul3A_2 : i32
    "tpu.region"() ({
      %run_scoped3A_109 = tpu.sem_alloc : memref<!tpu.dma_semaphore, #tpu.memory_space<semaphore_mem>>
      %dma_start3A_110 = arith.constant 0 : i32
      %dma_start3A_111 = tpu.memref_slice %arg5[%add3A_108, %dma_start3A_110] : memref<20480x128xf32, #tpu.memory_space<hbm>> -> memref<640x128xf32, #tpu.memory_space<hbm>>
      %dma_start3A_112 = arith.constant 0 : i32
      %dma_start3A_113 = tpu.memref_slice %arg10[%mul3A_2, %dma_start3A_112] : memref<10240x128xf32, #tpu.memory_space<vmem_shared>> -> memref<640x128xf32, #tpu.memory_space<vmem_shared>>
      tpu.enqueue_dma source(%dma_start3A_113 : memref<640x128xf32, #tpu.memory_space<vmem_shared>>) target(%dma_start3A_111 : memref<640x128xf32, #tpu.memory_space<hbm>>) target_semaphore(%run_scoped3A_109 : memref<!tpu.dma_semaphore, #tpu.memory_space<semaphore_mem>>)
      %dma_wait3A_114 = arith.constant 0 : i32
      %dma_wait3A_115 = tpu.memref_slice %arg5[%add3A_108, %dma_wait3A_114] : memref<20480x128xf32, #tpu.memory_space<hbm>> -> memref<640x128xf32, #tpu.memory_space<hbm>>
      %dma_wait3A_116 = arith.constant 0 : i32
      %dma_wait3A_117 = tpu.memref_slice %arg10[%mul3A_2, %dma_wait3A_116] : memref<10240x128xf32, #tpu.memory_space<vmem_shared>> -> memref<640x128xf32, #tpu.memory_space<vmem_shared>>
      tpu.wait_dma2 semaphore(%run_scoped3A_109 : memref<!tpu.dma_semaphore, #tpu.memory_space<semaphore_mem>>) src(%dma_wait3A_117 : memref<640x128xf32, #tpu.memory_space<vmem_shared>>) dst(%dma_wait3A_115 : memref<640x128xf32, #tpu.memory_space<hbm>>)
      tpu.yield
    }) : () -> ()
    return
  }
}

#map = affine_map<(d0, d1) -> (0, 0, 0)>
#map1 = affine_map<(d0, d1) -> (0, 0, 0, 0)>
#map2 = affine_map<(d0, d1) -> (0, 0)>
module attributes {stable_mosaic.version = 14 : i64} {
  func.func @hist(%arg0: i32, %arg1: i32, %arg2: memref<2x2500x128xi32, #tpu.memory_space<hbm>>, %arg3: memref<2x32x8x128xi32, #tpu.memory_space<hbm>>, %arg4: memref<2x10240xf32, #tpu.memory_space<hbm>>, %arg5: memref<80x128xi32, #tpu.memory_space<vmem>>, %arg6: memref<128xf32, #tpu.memory_space<vmem>>, %arg7: memref<640xf32, #tpu.memory_space<vmem>>, %arg8: memref<10240xf32, #tpu.memory_space<vmem_shared>>, %arg9: memref<!tpu.dma_semaphore, #tpu.memory_space<semaphore_mem>>) attributes {dimension_semantics = [#tpu.dimension_semantics<core_parallel>, #tpu.dimension_semantics<subcore_parallel>], iteration_bounds = array<i64: 2, 16>, scalar_prefetch = 0 : i64, scratch_operands = 5 : i64, tpu.core_type = #tpu.core_type<sc_vector_subcore>, window_params = [{transform_indices = #map}, {transform_indices = #map1}, {transform_indices = #map2}]} {
    %mul3A = arith.constant 16 : i32
    %mul3A_0 = arith.muli %arg0, %mul3A : i32
    %add3A = arith.addi %mul3A_0, %arg1 : i32
    %broadcast_in_dim3A = arith.constant 0.000000e+00 : f32
    %broadcast_in_dim3A_1 = vector.broadcast %broadcast_in_dim3A : f32 to vector<16xf32>
    %swap3A = arith.constant 0 : index
    %swap3A_2 = tpu.vector_load %arg7[%swap3A] {strides = array<i32>} : memref<640xf32, #tpu.memory_space<vmem>>, vector<16xf32>,
    %swap3A_3 = vector.shape_cast %swap3A_2 : vector<16xf32> to vector<16xf32>
    %swap3A_4 = vector.shape_cast %broadcast_in_dim3A_1 : vector<16xf32> to vector<16xf32>
    tpu.vector_store %arg7[%swap3A], %swap3A_4 {strides = array<i32>} : memref<640xf32, #tpu.memory_space<vmem>>, vector<16xf32>,
    %broadcast_in_dim3A_5 = arith.constant 0.000000e+00 : f32
    %broadcast_in_dim3A_6 = vector.broadcast %broadcast_in_dim3A_5 : f32 to vector<16xf32>
    %swap3A_7 = arith.constant 16 : index
    %swap3A_8 = tpu.vector_load %arg7[%swap3A_7] {strides = array<i32>} : memref<640xf32, #tpu.memory_space<vmem>>, vector<16xf32>,
    %swap3A_9 = vector.shape_cast %swap3A_8 : vector<16xf32> to vector<16xf32>
    %swap3A_10 = vector.shape_cast %broadcast_in_dim3A_6 : vector<16xf32> to vector<16xf32>
    tpu.vector_store %arg7[%swap3A_7], %swap3A_10 {strides = array<i32>} : memref<640xf32, #tpu.memory_space<vmem>>, vector<16xf32>,
    %broadcast_in_dim3A_11 = arith.constant 0.000000e+00 : f32
    %broadcast_in_dim3A_12 = vector.broadcast %broadcast_in_dim3A_11 : f32 to vector<16xf32>
    %swap3A_13 = arith.constant 32 : index
    %swap3A_14 = tpu.vector_load %arg7[%swap3A_13] {strides = array<i32>} : memref<640xf32, #tpu.memory_space<vmem>>, vector<16xf32>,
    %swap3A_15 = vector.shape_cast %swap3A_14 : vector<16xf32> to vector<16xf32>
    %swap3A_16 = vector.shape_cast %broadcast_in_dim3A_12 : vector<16xf32> to vector<16xf32>
    tpu.vector_store %arg7[%swap3A_13], %swap3A_16 {strides = array<i32>} : memref<640xf32, #tpu.memory_space<vmem>>, vector<16xf32>,
    %broadcast_in_dim3A_17 = arith.constant 0.000000e+00 : f32
    %broadcast_in_dim3A_18 = vector.broadcast %broadcast_in_dim3A_17 : f32 to vector<16xf32>
    %swap3A_19 = arith.constant 48 : index
    %swap3A_20 = tpu.vector_load %arg7[%swap3A_19] {strides = array<i32>} : memref<640xf32, #tpu.memory_space<vmem>>, vector<16xf32>,
    %swap3A_21 = vector.shape_cast %swap3A_20 : vector<16xf32> to vector<16xf32>
    %swap3A_22 = vector.shape_cast %broadcast_in_dim3A_18 : vector<16xf32> to vector<16xf32>
    tpu.vector_store %arg7[%swap3A_19], %swap3A_22 {strides = array<i32>} : memref<640xf32, #tpu.memory_space<vmem>>, vector<16xf32>,
    %broadcast_in_dim3A_23 = arith.constant 0.000000e+00 : f32
    %broadcast_in_dim3A_24 = vector.broadcast %broadcast_in_dim3A_23 : f32 to vector<16xf32>
    %swap3A_25 = arith.constant 64 : index
    %swap3A_26 = tpu.vector_load %arg7[%swap3A_25] {strides = array<i32>} : memref<640xf32, #tpu.memory_space<vmem>>, vector<16xf32>,
    %swap3A_27 = vector.shape_cast %swap3A_26 : vector<16xf32> to vector<16xf32>
    %swap3A_28 = vector.shape_cast %broadcast_in_dim3A_24 : vector<16xf32> to vector<16xf32>
    tpu.vector_store %arg7[%swap3A_25], %swap3A_28 {strides = array<i32>} : memref<640xf32, #tpu.memory_space<vmem>>, vector<16xf32>,
    %broadcast_in_dim3A_29 = arith.constant 0.000000e+00 : f32
    %broadcast_in_dim3A_30 = vector.broadcast %broadcast_in_dim3A_29 : f32 to vector<16xf32>
    %swap3A_31 = arith.constant 80 : index
    %swap3A_32 = tpu.vector_load %arg7[%swap3A_31] {strides = array<i32>} : memref<640xf32, #tpu.memory_space<vmem>>, vector<16xf32>,
    %swap3A_33 = vector.shape_cast %swap3A_32 : vector<16xf32> to vector<16xf32>
    %swap3A_34 = vector.shape_cast %broadcast_in_dim3A_30 : vector<16xf32> to vector<16xf32>
    tpu.vector_store %arg7[%swap3A_31], %swap3A_34 {strides = array<i32>} : memref<640xf32, #tpu.memory_space<vmem>>, vector<16xf32>,
    %broadcast_in_dim3A_35 = arith.constant 0.000000e+00 : f32
    %broadcast_in_dim3A_36 = vector.broadcast %broadcast_in_dim3A_35 : f32 to vector<16xf32>
    %swap3A_37 = arith.constant 96 : index
    %swap3A_38 = tpu.vector_load %arg7[%swap3A_37] {strides = array<i32>} : memref<640xf32, #tpu.memory_space<vmem>>, vector<16xf32>,
    %swap3A_39 = vector.shape_cast %swap3A_38 : vector<16xf32> to vector<16xf32>
    %swap3A_40 = vector.shape_cast %broadcast_in_dim3A_36 : vector<16xf32> to vector<16xf32>
    tpu.vector_store %arg7[%swap3A_37], %swap3A_40 {strides = array<i32>} : memref<640xf32, #tpu.memory_space<vmem>>, vector<16xf32>,
    %broadcast_in_dim3A_41 = arith.constant 0.000000e+00 : f32
    %broadcast_in_dim3A_42 = vector.broadcast %broadcast_in_dim3A_41 : f32 to vector<16xf32>
    %swap3A_43 = arith.constant 112 : index
    %swap3A_44 = tpu.vector_load %arg7[%swap3A_43] {strides = array<i32>} : memref<640xf32, #tpu.memory_space<vmem>>, vector<16xf32>,
    %swap3A_45 = vector.shape_cast %swap3A_44 : vector<16xf32> to vector<16xf32>
    %swap3A_46 = vector.shape_cast %broadcast_in_dim3A_42 : vector<16xf32> to vector<16xf32>
    tpu.vector_store %arg7[%swap3A_43], %swap3A_46 {strides = array<i32>} : memref<640xf32, #tpu.memory_space<vmem>>, vector<16xf32>,
    %broadcast_in_dim3A_47 = arith.constant 0.000000e+00 : f32
    %broadcast_in_dim3A_48 = vector.broadcast %broadcast_in_dim3A_47 : f32 to vector<16xf32>
    %swap3A_49 = arith.constant 128 : index
    %swap3A_50 = tpu.vector_load %arg7[%swap3A_49] {strides = array<i32>} : memref<640xf32, #tpu.memory_space<vmem>>, vector<16xf32>,
    %swap3A_51 = vector.shape_cast %swap3A_50 : vector<16xf32> to vector<16xf32>
    %swap3A_52 = vector.shape_cast %broadcast_in_dim3A_48 : vector<16xf32> to vector<16xf32>
    tpu.vector_store %arg7[%swap3A_49], %swap3A_52 {strides = array<i32>} : memref<640xf32, #tpu.memory_space<vmem>>, vector<16xf32>,
    %broadcast_in_dim3A_53 = arith.constant 0.000000e+00 : f32
    %broadcast_in_dim3A_54 = vector.broadcast %broadcast_in_dim3A_53 : f32 to vector<16xf32>
    %swap3A_55 = arith.constant 144 : index
    %swap3A_56 = tpu.vector_load %arg7[%swap3A_55] {strides = array<i32>} : memref<640xf32, #tpu.memory_space<vmem>>, vector<16xf32>,
    %swap3A_57 = vector.shape_cast %swap3A_56 : vector<16xf32> to vector<16xf32>
    %swap3A_58 = vector.shape_cast %broadcast_in_dim3A_54 : vector<16xf32> to vector<16xf32>
    tpu.vector_store %arg7[%swap3A_55], %swap3A_58 {strides = array<i32>} : memref<640xf32, #tpu.memory_space<vmem>>, vector<16xf32>,
    %broadcast_in_dim3A_59 = arith.constant 0.000000e+00 : f32
    %broadcast_in_dim3A_60 = vector.broadcast %broadcast_in_dim3A_59 : f32 to vector<16xf32>
    %swap3A_61 = arith.constant 160 : index
    %swap3A_62 = tpu.vector_load %arg7[%swap3A_61] {strides = array<i32>} : memref<640xf32, #tpu.memory_space<vmem>>, vector<16xf32>,
    %swap3A_63 = vector.shape_cast %swap3A_62 : vector<16xf32> to vector<16xf32>
    %swap3A_64 = vector.shape_cast %broadcast_in_dim3A_60 : vector<16xf32> to vector<16xf32>
    tpu.vector_store %arg7[%swap3A_61], %swap3A_64 {strides = array<i32>} : memref<640xf32, #tpu.memory_space<vmem>>, vector<16xf32>,
    %broadcast_in_dim3A_65 = arith.constant 0.000000e+00 : f32
    %broadcast_in_dim3A_66 = vector.broadcast %broadcast_in_dim3A_65 : f32 to vector<16xf32>
    %swap3A_67 = arith.constant 176 : index
    %swap3A_68 = tpu.vector_load %arg7[%swap3A_67] {strides = array<i32>} : memref<640xf32, #tpu.memory_space<vmem>>, vector<16xf32>,
    %swap3A_69 = vector.shape_cast %swap3A_68 : vector<16xf32> to vector<16xf32>
    %swap3A_70 = vector.shape_cast %broadcast_in_dim3A_66 : vector<16xf32> to vector<16xf32>
    tpu.vector_store %arg7[%swap3A_67], %swap3A_70 {strides = array<i32>} : memref<640xf32, #tpu.memory_space<vmem>>, vector<16xf32>,
    %broadcast_in_dim3A_71 = arith.constant 0.000000e+00 : f32
    %broadcast_in_dim3A_72 = vector.broadcast %broadcast_in_dim3A_71 : f32 to vector<16xf32>
    %swap3A_73 = arith.constant 192 : index
    %swap3A_74 = tpu.vector_load %arg7[%swap3A_73] {strides = array<i32>} : memref<640xf32, #tpu.memory_space<vmem>>, vector<16xf32>,
    %swap3A_75 = vector.shape_cast %swap3A_74 : vector<16xf32> to vector<16xf32>
    %swap3A_76 = vector.shape_cast %broadcast_in_dim3A_72 : vector<16xf32> to vector<16xf32>
    tpu.vector_store %arg7[%swap3A_73], %swap3A_76 {strides = array<i32>} : memref<640xf32, #tpu.memory_space<vmem>>, vector<16xf32>,
    %broadcast_in_dim3A_77 = arith.constant 0.000000e+00 : f32
    %broadcast_in_dim3A_78 = vector.broadcast %broadcast_in_dim3A_77 : f32 to vector<16xf32>
    %swap3A_79 = arith.constant 208 : index
    %swap3A_80 = tpu.vector_load %arg7[%swap3A_79] {strides = array<i32>} : memref<640xf32, #tpu.memory_space<vmem>>, vector<16xf32>,
    %swap3A_81 = vector.shape_cast %swap3A_80 : vector<16xf32> to vector<16xf32>
    %swap3A_82 = vector.shape_cast %broadcast_in_dim3A_78 : vector<16xf32> to vector<16xf32>
    tpu.vector_store %arg7[%swap3A_79], %swap3A_82 {strides = array<i32>} : memref<640xf32, #tpu.memory_space<vmem>>, vector<16xf32>,
    %broadcast_in_dim3A_83 = arith.constant 0.000000e+00 : f32
    %broadcast_in_dim3A_84 = vector.broadcast %broadcast_in_dim3A_83 : f32 to vector<16xf32>
    %swap3A_85 = arith.constant 224 : index
    %swap3A_86 = tpu.vector_load %arg7[%swap3A_85] {strides = array<i32>} : memref<640xf32, #tpu.memory_space<vmem>>, vector<16xf32>,
    %swap3A_87 = vector.shape_cast %swap3A_86 : vector<16xf32> to vector<16xf32>
    %swap3A_88 = vector.shape_cast %broadcast_in_dim3A_84 : vector<16xf32> to vector<16xf32>
    tpu.vector_store %arg7[%swap3A_85], %swap3A_88 {strides = array<i32>} : memref<640xf32, #tpu.memory_space<vmem>>, vector<16xf32>,
    %broadcast_in_dim3A_89 = arith.constant 0.000000e+00 : f32
    %broadcast_in_dim3A_90 = vector.broadcast %broadcast_in_dim3A_89 : f32 to vector<16xf32>
    %swap3A_91 = arith.constant 240 : index
    %swap3A_92 = tpu.vector_load %arg7[%swap3A_91] {strides = array<i32>} : memref<640xf32, #tpu.memory_space<vmem>>, vector<16xf32>,
    %swap3A_93 = vector.shape_cast %swap3A_92 : vector<16xf32> to vector<16xf32>
    %swap3A_94 = vector.shape_cast %broadcast_in_dim3A_90 : vector<16xf32> to vector<16xf32>
    tpu.vector_store %arg7[%swap3A_91], %swap3A_94 {strides = array<i32>} : memref<640xf32, #tpu.memory_space<vmem>>, vector<16xf32>,
    %broadcast_in_dim3A_95 = arith.constant 0.000000e+00 : f32
    %broadcast_in_dim3A_96 = vector.broadcast %broadcast_in_dim3A_95 : f32 to vector<16xf32>
    %swap3A_97 = arith.constant 256 : index
    %swap3A_98 = tpu.vector_load %arg7[%swap3A_97] {strides = array<i32>} : memref<640xf32, #tpu.memory_space<vmem>>, vector<16xf32>,
    %swap3A_99 = vector.shape_cast %swap3A_98 : vector<16xf32> to vector<16xf32>
    %swap3A_100 = vector.shape_cast %broadcast_in_dim3A_96 : vector<16xf32> to vector<16xf32>
    tpu.vector_store %arg7[%swap3A_97], %swap3A_100 {strides = array<i32>} : memref<640xf32, #tpu.memory_space<vmem>>, vector<16xf32>,
    %broadcast_in_dim3A_101 = arith.constant 0.000000e+00 : f32
    %broadcast_in_dim3A_102 = vector.broadcast %broadcast_in_dim3A_101 : f32 to vector<16xf32>
    %swap3A_103 = arith.constant 272 : index
    %swap3A_104 = tpu.vector_load %arg7[%swap3A_103] {strides = array<i32>} : memref<640xf32, #tpu.memory_space<vmem>>, vector<16xf32>,
    %swap3A_105 = vector.shape_cast %swap3A_104 : vector<16xf32> to vector<16xf32>
    %swap3A_106 = vector.shape_cast %broadcast_in_dim3A_102 : vector<16xf32> to vector<16xf32>
    tpu.vector_store %arg7[%swap3A_103], %swap3A_106 {strides = array<i32>} : memref<640xf32, #tpu.memory_space<vmem>>, vector<16xf32>,
    %broadcast_in_dim3A_107 = arith.constant 0.000000e+00 : f32
    %broadcast_in_dim3A_108 = vector.broadcast %broadcast_in_dim3A_107 : f32 to vector<16xf32>
    %swap3A_109 = arith.constant 288 : index
    %swap3A_110 = tpu.vector_load %arg7[%swap3A_109] {strides = array<i32>} : memref<640xf32, #tpu.memory_space<vmem>>, vector<16xf32>,
    %swap3A_111 = vector.shape_cast %swap3A_110 : vector<16xf32> to vector<16xf32>
    %swap3A_112 = vector.shape_cast %broadcast_in_dim3A_108 : vector<16xf32> to vector<16xf32>
    tpu.vector_store %arg7[%swap3A_109], %swap3A_112 {strides = array<i32>} : memref<640xf32, #tpu.memory_space<vmem>>, vector<16xf32>,
    %broadcast_in_dim3A_113 = arith.constant 0.000000e+00 : f32
    %broadcast_in_dim3A_114 = vector.broadcast %broadcast_in_dim3A_113 : f32 to vector<16xf32>
    %swap3A_115 = arith.constant 304 : index
    %swap3A_116 = tpu.vector_load %arg7[%swap3A_115] {strides = array<i32>} : memref<640xf32, #tpu.memory_space<vmem>>, vector<16xf32>,
    %swap3A_117 = vector.shape_cast %swap3A_116 : vector<16xf32> to vector<16xf32>
    %swap3A_118 = vector.shape_cast %broadcast_in_dim3A_114 : vector<16xf32> to vector<16xf32>
    tpu.vector_store %arg7[%swap3A_115], %swap3A_118 {strides = array<i32>} : memref<640xf32, #tpu.memory_space<vmem>>, vector<16xf32>,
    %broadcast_in_dim3A_119 = arith.constant 0.000000e+00 : f32
    %broadcast_in_dim3A_120 = vector.broadcast %broadcast_in_dim3A_119 : f32 to vector<16xf32>
    %swap3A_121 = arith.constant 320 : index
    %swap3A_122 = tpu.vector_load %arg7[%swap3A_121] {strides = array<i32>} : memref<640xf32, #tpu.memory_space<vmem>>, vector<16xf32>,
    %swap3A_123 = vector.shape_cast %swap3A_122 : vector<16xf32> to vector<16xf32>
    %swap3A_124 = vector.shape_cast %broadcast_in_dim3A_120 : vector<16xf32> to vector<16xf32>
    tpu.vector_store %arg7[%swap3A_121], %swap3A_124 {strides = array<i32>} : memref<640xf32, #tpu.memory_space<vmem>>, vector<16xf32>,
    %broadcast_in_dim3A_125 = arith.constant 0.000000e+00 : f32
    %broadcast_in_dim3A_126 = vector.broadcast %broadcast_in_dim3A_125 : f32 to vector<16xf32>
    %swap3A_127 = arith.constant 336 : index
    %swap3A_128 = tpu.vector_load %arg7[%swap3A_127] {strides = array<i32>} : memref<640xf32, #tpu.memory_space<vmem>>, vector<16xf32>,
    %swap3A_129 = vector.shape_cast %swap3A_128 : vector<16xf32> to vector<16xf32>
    %swap3A_130 = vector.shape_cast %broadcast_in_dim3A_126 : vector<16xf32> to vector<16xf32>
    tpu.vector_store %arg7[%swap3A_127], %swap3A_130 {strides = array<i32>} : memref<640xf32, #tpu.memory_space<vmem>>, vector<16xf32>,
    %broadcast_in_dim3A_131 = arith.constant 0.000000e+00 : f32
    %broadcast_in_dim3A_132 = vector.broadcast %broadcast_in_dim3A_131 : f32 to vector<16xf32>
    %swap3A_133 = arith.constant 352 : index
    %swap3A_134 = tpu.vector_load %arg7[%swap3A_133] {strides = array<i32>} : memref<640xf32, #tpu.memory_space<vmem>>, vector<16xf32>,
    %swap3A_135 = vector.shape_cast %swap3A_134 : vector<16xf32> to vector<16xf32>
    %swap3A_136 = vector.shape_cast %broadcast_in_dim3A_132 : vector<16xf32> to vector<16xf32>
    tpu.vector_store %arg7[%swap3A_133], %swap3A_136 {strides = array<i32>} : memref<640xf32, #tpu.memory_space<vmem>>, vector<16xf32>,
    %broadcast_in_dim3A_137 = arith.constant 0.000000e+00 : f32
    %broadcast_in_dim3A_138 = vector.broadcast %broadcast_in_dim3A_137 : f32 to vector<16xf32>
    %swap3A_139 = arith.constant 368 : index
    %swap3A_140 = tpu.vector_load %arg7[%swap3A_139] {strides = array<i32>} : memref<640xf32, #tpu.memory_space<vmem>>, vector<16xf32>,
    %swap3A_141 = vector.shape_cast %swap3A_140 : vector<16xf32> to vector<16xf32>
    %swap3A_142 = vector.shape_cast %broadcast_in_dim3A_138 : vector<16xf32> to vector<16xf32>
    tpu.vector_store %arg7[%swap3A_139], %swap3A_142 {strides = array<i32>} : memref<640xf32, #tpu.memory_space<vmem>>, vector<16xf32>,
    %broadcast_in_dim3A_143 = arith.constant 0.000000e+00 : f32
    %broadcast_in_dim3A_144 = vector.broadcast %broadcast_in_dim3A_143 : f32 to vector<16xf32>
    %swap3A_145 = arith.constant 384 : index
    %swap3A_146 = tpu.vector_load %arg7[%swap3A_145] {strides = array<i32>} : memref<640xf32, #tpu.memory_space<vmem>>, vector<16xf32>,
    %swap3A_147 = vector.shape_cast %swap3A_146 : vector<16xf32> to vector<16xf32>
    %swap3A_148 = vector.shape_cast %broadcast_in_dim3A_144 : vector<16xf32> to vector<16xf32>
    tpu.vector_store %arg7[%swap3A_145], %swap3A_148 {strides = array<i32>} : memref<640xf32, #tpu.memory_space<vmem>>, vector<16xf32>,
    %broadcast_in_dim3A_149 = arith.constant 0.000000e+00 : f32
    %broadcast_in_dim3A_150 = vector.broadcast %broadcast_in_dim3A_149 : f32 to vector<16xf32>
    %swap3A_151 = arith.constant 400 : index
    %swap3A_152 = tpu.vector_load %arg7[%swap3A_151] {strides = array<i32>} : memref<640xf32, #tpu.memory_space<vmem>>, vector<16xf32>,
    %swap3A_153 = vector.shape_cast %swap3A_152 : vector<16xf32> to vector<16xf32>
    %swap3A_154 = vector.shape_cast %broadcast_in_dim3A_150 : vector<16xf32> to vector<16xf32>
    tpu.vector_store %arg7[%swap3A_151], %swap3A_154 {strides = array<i32>} : memref<640xf32, #tpu.memory_space<vmem>>, vector<16xf32>,
    %broadcast_in_dim3A_155 = arith.constant 0.000000e+00 : f32
    %broadcast_in_dim3A_156 = vector.broadcast %broadcast_in_dim3A_155 : f32 to vector<16xf32>
    %swap3A_157 = arith.constant 416 : index
    %swap3A_158 = tpu.vector_load %arg7[%swap3A_157] {strides = array<i32>} : memref<640xf32, #tpu.memory_space<vmem>>, vector<16xf32>,
    %swap3A_159 = vector.shape_cast %swap3A_158 : vector<16xf32> to vector<16xf32>
    %swap3A_160 = vector.shape_cast %broadcast_in_dim3A_156 : vector<16xf32> to vector<16xf32>
    tpu.vector_store %arg7[%swap3A_157], %swap3A_160 {strides = array<i32>} : memref<640xf32, #tpu.memory_space<vmem>>, vector<16xf32>,
    %broadcast_in_dim3A_161 = arith.constant 0.000000e+00 : f32
    %broadcast_in_dim3A_162 = vector.broadcast %broadcast_in_dim3A_161 : f32 to vector<16xf32>
    %swap3A_163 = arith.constant 432 : index
    %swap3A_164 = tpu.vector_load %arg7[%swap3A_163] {strides = array<i32>} : memref<640xf32, #tpu.memory_space<vmem>>, vector<16xf32>,
    %swap3A_165 = vector.shape_cast %swap3A_164 : vector<16xf32> to vector<16xf32>
    %swap3A_166 = vector.shape_cast %broadcast_in_dim3A_162 : vector<16xf32> to vector<16xf32>
    tpu.vector_store %arg7[%swap3A_163], %swap3A_166 {strides = array<i32>} : memref<640xf32, #tpu.memory_space<vmem>>, vector<16xf32>,
    %broadcast_in_dim3A_167 = arith.constant 0.000000e+00 : f32
    %broadcast_in_dim3A_168 = vector.broadcast %broadcast_in_dim3A_167 : f32 to vector<16xf32>
    %swap3A_169 = arith.constant 448 : index
    %swap3A_170 = tpu.vector_load %arg7[%swap3A_169] {strides = array<i32>} : memref<640xf32, #tpu.memory_space<vmem>>, vector<16xf32>,
    %swap3A_171 = vector.shape_cast %swap3A_170 : vector<16xf32> to vector<16xf32>
    %swap3A_172 = vector.shape_cast %broadcast_in_dim3A_168 : vector<16xf32> to vector<16xf32>
    tpu.vector_store %arg7[%swap3A_169], %swap3A_172 {strides = array<i32>} : memref<640xf32, #tpu.memory_space<vmem>>, vector<16xf32>,
    %broadcast_in_dim3A_173 = arith.constant 0.000000e+00 : f32
    %broadcast_in_dim3A_174 = vector.broadcast %broadcast_in_dim3A_173 : f32 to vector<16xf32>
    %swap3A_175 = arith.constant 464 : index
    %swap3A_176 = tpu.vector_load %arg7[%swap3A_175] {strides = array<i32>} : memref<640xf32, #tpu.memory_space<vmem>>, vector<16xf32>,
    %swap3A_177 = vector.shape_cast %swap3A_176 : vector<16xf32> to vector<16xf32>
    %swap3A_178 = vector.shape_cast %broadcast_in_dim3A_174 : vector<16xf32> to vector<16xf32>
    tpu.vector_store %arg7[%swap3A_175], %swap3A_178 {strides = array<i32>} : memref<640xf32, #tpu.memory_space<vmem>>, vector<16xf32>,
    %broadcast_in_dim3A_179 = arith.constant 0.000000e+00 : f32
    %broadcast_in_dim3A_180 = vector.broadcast %broadcast_in_dim3A_179 : f32 to vector<16xf32>
    %swap3A_181 = arith.constant 480 : index
    %swap3A_182 = tpu.vector_load %arg7[%swap3A_181] {strides = array<i32>} : memref<640xf32, #tpu.memory_space<vmem>>, vector<16xf32>,
    %swap3A_183 = vector.shape_cast %swap3A_182 : vector<16xf32> to vector<16xf32>
    %swap3A_184 = vector.shape_cast %broadcast_in_dim3A_180 : vector<16xf32> to vector<16xf32>
    tpu.vector_store %arg7[%swap3A_181], %swap3A_184 {strides = array<i32>} : memref<640xf32, #tpu.memory_space<vmem>>, vector<16xf32>,
    %broadcast_in_dim3A_185 = arith.constant 0.000000e+00 : f32
    %broadcast_in_dim3A_186 = vector.broadcast %broadcast_in_dim3A_185 : f32 to vector<16xf32>
    %swap3A_187 = arith.constant 496 : index
    %swap3A_188 = tpu.vector_load %arg7[%swap3A_187] {strides = array<i32>} : memref<640xf32, #tpu.memory_space<vmem>>, vector<16xf32>,
    %swap3A_189 = vector.shape_cast %swap3A_188 : vector<16xf32> to vector<16xf32>
    %swap3A_190 = vector.shape_cast %broadcast_in_dim3A_186 : vector<16xf32> to vector<16xf32>
    tpu.vector_store %arg7[%swap3A_187], %swap3A_190 {strides = array<i32>} : memref<640xf32, #tpu.memory_space<vmem>>, vector<16xf32>,
    %broadcast_in_dim3A_191 = arith.constant 0.000000e+00 : f32
    %broadcast_in_dim3A_192 = vector.broadcast %broadcast_in_dim3A_191 : f32 to vector<16xf32>
    %swap3A_193 = arith.constant 512 : index
    %swap3A_194 = tpu.vector_load %arg7[%swap3A_193] {strides = array<i32>} : memref<640xf32, #tpu.memory_space<vmem>>, vector<16xf32>,
    %swap3A_195 = vector.shape_cast %swap3A_194 : vector<16xf32> to vector<16xf32>
    %swap3A_196 = vector.shape_cast %broadcast_in_dim3A_192 : vector<16xf32> to vector<16xf32>
    tpu.vector_store %arg7[%swap3A_193], %swap3A_196 {strides = array<i32>} : memref<640xf32, #tpu.memory_space<vmem>>, vector<16xf32>,
    %broadcast_in_dim3A_197 = arith.constant 0.000000e+00 : f32
    %broadcast_in_dim3A_198 = vector.broadcast %broadcast_in_dim3A_197 : f32 to vector<16xf32>
    %swap3A_199 = arith.constant 528 : index
    %swap3A_200 = tpu.vector_load %arg7[%swap3A_199] {strides = array<i32>} : memref<640xf32, #tpu.memory_space<vmem>>, vector<16xf32>,
    %swap3A_201 = vector.shape_cast %swap3A_200 : vector<16xf32> to vector<16xf32>
    %swap3A_202 = vector.shape_cast %broadcast_in_dim3A_198 : vector<16xf32> to vector<16xf32>
    tpu.vector_store %arg7[%swap3A_199], %swap3A_202 {strides = array<i32>} : memref<640xf32, #tpu.memory_space<vmem>>, vector<16xf32>,
    %broadcast_in_dim3A_203 = arith.constant 0.000000e+00 : f32
    %broadcast_in_dim3A_204 = vector.broadcast %broadcast_in_dim3A_203 : f32 to vector<16xf32>
    %swap3A_205 = arith.constant 544 : index
    %swap3A_206 = tpu.vector_load %arg7[%swap3A_205] {strides = array<i32>} : memref<640xf32, #tpu.memory_space<vmem>>, vector<16xf32>,
    %swap3A_207 = vector.shape_cast %swap3A_206 : vector<16xf32> to vector<16xf32>
    %swap3A_208 = vector.shape_cast %broadcast_in_dim3A_204 : vector<16xf32> to vector<16xf32>
    tpu.vector_store %arg7[%swap3A_205], %swap3A_208 {strides = array<i32>} : memref<640xf32, #tpu.memory_space<vmem>>, vector<16xf32>,
    %broadcast_in_dim3A_209 = arith.constant 0.000000e+00 : f32
    %broadcast_in_dim3A_210 = vector.broadcast %broadcast_in_dim3A_209 : f32 to vector<16xf32>
    %swap3A_211 = arith.constant 560 : index
    %swap3A_212 = tpu.vector_load %arg7[%swap3A_211] {strides = array<i32>} : memref<640xf32, #tpu.memory_space<vmem>>, vector<16xf32>,
    %swap3A_213 = vector.shape_cast %swap3A_212 : vector<16xf32> to vector<16xf32>
    %swap3A_214 = vector.shape_cast %broadcast_in_dim3A_210 : vector<16xf32> to vector<16xf32>
    tpu.vector_store %arg7[%swap3A_211], %swap3A_214 {strides = array<i32>} : memref<640xf32, #tpu.memory_space<vmem>>, vector<16xf32>,
    %broadcast_in_dim3A_215 = arith.constant 0.000000e+00 : f32
    %broadcast_in_dim3A_216 = vector.broadcast %broadcast_in_dim3A_215 : f32 to vector<16xf32>
    %swap3A_217 = arith.constant 576 : index
    %swap3A_218 = tpu.vector_load %arg7[%swap3A_217] {strides = array<i32>} : memref<640xf32, #tpu.memory_space<vmem>>, vector<16xf32>,
    %swap3A_219 = vector.shape_cast %swap3A_218 : vector<16xf32> to vector<16xf32>
    %swap3A_220 = vector.shape_cast %broadcast_in_dim3A_216 : vector<16xf32> to vector<16xf32>
    tpu.vector_store %arg7[%swap3A_217], %swap3A_220 {strides = array<i32>} : memref<640xf32, #tpu.memory_space<vmem>>, vector<16xf32>,
    %broadcast_in_dim3A_221 = arith.constant 0.000000e+00 : f32
    %broadcast_in_dim3A_222 = vector.broadcast %broadcast_in_dim3A_221 : f32 to vector<16xf32>
    %swap3A_223 = arith.constant 592 : index
    %swap3A_224 = tpu.vector_load %arg7[%swap3A_223] {strides = array<i32>} : memref<640xf32, #tpu.memory_space<vmem>>, vector<16xf32>,
    %swap3A_225 = vector.shape_cast %swap3A_224 : vector<16xf32> to vector<16xf32>
    %swap3A_226 = vector.shape_cast %broadcast_in_dim3A_222 : vector<16xf32> to vector<16xf32>
    tpu.vector_store %arg7[%swap3A_223], %swap3A_226 {strides = array<i32>} : memref<640xf32, #tpu.memory_space<vmem>>, vector<16xf32>,
    %broadcast_in_dim3A_227 = arith.constant 0.000000e+00 : f32
    %broadcast_in_dim3A_228 = vector.broadcast %broadcast_in_dim3A_227 : f32 to vector<16xf32>
    %swap3A_229 = arith.constant 608 : index
    %swap3A_230 = tpu.vector_load %arg7[%swap3A_229] {strides = array<i32>} : memref<640xf32, #tpu.memory_space<vmem>>, vector<16xf32>,
    %swap3A_231 = vector.shape_cast %swap3A_230 : vector<16xf32> to vector<16xf32>
    %swap3A_232 = vector.shape_cast %broadcast_in_dim3A_228 : vector<16xf32> to vector<16xf32>
    tpu.vector_store %arg7[%swap3A_229], %swap3A_232 {strides = array<i32>} : memref<640xf32, #tpu.memory_space<vmem>>, vector<16xf32>,
    %broadcast_in_dim3A_233 = arith.constant 0.000000e+00 : f32
    %broadcast_in_dim3A_234 = vector.broadcast %broadcast_in_dim3A_233 : f32 to vector<16xf32>
    %swap3A_235 = arith.constant 624 : index
    %swap3A_236 = tpu.vector_load %arg7[%swap3A_235] {strides = array<i32>} : memref<640xf32, #tpu.memory_space<vmem>>, vector<16xf32>,
    %swap3A_237 = vector.shape_cast %swap3A_236 : vector<16xf32> to vector<16xf32>
    %swap3A_238 = vector.shape_cast %broadcast_in_dim3A_234 : vector<16xf32> to vector<16xf32>
    tpu.vector_store %arg7[%swap3A_235], %swap3A_238 {strides = array<i32>} : memref<640xf32, #tpu.memory_space<vmem>>, vector<16xf32>,
    %broadcast_in_dim3A_239 = arith.constant 1.000000e+00 : f32
    %broadcast_in_dim3A_240 = vector.broadcast %broadcast_in_dim3A_239 : f32 to vector<16xf32>
    %swap3A_241 = arith.constant 0 : index
    %swap3A_242 = tpu.vector_load %arg6[%swap3A_241] {strides = array<i32>} : memref<128xf32, #tpu.memory_space<vmem>>, vector<16xf32>,
    %swap3A_243 = vector.shape_cast %swap3A_242 : vector<16xf32> to vector<16xf32>
    %swap3A_244 = vector.shape_cast %broadcast_in_dim3A_240 : vector<16xf32> to vector<16xf32>
    tpu.vector_store %arg6[%swap3A_241], %swap3A_244 {strides = array<i32>} : memref<128xf32, #tpu.memory_space<vmem>>, vector<16xf32>,
    %broadcast_in_dim3A_245 = arith.constant 1.000000e+00 : f32
    %broadcast_in_dim3A_246 = vector.broadcast %broadcast_in_dim3A_245 : f32 to vector<16xf32>
    %swap3A_247 = arith.constant 16 : index
    %swap3A_248 = tpu.vector_load %arg6[%swap3A_247] {strides = array<i32>} : memref<128xf32, #tpu.memory_space<vmem>>, vector<16xf32>,
    %swap3A_249 = vector.shape_cast %swap3A_248 : vector<16xf32> to vector<16xf32>
    %swap3A_250 = vector.shape_cast %broadcast_in_dim3A_246 : vector<16xf32> to vector<16xf32>
    tpu.vector_store %arg6[%swap3A_247], %swap3A_250 {strides = array<i32>} : memref<128xf32, #tpu.memory_space<vmem>>, vector<16xf32>,
    %broadcast_in_dim3A_251 = arith.constant 1.000000e+00 : f32
    %broadcast_in_dim3A_252 = vector.broadcast %broadcast_in_dim3A_251 : f32 to vector<16xf32>
    %swap3A_253 = arith.constant 32 : index
    %swap3A_254 = tpu.vector_load %arg6[%swap3A_253] {strides = array<i32>} : memref<128xf32, #tpu.memory_space<vmem>>, vector<16xf32>,
    %swap3A_255 = vector.shape_cast %swap3A_254 : vector<16xf32> to vector<16xf32>
    %swap3A_256 = vector.shape_cast %broadcast_in_dim3A_252 : vector<16xf32> to vector<16xf32>
    tpu.vector_store %arg6[%swap3A_253], %swap3A_256 {strides = array<i32>} : memref<128xf32, #tpu.memory_space<vmem>>, vector<16xf32>,
    %broadcast_in_dim3A_257 = arith.constant 1.000000e+00 : f32
    %broadcast_in_dim3A_258 = vector.broadcast %broadcast_in_dim3A_257 : f32 to vector<16xf32>
    %swap3A_259 = arith.constant 48 : index
    %swap3A_260 = tpu.vector_load %arg6[%swap3A_259] {strides = array<i32>} : memref<128xf32, #tpu.memory_space<vmem>>, vector<16xf32>,
    %swap3A_261 = vector.shape_cast %swap3A_260 : vector<16xf32> to vector<16xf32>
    %swap3A_262 = vector.shape_cast %broadcast_in_dim3A_258 : vector<16xf32> to vector<16xf32>
    tpu.vector_store %arg6[%swap3A_259], %swap3A_262 {strides = array<i32>} : memref<128xf32, #tpu.memory_space<vmem>>, vector<16xf32>,
    %broadcast_in_dim3A_263 = arith.constant 1.000000e+00 : f32
    %broadcast_in_dim3A_264 = vector.broadcast %broadcast_in_dim3A_263 : f32 to vector<16xf32>
    %swap3A_265 = arith.constant 64 : index
    %swap3A_266 = tpu.vector_load %arg6[%swap3A_265] {strides = array<i32>} : memref<128xf32, #tpu.memory_space<vmem>>, vector<16xf32>,
    %swap3A_267 = vector.shape_cast %swap3A_266 : vector<16xf32> to vector<16xf32>
    %swap3A_268 = vector.shape_cast %broadcast_in_dim3A_264 : vector<16xf32> to vector<16xf32>
    tpu.vector_store %arg6[%swap3A_265], %swap3A_268 {strides = array<i32>} : memref<128xf32, #tpu.memory_space<vmem>>, vector<16xf32>,
    %broadcast_in_dim3A_269 = arith.constant 1.000000e+00 : f32
    %broadcast_in_dim3A_270 = vector.broadcast %broadcast_in_dim3A_269 : f32 to vector<16xf32>
    %swap3A_271 = arith.constant 80 : index
    %swap3A_272 = tpu.vector_load %arg6[%swap3A_271] {strides = array<i32>} : memref<128xf32, #tpu.memory_space<vmem>>, vector<16xf32>,
    %swap3A_273 = vector.shape_cast %swap3A_272 : vector<16xf32> to vector<16xf32>
    %swap3A_274 = vector.shape_cast %broadcast_in_dim3A_270 : vector<16xf32> to vector<16xf32>
    tpu.vector_store %arg6[%swap3A_271], %swap3A_274 {strides = array<i32>} : memref<128xf32, #tpu.memory_space<vmem>>, vector<16xf32>,
    %broadcast_in_dim3A_275 = arith.constant 1.000000e+00 : f32
    %broadcast_in_dim3A_276 = vector.broadcast %broadcast_in_dim3A_275 : f32 to vector<16xf32>
    %swap3A_277 = arith.constant 96 : index
    %swap3A_278 = tpu.vector_load %arg6[%swap3A_277] {strides = array<i32>} : memref<128xf32, #tpu.memory_space<vmem>>, vector<16xf32>,
    %swap3A_279 = vector.shape_cast %swap3A_278 : vector<16xf32> to vector<16xf32>
    %swap3A_280 = vector.shape_cast %broadcast_in_dim3A_276 : vector<16xf32> to vector<16xf32>
    tpu.vector_store %arg6[%swap3A_277], %swap3A_280 {strides = array<i32>} : memref<128xf32, #tpu.memory_space<vmem>>, vector<16xf32>,
    %broadcast_in_dim3A_281 = arith.constant 1.000000e+00 : f32
    %broadcast_in_dim3A_282 = vector.broadcast %broadcast_in_dim3A_281 : f32 to vector<16xf32>
    %swap3A_283 = arith.constant 112 : index
    %swap3A_284 = tpu.vector_load %arg6[%swap3A_283] {strides = array<i32>} : memref<128xf32, #tpu.memory_space<vmem>>, vector<16xf32>,
    %swap3A_285 = vector.shape_cast %swap3A_284 : vector<16xf32> to vector<16xf32>
    %swap3A_286 = vector.shape_cast %broadcast_in_dim3A_282 : vector<16xf32> to vector<16xf32>
    tpu.vector_store %arg6[%swap3A_283], %swap3A_286 {strides = array<i32>} : memref<128xf32, #tpu.memory_space<vmem>>, vector<16xf32>,
    %mul3A_287 = arith.constant 640 : i32
    %mul3A_288 = arith.muli %arg1, %mul3A_287 : i32
    "tpu.region"() ({
      %run_scoped3A_306 = tpu.sem_alloc : memref<!tpu.dma_semaphore, #tpu.memory_space<semaphore_mem>>
      %dma_start3A = tpu.memref_slice %arg8[%mul3A_288] : memref<10240xf32, #tpu.memory_space<vmem_shared>> -> memref<640xf32, #tpu.memory_space<vmem_shared>>
      %dma_start3A_307 = tpu.memref_slice %arg8[%mul3A_288] : memref<10240xf32, #tpu.memory_space<vmem_shared>> -> memref<640xf32, #tpu.memory_space<vmem_shared>>
      tpu.enqueue_dma source(%arg7 : memref<640xf32, #tpu.memory_space<vmem>>) target(%dma_start3A_307 : memref<640xf32, #tpu.memory_space<vmem_shared>>) target_semaphore(%run_scoped3A_306 : memref<!tpu.dma_semaphore, #tpu.memory_space<semaphore_mem>>)
      %dma_wait3A = tpu.memref_slice %arg8[%mul3A_288] : memref<10240xf32, #tpu.memory_space<vmem_shared>> -> memref<640xf32, #tpu.memory_space<vmem_shared>>
      %dma_wait3A_308 = tpu.memref_slice %arg8[%mul3A_288] : memref<10240xf32, #tpu.memory_space<vmem_shared>> -> memref<640xf32, #tpu.memory_space<vmem_shared>>
      tpu.wait_dma2 semaphore(%run_scoped3A_306 : memref<!tpu.dma_semaphore, #tpu.memory_space<semaphore_mem>>) src(%arg7 : memref<640xf32, #tpu.memory_space<vmem>>) dst(%dma_wait3A_308 : memref<640xf32, #tpu.memory_space<vmem_shared>>)
      tpu.yield
    }) : () -> ()
    %mul3A_289 = arith.constant 72 : i32
    %mul3A_290 = arith.muli %add3A, %mul3A_289 : i32
    %run_scoped3A = arith.constant 1 : i32
    "tpu.region"() ({
      %run_scoped3A_306 = tpu.sem_alloc : memref<!tpu.dma_semaphore, #tpu.memory_space<semaphore_mem>>
      %dma_start3A = arith.constant 0 : i32
      %dma_start3A_307 = arith.constant 0 : i32
      %dma_start3A_308 = tpu.memref_slice %arg5[%dma_start3A, %dma_start3A_307] : memref<80x128xi32, #tpu.memory_space<vmem>> -> memref<72x128xi32, #tpu.memory_space<vmem>>
      %dma_start3A_309 = arith.constant 0 : i32
      %dma_start3A_310 = tpu.memref_slice %arg2[%run_scoped3A, %mul3A_290, %dma_start3A_309] : memref<2x2500x128xi32, #tpu.memory_space<hbm>> -> memref<1x72x128xi32, #tpu.memory_space<hbm>>
      %dma_start3A_311 = tpu.memref_squeeze %dma_start3A_310 : memref<1x72x128xi32, #tpu.memory_space<hbm>> -> memref<72x128xi32, #tpu.memory_space<hbm>>
      %dma_start3A_312 = arith.constant 0 : i32
      %dma_start3A_313 = arith.constant 0 : i32
      %dma_start3A_314 = tpu.memref_slice %arg5[%dma_start3A_312, %dma_start3A_313] : memref<80x128xi32, #tpu.memory_space<vmem>> -> memref<72x128xi32, #tpu.memory_space<vmem>>
      %dma_start3A_315 = arith.constant 0 : i32
      %dma_start3A_316 = tpu.memref_slice %arg2[%run_scoped3A, %mul3A_290, %dma_start3A_315] : memref<2x2500x128xi32, #tpu.memory_space<hbm>> -> memref<1x72x128xi32, #tpu.memory_space<hbm>>
      %dma_start3A_317 = tpu.memref_squeeze %dma_start3A_316 : memref<1x72x128xi32, #tpu.memory_space<hbm>> -> memref<72x128xi32, #tpu.memory_space<hbm>>
      tpu.enqueue_dma source(%dma_start3A_317 : memref<72x128xi32, #tpu.memory_space<hbm>>) target(%dma_start3A_314 : memref<72x128xi32, #tpu.memory_space<vmem>>) target_semaphore(%run_scoped3A_306 : memref<!tpu.dma_semaphore, #tpu.memory_space<semaphore_mem>>)
      %dma_wait3A = arith.constant 0 : i32
      %dma_wait3A_318 = arith.constant 0 : i32
      %dma_wait3A_319 = tpu.memref_slice %arg5[%dma_wait3A, %dma_wait3A_318] : memref<80x128xi32, #tpu.memory_space<vmem>> -> memref<72x128xi32, #tpu.memory_space<vmem>>
      %dma_wait3A_320 = arith.constant 0 : i32
      %dma_wait3A_321 = tpu.memref_slice %arg2[%run_scoped3A, %mul3A_290, %dma_wait3A_320] : memref<2x2500x128xi32, #tpu.memory_space<hbm>> -> memref<1x72x128xi32, #tpu.memory_space<hbm>>
      %dma_wait3A_322 = tpu.memref_squeeze %dma_wait3A_321 : memref<1x72x128xi32, #tpu.memory_space<hbm>> -> memref<72x128xi32, #tpu.memory_space<hbm>>
      %dma_wait3A_323 = arith.constant 0 : i32
      %dma_wait3A_324 = arith.constant 0 : i32
      %dma_wait3A_325 = tpu.memref_slice %arg5[%dma_wait3A_323, %dma_wait3A_324] : memref<80x128xi32, #tpu.memory_space<vmem>> -> memref<72x128xi32, #tpu.memory_space<vmem>>
      %dma_wait3A_326 = arith.constant 0 : i32
      %dma_wait3A_327 = tpu.memref_slice %arg2[%run_scoped3A, %mul3A_290, %dma_wait3A_326] : memref<2x2500x128xi32, #tpu.memory_space<hbm>> -> memref<1x72x128xi32, #tpu.memory_space<hbm>>
      %dma_wait3A_328 = tpu.memref_squeeze %dma_wait3A_327 : memref<1x72x128xi32, #tpu.memory_space<hbm>> -> memref<72x128xi32, #tpu.memory_space<hbm>>
      tpu.wait_dma2 semaphore(%run_scoped3A_306 : memref<!tpu.dma_semaphore, #tpu.memory_space<semaphore_mem>>) src(%dma_wait3A_328 : memref<72x128xi32, #tpu.memory_space<hbm>>) dst(%dma_wait3A_325 : memref<72x128xi32, #tpu.memory_space<vmem>>)
      tpu.yield
    }) : () -> ()
    %run_scoped3A_291 = arith.constant 1 : i32
    "tpu.region"() ({
      %run_scoped3A_306 = tpu.sem_alloc : memref<!tpu.dma_semaphore, #tpu.memory_space<semaphore_mem>>
      %dma_start3A = arith.constant 72 : i32
      %dma_start3A_307 = arith.constant 0 : i32
      %dma_start3A_308 = tpu.memref_slice %arg5[%dma_start3A, %dma_start3A_307] : memref<80x128xi32, #tpu.memory_space<vmem>> -> memref<8x128xi32, #tpu.memory_space<vmem>>
      %dma_start3A_309 = arith.constant 0 : i32
      %dma_start3A_310 = arith.constant 0 : i32
      %dma_start3A_311 = tpu.memref_slice %arg3[%run_scoped3A_291, %add3A, %dma_start3A_309, %dma_start3A_310] : memref<2x32x8x128xi32, #tpu.memory_space<hbm>> -> memref<1x1x8x128xi32, #tpu.memory_space<hbm>>
      %dma_start3A_312 = tpu.memref_squeeze %dma_start3A_311 : memref<1x1x8x128xi32, #tpu.memory_space<hbm>> -> memref<8x128xi32, #tpu.memory_space<hbm>>
      %dma_start3A_313 = arith.constant 72 : i32
      %dma_start3A_314 = arith.constant 0 : i32
      %dma_start3A_315 = tpu.memref_slice %arg5[%dma_start3A_313, %dma_start3A_314] : memref<80x128xi32, #tpu.memory_space<vmem>> -> memref<8x128xi32, #tpu.memory_space<vmem>>
      %dma_start3A_316 = arith.constant 0 : i32
      %dma_start3A_317 = arith.constant 0 : i32
      %dma_start3A_318 = tpu.memref_slice %arg3[%run_scoped3A_291, %add3A, %dma_start3A_316, %dma_start3A_317] : memref<2x32x8x128xi32, #tpu.memory_space<hbm>> -> memref<1x1x8x128xi32, #tpu.memory_space<hbm>>
      %dma_start3A_319 = tpu.memref_squeeze %dma_start3A_318 : memref<1x1x8x128xi32, #tpu.memory_space<hbm>> -> memref<8x128xi32, #tpu.memory_space<hbm>>
      tpu.enqueue_dma source(%dma_start3A_319 : memref<8x128xi32, #tpu.memory_space<hbm>>) target(%dma_start3A_315 : memref<8x128xi32, #tpu.memory_space<vmem>>) target_semaphore(%run_scoped3A_306 : memref<!tpu.dma_semaphore, #tpu.memory_space<semaphore_mem>>)
      %dma_wait3A = arith.constant 72 : i32
      %dma_wait3A_320 = arith.constant 0 : i32
      %dma_wait3A_321 = tpu.memref_slice %arg5[%dma_wait3A, %dma_wait3A_320] : memref<80x128xi32, #tpu.memory_space<vmem>> -> memref<8x128xi32, #tpu.memory_space<vmem>>
      %dma_wait3A_322 = arith.constant 0 : i32
      %dma_wait3A_323 = arith.constant 0 : i32
      %dma_wait3A_324 = tpu.memref_slice %arg3[%run_scoped3A_291, %add3A, %dma_wait3A_322, %dma_wait3A_323] : memref<2x32x8x128xi32, #tpu.memory_space<hbm>> -> memref<1x1x8x128xi32, #tpu.memory_space<hbm>>
      %dma_wait3A_325 = tpu.memref_squeeze %dma_wait3A_324 : memref<1x1x8x128xi32, #tpu.memory_space<hbm>> -> memref<8x128xi32, #tpu.memory_space<hbm>>
      %dma_wait3A_326 = arith.constant 72 : i32
      %dma_wait3A_327 = arith.constant 0 : i32
      %dma_wait3A_328 = tpu.memref_slice %arg5[%dma_wait3A_326, %dma_wait3A_327] : memref<80x128xi32, #tpu.memory_space<vmem>> -> memref<8x128xi32, #tpu.memory_space<vmem>>
      %dma_wait3A_329 = arith.constant 0 : i32
      %dma_wait3A_330 = arith.constant 0 : i32
      %dma_wait3A_331 = tpu.memref_slice %arg3[%run_scoped3A_291, %add3A, %dma_wait3A_329, %dma_wait3A_330] : memref<2x32x8x128xi32, #tpu.memory_space<hbm>> -> memref<1x1x8x128xi32, #tpu.memory_space<hbm>>
      %dma_wait3A_332 = tpu.memref_squeeze %dma_wait3A_331 : memref<1x1x8x128xi32, #tpu.memory_space<hbm>> -> memref<8x128xi32, #tpu.memory_space<hbm>>
      tpu.wait_dma2 semaphore(%run_scoped3A_306 : memref<!tpu.dma_semaphore, #tpu.memory_space<semaphore_mem>>) src(%dma_wait3A_332 : memref<8x128xi32, #tpu.memory_space<hbm>>) dst(%dma_wait3A_328 : memref<8x128xi32, #tpu.memory_space<vmem>>)
      tpu.yield
    }) : () -> ()
    %barrier3A = arith.constant 0 : index
    tpu.barrier barrier_id(%barrier3A)
    %scan3A = arith.constant 0 : i32
    %scan3A_292 = arith.constant 0 : i32
    %scan3A_293 = arith.constant 80 : i32
    %scan3A_294 = arith.addi %scan3A_292, %scan3A_293 : i32
    %scan3A_295 = arith.constant 1 : i32
    scf.for %scan3A_306 = %scan3A_292 to %scan3A_294 step %scan3A_295  : i32 {
      %dma_start3A = arith.constant 0 : i32
      %dma_start3A_307 = tpu.memref_slice %arg5[%scan3A_306, %dma_start3A] : memref<80x128xi32, #tpu.memory_space<vmem>> -> memref<1x128xi32, #tpu.memory_space<vmem>>
      %dma_start3A_308 = tpu.memref_squeeze %dma_start3A_307 : memref<1x128xi32, #tpu.memory_space<vmem>> -> memref<128xi32, #tpu.memory_space<vmem>>
      %dma_start3A_309 = arith.constant 0 : i32
      %dma_start3A_310 = tpu.memref_slice %arg8[%dma_start3A_309] : memref<10240xf32, #tpu.memory_space<vmem_shared>> -> memref<10240xf32, #tpu.memory_space<vmem_shared>>
      tpu.enqueue_indirect_dma source(%arg6 : memref<128xf32, #tpu.memory_space<vmem>>) target(%dma_start3A_310 : memref<10240xf32, #tpu.memory_space<vmem_shared>>) offsets(%dma_start3A_308 : memref<128xi32, #tpu.memory_space<vmem>>) semaphore(%arg9 : memref<!tpu.dma_semaphore, #tpu.memory_space<semaphore_mem>>) {add = true}
    }
    %scan3A_296 = arith.constant 80 : i32
    %scan3A_297 = arith.constant 0 : i32
    %scan3A_298 = arith.constant 0 : i32
    %scan3A_299 = arith.constant 80 : i32
    %scan3A_300 = arith.addi %scan3A_298, %scan3A_299 : i32
    %scan3A_301 = arith.constant 1 : i32
    scf.for %scan3A_306 = %scan3A_298 to %scan3A_300 step %scan3A_301  : i32 {
      %dma_wait3A = arith.constant 0 : i32
      %dma_wait3A_307 = tpu.memref_slice %arg5[%scan3A_306, %dma_wait3A] : memref<80x128xi32, #tpu.memory_space<vmem>> -> memref<1x128xi32, #tpu.memory_space<vmem>>
      %dma_wait3A_308 = tpu.memref_squeeze %dma_wait3A_307 : memref<1x128xi32, #tpu.memory_space<vmem>> -> memref<128xi32, #tpu.memory_space<vmem>>
      %dma_wait3A_309 = arith.constant 0 : i32
      %dma_wait3A_310 = tpu.memref_slice %arg8[%dma_wait3A_309] : memref<10240xf32, #tpu.memory_space<vmem_shared>> -> memref<10240xf32, #tpu.memory_space<vmem_shared>>
      tpu.wait_indirect_dma semaphore(%arg9 : memref<!tpu.dma_semaphore, #tpu.memory_space<semaphore_mem>>) src(%arg6 : memref<128xf32, #tpu.memory_space<vmem>>) dst(%dma_wait3A_310 : memref<10240xf32, #tpu.memory_space<vmem_shared>>)
    }
    %scan3A_302 = arith.constant 80 : i32
    %barrier3A_303 = arith.constant 0 : index
    tpu.barrier barrier_id(%barrier3A_303)
    %eq3A = arith.constant 0 : i32
    %eq3A_304 = arith.cmpi eq, %arg1, %eq3A : i32
    %convert_element_type3A = arith.extui %eq3A_304 : i1 to i32
    %cond3A = arith.constant 0 : i32
    %cond3A_305 = arith.cmpi ne, %convert_element_type3A, %cond3A : i32
    scf.if %cond3A_305 {
      "tpu.region"() ({
        %run_scoped3A_306 = tpu.sem_alloc : memref<!tpu.dma_semaphore, #tpu.memory_space<semaphore_mem>>
        %dma_start3A = arith.constant 0 : i32
        %dma_start3A_307 = tpu.memref_slice %arg4[%arg0, %dma_start3A] : memref<2x10240xf32, #tpu.memory_space<hbm>> -> memref<1x10240xf32, #tpu.memory_space<hbm>>
        %dma_start3A_308 = tpu.memref_squeeze %dma_start3A_307 : memref<1x10240xf32, #tpu.memory_space<hbm>> -> memref<10240xf32, #tpu.memory_space<hbm>>
        tpu.enqueue_dma source(%arg8 : memref<10240xf32, #tpu.memory_space<vmem_shared>>) target(%dma_start3A_308 : memref<10240xf32, #tpu.memory_space<hbm>>) target_semaphore(%run_scoped3A_306 : memref<!tpu.dma_semaphore, #tpu.memory_space<semaphore_mem>>)
        %dma_wait3A = arith.constant 0 : i32
        %dma_wait3A_309 = tpu.memref_slice %arg4[%arg0, %dma_wait3A] : memref<2x10240xf32, #tpu.memory_space<hbm>> -> memref<1x10240xf32, #tpu.memory_space<hbm>>
        %dma_wait3A_310 = tpu.memref_squeeze %dma_wait3A_309 : memref<1x10240xf32, #tpu.memory_space<hbm>> -> memref<10240xf32, #tpu.memory_space<hbm>>
        tpu.wait_dma2 semaphore(%run_scoped3A_306 : memref<!tpu.dma_semaphore, #tpu.memory_space<semaphore_mem>>) src(%arg8 : memref<10240xf32, #tpu.memory_space<vmem_shared>>) dst(%dma_wait3A_310 : memref<10240xf32, #tpu.memory_space<hbm>>)
        tpu.yield
      }) : () -> ()
    } else {
    }
    return
  }
}

module attributes {stable_mosaic.version = 14 : i64} {
  func.func @_scale_matmul_kernel(%arg0: i32, %arg1: memref<1280x128xf32, #tpu.memory_space<vmem>>, %arg2: memref<128x128xf32, #tpu.memory_space<vmem>>, %arg3: memref<2x80x128xf32, #tpu.memory_space<vmem>>, %arg4: memref<1280x128xf32, #tpu.memory_space<vmem>>) attributes {dimension_semantics = [#tpu.dimension_semantics<arbitrary>], iteration_bounds = array<i64: 8>, scalar_prefetch = 0 : i64, scratch_operands = 0 : i64, tpu.core_type = #tpu.core_type<tc>, window_params = [{transform_indices = @transform_0, window_bounds = array<i64: 1280, 128>}, {pipeline_mode = #tpu.pipeline_mode<synchronous>, transform_indices = @transform_1, window_bounds = array<i64: 128, 128>}, {pipeline_mode = #tpu.pipeline_mode<synchronous>, transform_indices = @transform_2, window_bounds = array<i64: 2, 80, 128>}, {transform_indices = @transform_3, window_bounds = array<i64: 1280, 128>}]} {
    %get3A = arith.constant 0 : index
    %get3A_0 = arith.constant 0 : index
    %get3A_1 = vector.load %arg1[%get3A, %get3A_0] : memref<1280x128xf32, #tpu.memory_space<vmem>>, vector<1280x128xf32>
    %get3A_2 = arith.constant 0 : index
    %get3A_3 = arith.constant 0 : index
    %get3A_4 = vector.load %arg2[%get3A_2, %get3A_3] : memref<128x128xf32, #tpu.memory_space<vmem>>, vector<128x128xf32>
    %dot_general3A = arith.constant dense<0.000000e+00> : vector<1280x128xf32>
    %dot_general3A_5 = tpu.matmul %get3A_1, %get3A_4, %dot_general3A {dimension_numbers = #tpu.dot_dimension_numbers<[1], [1], [0], [0], [0, 0, 1, 0], [], []>, transpose_lhs_hint = false} : vector<1280x128xf32>, vector<128x128xf32>, vector<1280x128xf32> -> vector<1280x128xf32>
    %mul3A = arith.constant 10 : i32
    %mul3A_6 = arith.muli %arg0, %mul3A : i32
    %add3A = arith.constant 0 : i32
    %add3A_7 = arith.addi %mul3A_6, %add3A : i32
    %get3A_8 = arith.constant 0 : index
    %get3A_9 = arith.index_cast %add3A_7 : i32 to index
    %get3A_10 = arith.constant 0 : index
    %get3A_11 = vector.load %arg3[%get3A_8, %get3A_9, %get3A_10] : memref<2x80x128xf32, #tpu.memory_space<vmem>>, vector<1x1x128xf32>
    %get3A_12 = vector.shape_cast %get3A_11 : vector<1x1x128xf32> to vector<1x128xf32>
    %get3A_13 = arith.constant 1 : index
    %get3A_14 = arith.index_cast %add3A_7 : i32 to index
    %get3A_15 = arith.constant 0 : index
    %get3A_16 = vector.load %arg3[%get3A_13, %get3A_14, %get3A_15] : memref<2x80x128xf32, #tpu.memory_space<vmem>>, vector<1x1x128xf32>
    %get3A_17 = vector.shape_cast %get3A_16 : vector<1x1x128xf32> to vector<1x128xf32>
    %add3A_18 = arith.addf %get3A_12, %get3A_17 : vector<1x128xf32>
    %mul3A_19 = arith.constant 128 : i32
    %mul3A_20 = arith.muli %add3A_7, %mul3A_19 : i32
    %iota3A = tpu.iota {dimensions = array<i32: 1>} : vector<1x128xi32>
    %add3A_21 = vector.broadcast %mul3A_20 : i32 to vector<1x128xi32>
    %add3A_22 = arith.addi %add3A_21, %iota3A : vector<1x128xi32>
    %lt3A = arith.constant 10000 : i32
    %lt3A_23 = vector.broadcast %lt3A : i32 to vector<1x128xi32>
    %lt3A_24 = arith.cmpi slt, %add3A_22, %lt3A_23 : vector<1x128xi32>
    %rsqrt3A = math.rsqrt %add3A_18 : vector<1x128xf32>
    %jit3A = arith.constant 0.000000e+00 : f32
    %broadcast_in_dim3A = vector.broadcast %jit3A : f32 to vector<1x128xf32>
    %select_n3A = arith.select %lt3A_24, %rsqrt3A, %broadcast_in_dim3A : vector<1x128xi1>, vector<1x128xf32>
    %iota3A_25 = tpu.iota {dimensions = array<i32: 0>} : vector<128x128xi32>
    %iota3A_26 = tpu.iota {dimensions = array<i32: 1>} : vector<128x128xi32>
    %eq3A = arith.cmpi eq, %iota3A_25, %iota3A_26 : vector<128x128xi32>
    %broadcast_in_dim3A_27 = vector.shape_cast %select_n3A : vector<1x128xf32> to vector<1x128xf32>
    %broadcast_in_dim3A_28 = vector.broadcast %broadcast_in_dim3A_27 : vector<1x128xf32> to vector<128x128xf32>
    %jit3A_29 = arith.constant 0.000000e+00 : f32
    %broadcast_in_dim3A_30 = vector.broadcast %jit3A_29 : f32 to vector<128x128xf32>
    %select_n3A_31 = arith.select %eq3A, %broadcast_in_dim3A_28, %broadcast_in_dim3A_30 : vector<128x128xi1>, vector<128x128xf32>
    %slice3A = vector.extract_strided_slice %dot_general3A_5 {offsets = [0, 0], sizes = [128, 128], strides = [1, 1]} : vector<1280x128xf32> to vector<128x128xf32>
    %dot_general3A_32 = arith.constant dense<0.000000e+00> : vector<128x128xf32>
    %dot_general3A_33 = tpu.matmul %select_n3A_31, %slice3A, %dot_general3A_32 {dimension_numbers = #tpu.dot_dimension_numbers<[1], [0], [0], [1], [0, 0, 1, 1], [], []>, transpose_lhs_hint = false} : vector<128x128xf32>, vector<128x128xf32>, vector<128x128xf32> -> vector<128x128xf32>
    %swap3A = arith.constant 0 : index
    %swap3A_34 = arith.constant 0 : index
    %swap3A_35 = vector.load %arg4[%swap3A, %swap3A_34] : memref<1280x128xf32, #tpu.memory_space<vmem>>, vector<128x128xf32>
    tpu.vector_store %arg4[%swap3A, %swap3A_34], %dot_general3A_33 {strides = array<i32>} : memref<1280x128xf32, #tpu.memory_space<vmem>>, vector<128x128xf32>,
    %mul3A_36 = arith.constant 10 : i32
    %mul3A_37 = arith.muli %arg0, %mul3A_36 : i32
    %add3A_38 = arith.constant 1 : i32
    %add3A_39 = arith.addi %mul3A_37, %add3A_38 : i32
    %get3A_40 = arith.constant 0 : index
    %get3A_41 = arith.index_cast %add3A_39 : i32 to index
    %get3A_42 = arith.constant 0 : index
    %get3A_43 = vector.load %arg3[%get3A_40, %get3A_41, %get3A_42] : memref<2x80x128xf32, #tpu.memory_space<vmem>>, vector<1x1x128xf32>
    %get3A_44 = vector.shape_cast %get3A_43 : vector<1x1x128xf32> to vector<1x128xf32>
    %get3A_45 = arith.constant 1 : index
    %get3A_46 = arith.index_cast %add3A_39 : i32 to index
    %get3A_47 = arith.constant 0 : index
    %get3A_48 = vector.load %arg3[%get3A_45, %get3A_46, %get3A_47] : memref<2x80x128xf32, #tpu.memory_space<vmem>>, vector<1x1x128xf32>
    %get3A_49 = vector.shape_cast %get3A_48 : vector<1x1x128xf32> to vector<1x128xf32>
    %add3A_50 = arith.addf %get3A_44, %get3A_49 : vector<1x128xf32>
    %mul3A_51 = arith.constant 128 : i32
    %mul3A_52 = arith.muli %add3A_39, %mul3A_51 : i32
    %iota3A_53 = tpu.iota {dimensions = array<i32: 1>} : vector<1x128xi32>
    %add3A_54 = vector.broadcast %mul3A_52 : i32 to vector<1x128xi32>
    %add3A_55 = arith.addi %add3A_54, %iota3A_53 : vector<1x128xi32>
    %lt3A_56 = arith.constant 10000 : i32
    %lt3A_57 = vector.broadcast %lt3A_56 : i32 to vector<1x128xi32>
    %lt3A_58 = arith.cmpi slt, %add3A_55, %lt3A_57 : vector<1x128xi32>
    %rsqrt3A_59 = math.rsqrt %add3A_50 : vector<1x128xf32>
    %jit3A_60 = arith.constant 0.000000e+00 : f32
    %broadcast_in_dim3A_61 = vector.broadcast %jit3A_60 : f32 to vector<1x128xf32>
    %select_n3A_62 = arith.select %lt3A_58, %rsqrt3A_59, %broadcast_in_dim3A_61 : vector<1x128xi1>, vector<1x128xf32>
    %iota3A_63 = tpu.iota {dimensions = array<i32: 0>} : vector<128x128xi32>
    %iota3A_64 = tpu.iota {dimensions = array<i32: 1>} : vector<128x128xi32>
    %eq3A_65 = arith.cmpi eq, %iota3A_63, %iota3A_64 : vector<128x128xi32>
    %broadcast_in_dim3A_66 = vector.shape_cast %select_n3A_62 : vector<1x128xf32> to vector<1x128xf32>
    %broadcast_in_dim3A_67 = vector.broadcast %broadcast_in_dim3A_66 : vector<1x128xf32> to vector<128x128xf32>
    %jit3A_68 = arith.constant 0.000000e+00 : f32
    %broadcast_in_dim3A_69 = vector.broadcast %jit3A_68 : f32 to vector<128x128xf32>
    %select_n3A_70 = arith.select %eq3A_65, %broadcast_in_dim3A_67, %broadcast_in_dim3A_69 : vector<128x128xi1>, vector<128x128xf32>
    %slice3A_71 = vector.extract_strided_slice %dot_general3A_5 {offsets = [128, 0], sizes = [128, 128], strides = [1, 1]} : vector<1280x128xf32> to vector<128x128xf32>
    %dot_general3A_72 = arith.constant dense<0.000000e+00> : vector<128x128xf32>
    %dot_general3A_73 = tpu.matmul %select_n3A_70, %slice3A_71, %dot_general3A_72 {dimension_numbers = #tpu.dot_dimension_numbers<[1], [0], [0], [1], [0, 0, 1, 1], [], []>, transpose_lhs_hint = false} : vector<128x128xf32>, vector<128x128xf32>, vector<128x128xf32> -> vector<128x128xf32>
    %swap3A_74 = arith.constant 128 : index
    %swap3A_75 = arith.constant 0 : index
    %swap3A_76 = vector.load %arg4[%swap3A_74, %swap3A_75] : memref<1280x128xf32, #tpu.memory_space<vmem>>, vector<128x128xf32>
    tpu.vector_store %arg4[%swap3A_74, %swap3A_75], %dot_general3A_73 {strides = array<i32>} : memref<1280x128xf32, #tpu.memory_space<vmem>>, vector<128x128xf32>,
    %mul3A_77 = arith.constant 10 : i32
    %mul3A_78 = arith.muli %arg0, %mul3A_77 : i32
    %add3A_79 = arith.constant 2 : i32
    %add3A_80 = arith.addi %mul3A_78, %add3A_79 : i32
    %get3A_81 = arith.constant 0 : index
    %get3A_82 = arith.index_cast %add3A_80 : i32 to index
    %get3A_83 = arith.constant 0 : index
    %get3A_84 = vector.load %arg3[%get3A_81, %get3A_82, %get3A_83] : memref<2x80x128xf32, #tpu.memory_space<vmem>>, vector<1x1x128xf32>
    %get3A_85 = vector.shape_cast %get3A_84 : vector<1x1x128xf32> to vector<1x128xf32>
    %get3A_86 = arith.constant 1 : index
    %get3A_87 = arith.index_cast %add3A_80 : i32 to index
    %get3A_88 = arith.constant 0 : index
    %get3A_89 = vector.load %arg3[%get3A_86, %get3A_87, %get3A_88] : memref<2x80x128xf32, #tpu.memory_space<vmem>>, vector<1x1x128xf32>
    %get3A_90 = vector.shape_cast %get3A_89 : vector<1x1x128xf32> to vector<1x128xf32>
    %add3A_91 = arith.addf %get3A_85, %get3A_90 : vector<1x128xf32>
    %mul3A_92 = arith.constant 128 : i32
    %mul3A_93 = arith.muli %add3A_80, %mul3A_92 : i32
    %iota3A_94 = tpu.iota {dimensions = array<i32: 1>} : vector<1x128xi32>
    %add3A_95 = vector.broadcast %mul3A_93 : i32 to vector<1x128xi32>
    %add3A_96 = arith.addi %add3A_95, %iota3A_94 : vector<1x128xi32>
    %lt3A_97 = arith.constant 10000 : i32
    %lt3A_98 = vector.broadcast %lt3A_97 : i32 to vector<1x128xi32>
    %lt3A_99 = arith.cmpi slt, %add3A_96, %lt3A_98 : vector<1x128xi32>
    %rsqrt3A_100 = math.rsqrt %add3A_91 : vector<1x128xf32>
    %jit3A_101 = arith.constant 0.000000e+00 : f32
    %broadcast_in_dim3A_102 = vector.broadcast %jit3A_101 : f32 to vector<1x128xf32>
    %select_n3A_103 = arith.select %lt3A_99, %rsqrt3A_100, %broadcast_in_dim3A_102 : vector<1x128xi1>, vector<1x128xf32>
    %iota3A_104 = tpu.iota {dimensions = array<i32: 0>} : vector<128x128xi32>
    %iota3A_105 = tpu.iota {dimensions = array<i32: 1>} : vector<128x128xi32>
    %eq3A_106 = arith.cmpi eq, %iota3A_104, %iota3A_105 : vector<128x128xi32>
    %broadcast_in_dim3A_107 = vector.shape_cast %select_n3A_103 : vector<1x128xf32> to vector<1x128xf32>
    %broadcast_in_dim3A_108 = vector.broadcast %broadcast_in_dim3A_107 : vector<1x128xf32> to vector<128x128xf32>
    %jit3A_109 = arith.constant 0.000000e+00 : f32
    %broadcast_in_dim3A_110 = vector.broadcast %jit3A_109 : f32 to vector<128x128xf32>
    %select_n3A_111 = arith.select %eq3A_106, %broadcast_in_dim3A_108, %broadcast_in_dim3A_110 : vector<128x128xi1>, vector<128x128xf32>
    %slice3A_112 = vector.extract_strided_slice %dot_general3A_5 {offsets = [256, 0], sizes = [128, 128], strides = [1, 1]} : vector<1280x128xf32> to vector<128x128xf32>
    %dot_general3A_113 = arith.constant dense<0.000000e+00> : vector<128x128xf32>
    %dot_general3A_114 = tpu.matmul %select_n3A_111, %slice3A_112, %dot_general3A_113 {dimension_numbers = #tpu.dot_dimension_numbers<[1], [0], [0], [1], [0, 0, 1, 1], [], []>, transpose_lhs_hint = false} : vector<128x128xf32>, vector<128x128xf32>, vector<128x128xf32> -> vector<128x128xf32>
    %swap3A_115 = arith.constant 256 : index
    %swap3A_116 = arith.constant 0 : index
    %swap3A_117 = vector.load %arg4[%swap3A_115, %swap3A_116] : memref<1280x128xf32, #tpu.memory_space<vmem>>, vector<128x128xf32>
    tpu.vector_store %arg4[%swap3A_115, %swap3A_116], %dot_general3A_114 {strides = array<i32>} : memref<1280x128xf32, #tpu.memory_space<vmem>>, vector<128x128xf32>,
    %mul3A_118 = arith.constant 10 : i32
    %mul3A_119 = arith.muli %arg0, %mul3A_118 : i32
    %add3A_120 = arith.constant 3 : i32
    %add3A_121 = arith.addi %mul3A_119, %add3A_120 : i32
    %get3A_122 = arith.constant 0 : index
    %get3A_123 = arith.index_cast %add3A_121 : i32 to index
    %get3A_124 = arith.constant 0 : index
    %get3A_125 = vector.load %arg3[%get3A_122, %get3A_123, %get3A_124] : memref<2x80x128xf32, #tpu.memory_space<vmem>>, vector<1x1x128xf32>
    %get3A_126 = vector.shape_cast %get3A_125 : vector<1x1x128xf32> to vector<1x128xf32>
    %get3A_127 = arith.constant 1 : index
    %get3A_128 = arith.index_cast %add3A_121 : i32 to index
    %get3A_129 = arith.constant 0 : index
    %get3A_130 = vector.load %arg3[%get3A_127, %get3A_128, %get3A_129] : memref<2x80x128xf32, #tpu.memory_space<vmem>>, vector<1x1x128xf32>
    %get3A_131 = vector.shape_cast %get3A_130 : vector<1x1x128xf32> to vector<1x128xf32>
    %add3A_132 = arith.addf %get3A_126, %get3A_131 : vector<1x128xf32>
    %mul3A_133 = arith.constant 128 : i32
    %mul3A_134 = arith.muli %add3A_121, %mul3A_133 : i32
    %iota3A_135 = tpu.iota {dimensions = array<i32: 1>} : vector<1x128xi32>
    %add3A_136 = vector.broadcast %mul3A_134 : i32 to vector<1x128xi32>
    %add3A_137 = arith.addi %add3A_136, %iota3A_135 : vector<1x128xi32>
    %lt3A_138 = arith.constant 10000 : i32
    %lt3A_139 = vector.broadcast %lt3A_138 : i32 to vector<1x128xi32>
    %lt3A_140 = arith.cmpi slt, %add3A_137, %lt3A_139 : vector<1x128xi32>
    %rsqrt3A_141 = math.rsqrt %add3A_132 : vector<1x128xf32>
    %jit3A_142 = arith.constant 0.000000e+00 : f32
    %broadcast_in_dim3A_143 = vector.broadcast %jit3A_142 : f32 to vector<1x128xf32>
    %select_n3A_144 = arith.select %lt3A_140, %rsqrt3A_141, %broadcast_in_dim3A_143 : vector<1x128xi1>, vector<1x128xf32>
    %iota3A_145 = tpu.iota {dimensions = array<i32: 0>} : vector<128x128xi32>
    %iota3A_146 = tpu.iota {dimensions = array<i32: 1>} : vector<128x128xi32>
    %eq3A_147 = arith.cmpi eq, %iota3A_145, %iota3A_146 : vector<128x128xi32>
    %broadcast_in_dim3A_148 = vector.shape_cast %select_n3A_144 : vector<1x128xf32> to vector<1x128xf32>
    %broadcast_in_dim3A_149 = vector.broadcast %broadcast_in_dim3A_148 : vector<1x128xf32> to vector<128x128xf32>
    %jit3A_150 = arith.constant 0.000000e+00 : f32
    %broadcast_in_dim3A_151 = vector.broadcast %jit3A_150 : f32 to vector<128x128xf32>
    %select_n3A_152 = arith.select %eq3A_147, %broadcast_in_dim3A_149, %broadcast_in_dim3A_151 : vector<128x128xi1>, vector<128x128xf32>
    %slice3A_153 = vector.extract_strided_slice %dot_general3A_5 {offsets = [384, 0], sizes = [128, 128], strides = [1, 1]} : vector<1280x128xf32> to vector<128x128xf32>
    %dot_general3A_154 = arith.constant dense<0.000000e+00> : vector<128x128xf32>
    %dot_general3A_155 = tpu.matmul %select_n3A_152, %slice3A_153, %dot_general3A_154 {dimension_numbers = #tpu.dot_dimension_numbers<[1], [0], [0], [1], [0, 0, 1, 1], [], []>, transpose_lhs_hint = false} : vector<128x128xf32>, vector<128x128xf32>, vector<128x128xf32> -> vector<128x128xf32>
    %swap3A_156 = arith.constant 384 : index
    %swap3A_157 = arith.constant 0 : index
    %swap3A_158 = vector.load %arg4[%swap3A_156, %swap3A_157] : memref<1280x128xf32, #tpu.memory_space<vmem>>, vector<128x128xf32>
    tpu.vector_store %arg4[%swap3A_156, %swap3A_157], %dot_general3A_155 {strides = array<i32>} : memref<1280x128xf32, #tpu.memory_space<vmem>>, vector<128x128xf32>,
    %mul3A_159 = arith.constant 10 : i32
    %mul3A_160 = arith.muli %arg0, %mul3A_159 : i32
    %add3A_161 = arith.constant 4 : i32
    %add3A_162 = arith.addi %mul3A_160, %add3A_161 : i32
    %get3A_163 = arith.constant 0 : index
    %get3A_164 = arith.index_cast %add3A_162 : i32 to index
    %get3A_165 = arith.constant 0 : index
    %get3A_166 = vector.load %arg3[%get3A_163, %get3A_164, %get3A_165] : memref<2x80x128xf32, #tpu.memory_space<vmem>>, vector<1x1x128xf32>
    %get3A_167 = vector.shape_cast %get3A_166 : vector<1x1x128xf32> to vector<1x128xf32>
    %get3A_168 = arith.constant 1 : index
    %get3A_169 = arith.index_cast %add3A_162 : i32 to index
    %get3A_170 = arith.constant 0 : index
    %get3A_171 = vector.load %arg3[%get3A_168, %get3A_169, %get3A_170] : memref<2x80x128xf32, #tpu.memory_space<vmem>>, vector<1x1x128xf32>
    %get3A_172 = vector.shape_cast %get3A_171 : vector<1x1x128xf32> to vector<1x128xf32>
    %add3A_173 = arith.addf %get3A_167, %get3A_172 : vector<1x128xf32>
    %mul3A_174 = arith.constant 128 : i32
    %mul3A_175 = arith.muli %add3A_162, %mul3A_174 : i32
    %iota3A_176 = tpu.iota {dimensions = array<i32: 1>} : vector<1x128xi32>
    %add3A_177 = vector.broadcast %mul3A_175 : i32 to vector<1x128xi32>
    %add3A_178 = arith.addi %add3A_177, %iota3A_176 : vector<1x128xi32>
    %lt3A_179 = arith.constant 10000 : i32
    %lt3A_180 = vector.broadcast %lt3A_179 : i32 to vector<1x128xi32>
    %lt3A_181 = arith.cmpi slt, %add3A_178, %lt3A_180 : vector<1x128xi32>
    %rsqrt3A_182 = math.rsqrt %add3A_173 : vector<1x128xf32>
    %jit3A_183 = arith.constant 0.000000e+00 : f32
    %broadcast_in_dim3A_184 = vector.broadcast %jit3A_183 : f32 to vector<1x128xf32>
    %select_n3A_185 = arith.select %lt3A_181, %rsqrt3A_182, %broadcast_in_dim3A_184 : vector<1x128xi1>, vector<1x128xf32>
    %iota3A_186 = tpu.iota {dimensions = array<i32: 0>} : vector<128x128xi32>
    %iota3A_187 = tpu.iota {dimensions = array<i32: 1>} : vector<128x128xi32>
    %eq3A_188 = arith.cmpi eq, %iota3A_186, %iota3A_187 : vector<128x128xi32>
    %broadcast_in_dim3A_189 = vector.shape_cast %select_n3A_185 : vector<1x128xf32> to vector<1x128xf32>
    %broadcast_in_dim3A_190 = vector.broadcast %broadcast_in_dim3A_189 : vector<1x128xf32> to vector<128x128xf32>
    %jit3A_191 = arith.constant 0.000000e+00 : f32
    %broadcast_in_dim3A_192 = vector.broadcast %jit3A_191 : f32 to vector<128x128xf32>
    %select_n3A_193 = arith.select %eq3A_188, %broadcast_in_dim3A_190, %broadcast_in_dim3A_192 : vector<128x128xi1>, vector<128x128xf32>
    %slice3A_194 = vector.extract_strided_slice %dot_general3A_5 {offsets = [512, 0], sizes = [128, 128], strides = [1, 1]} : vector<1280x128xf32> to vector<128x128xf32>
    %dot_general3A_195 = arith.constant dense<0.000000e+00> : vector<128x128xf32>
    %dot_general3A_196 = tpu.matmul %select_n3A_193, %slice3A_194, %dot_general3A_195 {dimension_numbers = #tpu.dot_dimension_numbers<[1], [0], [0], [1], [0, 0, 1, 1], [], []>, transpose_lhs_hint = false} : vector<128x128xf32>, vector<128x128xf32>, vector<128x128xf32> -> vector<128x128xf32>
    %swap3A_197 = arith.constant 512 : index
    %swap3A_198 = arith.constant 0 : index
    %swap3A_199 = vector.load %arg4[%swap3A_197, %swap3A_198] : memref<1280x128xf32, #tpu.memory_space<vmem>>, vector<128x128xf32>
    tpu.vector_store %arg4[%swap3A_197, %swap3A_198], %dot_general3A_196 {strides = array<i32>} : memref<1280x128xf32, #tpu.memory_space<vmem>>, vector<128x128xf32>,
    %mul3A_200 = arith.constant 10 : i32
    %mul3A_201 = arith.muli %arg0, %mul3A_200 : i32
    %add3A_202 = arith.constant 5 : i32
    %add3A_203 = arith.addi %mul3A_201, %add3A_202 : i32
    %get3A_204 = arith.constant 0 : index
    %get3A_205 = arith.index_cast %add3A_203 : i32 to index
    %get3A_206 = arith.constant 0 : index
    %get3A_207 = vector.load %arg3[%get3A_204, %get3A_205, %get3A_206] : memref<2x80x128xf32, #tpu.memory_space<vmem>>, vector<1x1x128xf32>
    %get3A_208 = vector.shape_cast %get3A_207 : vector<1x1x128xf32> to vector<1x128xf32>
    %get3A_209 = arith.constant 1 : index
    %get3A_210 = arith.index_cast %add3A_203 : i32 to index
    %get3A_211 = arith.constant 0 : index
    %get3A_212 = vector.load %arg3[%get3A_209, %get3A_210, %get3A_211] : memref<2x80x128xf32, #tpu.memory_space<vmem>>, vector<1x1x128xf32>
    %get3A_213 = vector.shape_cast %get3A_212 : vector<1x1x128xf32> to vector<1x128xf32>
    %add3A_214 = arith.addf %get3A_208, %get3A_213 : vector<1x128xf32>
    %mul3A_215 = arith.constant 128 : i32
    %mul3A_216 = arith.muli %add3A_203, %mul3A_215 : i32
    %iota3A_217 = tpu.iota {dimensions = array<i32: 1>} : vector<1x128xi32>
    %add3A_218 = vector.broadcast %mul3A_216 : i32 to vector<1x128xi32>
    %add3A_219 = arith.addi %add3A_218, %iota3A_217 : vector<1x128xi32>
    %lt3A_220 = arith.constant 10000 : i32
    %lt3A_221 = vector.broadcast %lt3A_220 : i32 to vector<1x128xi32>
    %lt3A_222 = arith.cmpi slt, %add3A_219, %lt3A_221 : vector<1x128xi32>
    %rsqrt3A_223 = math.rsqrt %add3A_214 : vector<1x128xf32>
    %jit3A_224 = arith.constant 0.000000e+00 : f32
    %broadcast_in_dim3A_225 = vector.broadcast %jit3A_224 : f32 to vector<1x128xf32>
    %select_n3A_226 = arith.select %lt3A_222, %rsqrt3A_223, %broadcast_in_dim3A_225 : vector<1x128xi1>, vector<1x128xf32>
    %iota3A_227 = tpu.iota {dimensions = array<i32: 0>} : vector<128x128xi32>
    %iota3A_228 = tpu.iota {dimensions = array<i32: 1>} : vector<128x128xi32>
    %eq3A_229 = arith.cmpi eq, %iota3A_227, %iota3A_228 : vector<128x128xi32>
    %broadcast_in_dim3A_230 = vector.shape_cast %select_n3A_226 : vector<1x128xf32> to vector<1x128xf32>
    %broadcast_in_dim3A_231 = vector.broadcast %broadcast_in_dim3A_230 : vector<1x128xf32> to vector<128x128xf32>
    %jit3A_232 = arith.constant 0.000000e+00 : f32
    %broadcast_in_dim3A_233 = vector.broadcast %jit3A_232 : f32 to vector<128x128xf32>
    %select_n3A_234 = arith.select %eq3A_229, %broadcast_in_dim3A_231, %broadcast_in_dim3A_233 : vector<128x128xi1>, vector<128x128xf32>
    %slice3A_235 = vector.extract_strided_slice %dot_general3A_5 {offsets = [640, 0], sizes = [128, 128], strides = [1, 1]} : vector<1280x128xf32> to vector<128x128xf32>
    %dot_general3A_236 = arith.constant dense<0.000000e+00> : vector<128x128xf32>
    %dot_general3A_237 = tpu.matmul %select_n3A_234, %slice3A_235, %dot_general3A_236 {dimension_numbers = #tpu.dot_dimension_numbers<[1], [0], [0], [1], [0, 0, 1, 1], [], []>, transpose_lhs_hint = false} : vector<128x128xf32>, vector<128x128xf32>, vector<128x128xf32> -> vector<128x128xf32>
    %swap3A_238 = arith.constant 640 : index
    %swap3A_239 = arith.constant 0 : index
    %swap3A_240 = vector.load %arg4[%swap3A_238, %swap3A_239] : memref<1280x128xf32, #tpu.memory_space<vmem>>, vector<128x128xf32>
    tpu.vector_store %arg4[%swap3A_238, %swap3A_239], %dot_general3A_237 {strides = array<i32>} : memref<1280x128xf32, #tpu.memory_space<vmem>>, vector<128x128xf32>,
    %mul3A_241 = arith.constant 10 : i32
    %mul3A_242 = arith.muli %arg0, %mul3A_241 : i32
    %add3A_243 = arith.constant 6 : i32
    %add3A_244 = arith.addi %mul3A_242, %add3A_243 : i32
    %get3A_245 = arith.constant 0 : index
    %get3A_246 = arith.index_cast %add3A_244 : i32 to index
    %get3A_247 = arith.constant 0 : index
    %get3A_248 = vector.load %arg3[%get3A_245, %get3A_246, %get3A_247] : memref<2x80x128xf32, #tpu.memory_space<vmem>>, vector<1x1x128xf32>
    %get3A_249 = vector.shape_cast %get3A_248 : vector<1x1x128xf32> to vector<1x128xf32>
    %get3A_250 = arith.constant 1 : index
    %get3A_251 = arith.index_cast %add3A_244 : i32 to index
    %get3A_252 = arith.constant 0 : index
    %get3A_253 = vector.load %arg3[%get3A_250, %get3A_251, %get3A_252] : memref<2x80x128xf32, #tpu.memory_space<vmem>>, vector<1x1x128xf32>
    %get3A_254 = vector.shape_cast %get3A_253 : vector<1x1x128xf32> to vector<1x128xf32>
    %add3A_255 = arith.addf %get3A_249, %get3A_254 : vector<1x128xf32>
    %mul3A_256 = arith.constant 128 : i32
    %mul3A_257 = arith.muli %add3A_244, %mul3A_256 : i32
    %iota3A_258 = tpu.iota {dimensions = array<i32: 1>} : vector<1x128xi32>
    %add3A_259 = vector.broadcast %mul3A_257 : i32 to vector<1x128xi32>
    %add3A_260 = arith.addi %add3A_259, %iota3A_258 : vector<1x128xi32>
    %lt3A_261 = arith.constant 10000 : i32
    %lt3A_262 = vector.broadcast %lt3A_261 : i32 to vector<1x128xi32>
    %lt3A_263 = arith.cmpi slt, %add3A_260, %lt3A_262 : vector<1x128xi32>
    %rsqrt3A_264 = math.rsqrt %add3A_255 : vector<1x128xf32>
    %jit3A_265 = arith.constant 0.000000e+00 : f32
    %broadcast_in_dim3A_266 = vector.broadcast %jit3A_265 : f32 to vector<1x128xf32>
    %select_n3A_267 = arith.select %lt3A_263, %rsqrt3A_264, %broadcast_in_dim3A_266 : vector<1x128xi1>, vector<1x128xf32>
    %iota3A_268 = tpu.iota {dimensions = array<i32: 0>} : vector<128x128xi32>
    %iota3A_269 = tpu.iota {dimensions = array<i32: 1>} : vector<128x128xi32>
    %eq3A_270 = arith.cmpi eq, %iota3A_268, %iota3A_269 : vector<128x128xi32>
    %broadcast_in_dim3A_271 = vector.shape_cast %select_n3A_267 : vector<1x128xf32> to vector<1x128xf32>
    %broadcast_in_dim3A_272 = vector.broadcast %broadcast_in_dim3A_271 : vector<1x128xf32> to vector<128x128xf32>
    %jit3A_273 = arith.constant 0.000000e+00 : f32
    %broadcast_in_dim3A_274 = vector.broadcast %jit3A_273 : f32 to vector<128x128xf32>
    %select_n3A_275 = arith.select %eq3A_270, %broadcast_in_dim3A_272, %broadcast_in_dim3A_274 : vector<128x128xi1>, vector<128x128xf32>
    %slice3A_276 = vector.extract_strided_slice %dot_general3A_5 {offsets = [768, 0], sizes = [128, 128], strides = [1, 1]} : vector<1280x128xf32> to vector<128x128xf32>
    %dot_general3A_277 = arith.constant dense<0.000000e+00> : vector<128x128xf32>
    %dot_general3A_278 = tpu.matmul %select_n3A_275, %slice3A_276, %dot_general3A_277 {dimension_numbers = #tpu.dot_dimension_numbers<[1], [0], [0], [1], [0, 0, 1, 1], [], []>, transpose_lhs_hint = false} : vector<128x128xf32>, vector<128x128xf32>, vector<128x128xf32> -> vector<128x128xf32>
    %swap3A_279 = arith.constant 768 : index
    %swap3A_280 = arith.constant 0 : index
    %swap3A_281 = vector.load %arg4[%swap3A_279, %swap3A_280] : memref<1280x128xf32, #tpu.memory_space<vmem>>, vector<128x128xf32>
    tpu.vector_store %arg4[%swap3A_279, %swap3A_280], %dot_general3A_278 {strides = array<i32>} : memref<1280x128xf32, #tpu.memory_space<vmem>>, vector<128x128xf32>,
    %mul3A_282 = arith.constant 10 : i32
    %mul3A_283 = arith.muli %arg0, %mul3A_282 : i32
    %add3A_284 = arith.constant 7 : i32
    %add3A_285 = arith.addi %mul3A_283, %add3A_284 : i32
    %get3A_286 = arith.constant 0 : index
    %get3A_287 = arith.index_cast %add3A_285 : i32 to index
    %get3A_288 = arith.constant 0 : index
    %get3A_289 = vector.load %arg3[%get3A_286, %get3A_287, %get3A_288] : memref<2x80x128xf32, #tpu.memory_space<vmem>>, vector<1x1x128xf32>
    %get3A_290 = vector.shape_cast %get3A_289 : vector<1x1x128xf32> to vector<1x128xf32>
    %get3A_291 = arith.constant 1 : index
    %get3A_292 = arith.index_cast %add3A_285 : i32 to index
    %get3A_293 = arith.constant 0 : index
    %get3A_294 = vector.load %arg3[%get3A_291, %get3A_292, %get3A_293] : memref<2x80x128xf32, #tpu.memory_space<vmem>>, vector<1x1x128xf32>
    %get3A_295 = vector.shape_cast %get3A_294 : vector<1x1x128xf32> to vector<1x128xf32>
    %add3A_296 = arith.addf %get3A_290, %get3A_295 : vector<1x128xf32>
    %mul3A_297 = arith.constant 128 : i32
    %mul3A_298 = arith.muli %add3A_285, %mul3A_297 : i32
    %iota3A_299 = tpu.iota {dimensions = array<i32: 1>} : vector<1x128xi32>
    %add3A_300 = vector.broadcast %mul3A_298 : i32 to vector<1x128xi32>
    %add3A_301 = arith.addi %add3A_300, %iota3A_299 : vector<1x128xi32>
    %lt3A_302 = arith.constant 10000 : i32
    %lt3A_303 = vector.broadcast %lt3A_302 : i32 to vector<1x128xi32>
    %lt3A_304 = arith.cmpi slt, %add3A_301, %lt3A_303 : vector<1x128xi32>
    %rsqrt3A_305 = math.rsqrt %add3A_296 : vector<1x128xf32>
    %jit3A_306 = arith.constant 0.000000e+00 : f32
    %broadcast_in_dim3A_307 = vector.broadcast %jit3A_306 : f32 to vector<1x128xf32>
    %select_n3A_308 = arith.select %lt3A_304, %rsqrt3A_305, %broadcast_in_dim3A_307 : vector<1x128xi1>, vector<1x128xf32>
    %iota3A_309 = tpu.iota {dimensions = array<i32: 0>} : vector<128x128xi32>
    %iota3A_310 = tpu.iota {dimensions = array<i32: 1>} : vector<128x128xi32>
    %eq3A_311 = arith.cmpi eq, %iota3A_309, %iota3A_310 : vector<128x128xi32>
    %broadcast_in_dim3A_312 = vector.shape_cast %select_n3A_308 : vector<1x128xf32> to vector<1x128xf32>
    %broadcast_in_dim3A_313 = vector.broadcast %broadcast_in_dim3A_312 : vector<1x128xf32> to vector<128x128xf32>
    %jit3A_314 = arith.constant 0.000000e+00 : f32
    %broadcast_in_dim3A_315 = vector.broadcast %jit3A_314 : f32 to vector<128x128xf32>
    %select_n3A_316 = arith.select %eq3A_311, %broadcast_in_dim3A_313, %broadcast_in_dim3A_315 : vector<128x128xi1>, vector<128x128xf32>
    %slice3A_317 = vector.extract_strided_slice %dot_general3A_5 {offsets = [896, 0], sizes = [128, 128], strides = [1, 1]} : vector<1280x128xf32> to vector<128x128xf32>
    %dot_general3A_318 = arith.constant dense<0.000000e+00> : vector<128x128xf32>
    %dot_general3A_319 = tpu.matmul %select_n3A_316, %slice3A_317, %dot_general3A_318 {dimension_numbers = #tpu.dot_dimension_numbers<[1], [0], [0], [1], [0, 0, 1, 1], [], []>, transpose_lhs_hint = false} : vector<128x128xf32>, vector<128x128xf32>, vector<128x128xf32> -> vector<128x128xf32>
    %swap3A_320 = arith.constant 896 : index
    %swap3A_321 = arith.constant 0 : index
    %swap3A_322 = vector.load %arg4[%swap3A_320, %swap3A_321] : memref<1280x128xf32, #tpu.memory_space<vmem>>, vector<128x128xf32>
    tpu.vector_store %arg4[%swap3A_320, %swap3A_321], %dot_general3A_319 {strides = array<i32>} : memref<1280x128xf32, #tpu.memory_space<vmem>>, vector<128x128xf32>,
    %mul3A_323 = arith.constant 10 : i32
    %mul3A_324 = arith.muli %arg0, %mul3A_323 : i32
    %add3A_325 = arith.constant 8 : i32
    %add3A_326 = arith.addi %mul3A_324, %add3A_325 : i32
    %get3A_327 = arith.constant 0 : index
    %get3A_328 = arith.index_cast %add3A_326 : i32 to index
    %get3A_329 = arith.constant 0 : index
    %get3A_330 = vector.load %arg3[%get3A_327, %get3A_328, %get3A_329] : memref<2x80x128xf32, #tpu.memory_space<vmem>>, vector<1x1x128xf32>
    %get3A_331 = vector.shape_cast %get3A_330 : vector<1x1x128xf32> to vector<1x128xf32>
    %get3A_332 = arith.constant 1 : index
    %get3A_333 = arith.index_cast %add3A_326 : i32 to index
    %get3A_334 = arith.constant 0 : index
    %get3A_335 = vector.load %arg3[%get3A_332, %get3A_333, %get3A_334] : memref<2x80x128xf32, #tpu.memory_space<vmem>>, vector<1x1x128xf32>
    %get3A_336 = vector.shape_cast %get3A_335 : vector<1x1x128xf32> to vector<1x128xf32>
    %add3A_337 = arith.addf %get3A_331, %get3A_336 : vector<1x128xf32>
    %mul3A_338 = arith.constant 128 : i32
    %mul3A_339 = arith.muli %add3A_326, %mul3A_338 : i32
    %iota3A_340 = tpu.iota {dimensions = array<i32: 1>} : vector<1x128xi32>
    %add3A_341 = vector.broadcast %mul3A_339 : i32 to vector<1x128xi32>
    %add3A_342 = arith.addi %add3A_341, %iota3A_340 : vector<1x128xi32>
    %lt3A_343 = arith.constant 10000 : i32
    %lt3A_344 = vector.broadcast %lt3A_343 : i32 to vector<1x128xi32>
    %lt3A_345 = arith.cmpi slt, %add3A_342, %lt3A_344 : vector<1x128xi32>
    %rsqrt3A_346 = math.rsqrt %add3A_337 : vector<1x128xf32>
    %jit3A_347 = arith.constant 0.000000e+00 : f32
    %broadcast_in_dim3A_348 = vector.broadcast %jit3A_347 : f32 to vector<1x128xf32>
    %select_n3A_349 = arith.select %lt3A_345, %rsqrt3A_346, %broadcast_in_dim3A_348 : vector<1x128xi1>, vector<1x128xf32>
    %iota3A_350 = tpu.iota {dimensions = array<i32: 0>} : vector<128x128xi32>
    %iota3A_351 = tpu.iota {dimensions = array<i32: 1>} : vector<128x128xi32>
    %eq3A_352 = arith.cmpi eq, %iota3A_350, %iota3A_351 : vector<128x128xi32>
    %broadcast_in_dim3A_353 = vector.shape_cast %select_n3A_349 : vector<1x128xf32> to vector<1x128xf32>
    %broadcast_in_dim3A_354 = vector.broadcast %broadcast_in_dim3A_353 : vector<1x128xf32> to vector<128x128xf32>
    %jit3A_355 = arith.constant 0.000000e+00 : f32
    %broadcast_in_dim3A_356 = vector.broadcast %jit3A_355 : f32 to vector<128x128xf32>
    %select_n3A_357 = arith.select %eq3A_352, %broadcast_in_dim3A_354, %broadcast_in_dim3A_356 : vector<128x128xi1>, vector<128x128xf32>
    %slice3A_358 = vector.extract_strided_slice %dot_general3A_5 {offsets = [1024, 0], sizes = [128, 128], strides = [1, 1]} : vector<1280x128xf32> to vector<128x128xf32>
    %dot_general3A_359 = arith.constant dense<0.000000e+00> : vector<128x128xf32>
    %dot_general3A_360 = tpu.matmul %select_n3A_357, %slice3A_358, %dot_general3A_359 {dimension_numbers = #tpu.dot_dimension_numbers<[1], [0], [0], [1], [0, 0, 1, 1], [], []>, transpose_lhs_hint = false} : vector<128x128xf32>, vector<128x128xf32>, vector<128x128xf32> -> vector<128x128xf32>
    %swap3A_361 = arith.constant 1024 : index
    %swap3A_362 = arith.constant 0 : index
    %swap3A_363 = vector.load %arg4[%swap3A_361, %swap3A_362] : memref<1280x128xf32, #tpu.memory_space<vmem>>, vector<128x128xf32>
    tpu.vector_store %arg4[%swap3A_361, %swap3A_362], %dot_general3A_360 {strides = array<i32>} : memref<1280x128xf32, #tpu.memory_space<vmem>>, vector<128x128xf32>,
    %mul3A_364 = arith.constant 10 : i32
    %mul3A_365 = arith.muli %arg0, %mul3A_364 : i32
    %add3A_366 = arith.constant 9 : i32
    %add3A_367 = arith.addi %mul3A_365, %add3A_366 : i32
    %get3A_368 = arith.constant 0 : index
    %get3A_369 = arith.index_cast %add3A_367 : i32 to index
    %get3A_370 = arith.constant 0 : index
    %get3A_371 = vector.load %arg3[%get3A_368, %get3A_369, %get3A_370] : memref<2x80x128xf32, #tpu.memory_space<vmem>>, vector<1x1x128xf32>
    %get3A_372 = vector.shape_cast %get3A_371 : vector<1x1x128xf32> to vector<1x128xf32>
    %get3A_373 = arith.constant 1 : index
    %get3A_374 = arith.index_cast %add3A_367 : i32 to index
    %get3A_375 = arith.constant 0 : index
    %get3A_376 = vector.load %arg3[%get3A_373, %get3A_374, %get3A_375] : memref<2x80x128xf32, #tpu.memory_space<vmem>>, vector<1x1x128xf32>
    %get3A_377 = vector.shape_cast %get3A_376 : vector<1x1x128xf32> to vector<1x128xf32>
    %add3A_378 = arith.addf %get3A_372, %get3A_377 : vector<1x128xf32>
    %mul3A_379 = arith.constant 128 : i32
    %mul3A_380 = arith.muli %add3A_367, %mul3A_379 : i32
    %iota3A_381 = tpu.iota {dimensions = array<i32: 1>} : vector<1x128xi32>
    %add3A_382 = vector.broadcast %mul3A_380 : i32 to vector<1x128xi32>
    %add3A_383 = arith.addi %add3A_382, %iota3A_381 : vector<1x128xi32>
    %lt3A_384 = arith.constant 10000 : i32
    %lt3A_385 = vector.broadcast %lt3A_384 : i32 to vector<1x128xi32>
    %lt3A_386 = arith.cmpi slt, %add3A_383, %lt3A_385 : vector<1x128xi32>
    %rsqrt3A_387 = math.rsqrt %add3A_378 : vector<1x128xf32>
    %jit3A_388 = arith.constant 0.000000e+00 : f32
    %broadcast_in_dim3A_389 = vector.broadcast %jit3A_388 : f32 to vector<1x128xf32>
    %select_n3A_390 = arith.select %lt3A_386, %rsqrt3A_387, %broadcast_in_dim3A_389 : vector<1x128xi1>, vector<1x128xf32>
    %iota3A_391 = tpu.iota {dimensions = array<i32: 0>} : vector<128x128xi32>
    %iota3A_392 = tpu.iota {dimensions = array<i32: 1>} : vector<128x128xi32>
    %eq3A_393 = arith.cmpi eq, %iota3A_391, %iota3A_392 : vector<128x128xi32>
    %broadcast_in_dim3A_394 = vector.shape_cast %select_n3A_390 : vector<1x128xf32> to vector<1x128xf32>
    %broadcast_in_dim3A_395 = vector.broadcast %broadcast_in_dim3A_394 : vector<1x128xf32> to vector<128x128xf32>
    %jit3A_396 = arith.constant 0.000000e+00 : f32
    %broadcast_in_dim3A_397 = vector.broadcast %jit3A_396 : f32 to vector<128x128xf32>
    %select_n3A_398 = arith.select %eq3A_393, %broadcast_in_dim3A_395, %broadcast_in_dim3A_397 : vector<128x128xi1>, vector<128x128xf32>
    %slice3A_399 = vector.extract_strided_slice %dot_general3A_5 {offsets = [1152, 0], sizes = [128, 128], strides = [1, 1]} : vector<1280x128xf32> to vector<128x128xf32>
    %dot_general3A_400 = arith.constant dense<0.000000e+00> : vector<128x128xf32>
    %dot_general3A_401 = tpu.matmul %select_n3A_398, %slice3A_399, %dot_general3A_400 {dimension_numbers = #tpu.dot_dimension_numbers<[1], [0], [0], [1], [0, 0, 1, 1], [], []>, transpose_lhs_hint = false} : vector<128x128xf32>, vector<128x128xf32>, vector<128x128xf32> -> vector<128x128xf32>
    %swap3A_402 = arith.constant 1152 : index
    %swap3A_403 = arith.constant 0 : index
    %swap3A_404 = vector.load %arg4[%swap3A_402, %swap3A_403] : memref<1280x128xf32, #tpu.memory_space<vmem>>, vector<128x128xf32>
    tpu.vector_store %arg4[%swap3A_402, %swap3A_403], %dot_general3A_401 {strides = array<i32>} : memref<1280x128xf32, #tpu.memory_space<vmem>>, vector<128x128xf32>,
    return
  }
  func.func @transform_0(%arg0: i32) -> (i32, i32) {
    %c0_i32 = arith.constant 0 : i32
    %c0_i32_0 = arith.constant 0 : i32
    return %arg0, %c0_i32 : i32, i32
  }
  func.func @transform_1(%arg0: i32) -> (i32, i32) {
    %c0_i32 = arith.constant 0 : i32
    %c0_i32_0 = arith.constant 0 : i32
    %c0_i32_1 = arith.constant 0 : i32
    return %c0_i32, %c0_i32_0 : i32, i32
  }
  func.func @transform_2(%arg0: i32) -> (i32, i32, i32) {
    %c0_i32 = arith.constant 0 : i32
    %c0_i32_0 = arith.constant 0 : i32
    %c0_i32_1 = arith.constant 0 : i32
    %c0_i32_2 = arith.constant 0 : i32
    return %c0_i32, %c0_i32_0, %c0_i32_1 : i32, i32, i32
  }
  func.func @transform_3(%arg0: i32) -> (i32, i32) {
    %c0_i32 = arith.constant 0 : i32
    %c0_i32_0 = arith.constant 0 : i32
    return %arg0, %c0_i32 : i32, i32
  }
}

module attributes {stable_mosaic.version = 14 : i64} {
  func.func @_finish_kernel(%arg0: i32, %arg1: memref<2x2048x128xf32, #tpu.memory_space<vmem>>, %arg2: memref<2x80x128xf32, #tpu.memory_space<vmem>>, %arg3: memref<1x128xf32, #tpu.memory_space<vmem>>, %arg4: memref<2048x128xf32, #tpu.memory_space<vmem>>) attributes {dimension_semantics = [#tpu.dimension_semantics<arbitrary>], iteration_bounds = array<i64: 5>, scalar_prefetch = 0 : i64, scratch_operands = 0 : i64, tpu.core_type = #tpu.core_type<tc>, window_params = [{transform_indices = @transform_0, window_bounds = array<i64: 2, 2048, 128>}, {pipeline_mode = #tpu.pipeline_mode<synchronous>, transform_indices = @transform_1, window_bounds = array<i64: 2, 80, 128>}, {pipeline_mode = #tpu.pipeline_mode<synchronous>, transform_indices = @transform_2, window_bounds = array<i64: 1, 128>}, {transform_indices = @transform_3, window_bounds = array<i64: 2048, 128>}]} {
    %get3A = arith.constant 0 : index
    %get3A_0 = arith.constant 0 : index
    %get3A_1 = arith.constant 0 : index
    %get3A_2 = vector.load %arg1[%get3A, %get3A_0, %get3A_1] : memref<2x2048x128xf32, #tpu.memory_space<vmem>>, vector<1x2048x128xf32>
    %get3A_3 = vector.shape_cast %get3A_2 : vector<1x2048x128xf32> to vector<2048x128xf32>
    %get3A_4 = arith.constant 1 : index
    %get3A_5 = arith.constant 0 : index
    %get3A_6 = arith.constant 0 : index
    %get3A_7 = vector.load %arg1[%get3A_4, %get3A_5, %get3A_6] : memref<2x2048x128xf32, #tpu.memory_space<vmem>>, vector<1x2048x128xf32>
    %get3A_8 = vector.shape_cast %get3A_7 : vector<1x2048x128xf32> to vector<2048x128xf32>
    %add3A = arith.addf %get3A_3, %get3A_8 : vector<2048x128xf32>
    %mul3A = arith.constant 16 : i32
    %mul3A_9 = arith.muli %arg0, %mul3A : i32
    %add3A_10 = arith.constant 0 : i32
    %add3A_11 = arith.addi %mul3A_9, %add3A_10 : i32
    %get3A_12 = arith.constant 0 : index
    %get3A_13 = arith.index_cast %add3A_11 : i32 to index
    %get3A_14 = arith.constant 0 : index
    %get3A_15 = vector.load %arg2[%get3A_12, %get3A_13, %get3A_14] : memref<2x80x128xf32, #tpu.memory_space<vmem>>, vector<1x1x128xf32>
    %get3A_16 = vector.shape_cast %get3A_15 : vector<1x1x128xf32> to vector<1x128xf32>
    %get3A_17 = arith.constant 1 : index
    %get3A_18 = arith.index_cast %add3A_11 : i32 to index
    %get3A_19 = arith.constant 0 : index
    %get3A_20 = vector.load %arg2[%get3A_17, %get3A_18, %get3A_19] : memref<2x80x128xf32, #tpu.memory_space<vmem>>, vector<1x1x128xf32>
    %get3A_21 = vector.shape_cast %get3A_20 : vector<1x1x128xf32> to vector<1x128xf32>
    %add3A_22 = arith.addf %get3A_16, %get3A_21 : vector<1x128xf32>
    %rsqrt3A = math.rsqrt %add3A_22 : vector<1x128xf32>
    %iota3A = tpu.iota {dimensions = array<i32: 0>} : vector<128x128xi32>
    %iota3A_23 = tpu.iota {dimensions = array<i32: 1>} : vector<128x128xi32>
    %eq3A = arith.cmpi eq, %iota3A, %iota3A_23 : vector<128x128xi32>
    %broadcast_in_dim3A = vector.shape_cast %rsqrt3A : vector<1x128xf32> to vector<1x128xf32>
    %broadcast_in_dim3A_24 = vector.broadcast %broadcast_in_dim3A : vector<1x128xf32> to vector<128x128xf32>
    %jit3A = arith.constant 0.000000e+00 : f32
    %broadcast_in_dim3A_25 = vector.broadcast %jit3A : f32 to vector<128x128xf32>
    %select_n3A = arith.select %eq3A, %broadcast_in_dim3A_24, %broadcast_in_dim3A_25 : vector<128x128xi1>, vector<128x128xf32>
    %slice3A = vector.extract_strided_slice %add3A {offsets = [0, 0], sizes = [128, 128], strides = [1, 1]} : vector<2048x128xf32> to vector<128x128xf32>
    %dot_general3A = arith.constant dense<0.000000e+00> : vector<128x128xf32>
    %dot_general3A_26 = tpu.matmul %select_n3A, %slice3A, %dot_general3A {dimension_numbers = #tpu.dot_dimension_numbers<[1], [0], [0], [1], [0, 0, 1, 1], [], []>, transpose_lhs_hint = false} : vector<128x128xf32>, vector<128x128xf32>, vector<128x128xf32> -> vector<128x128xf32>
    %get3A_27 = arith.constant 0 : index
    %get3A_28 = arith.constant 0 : index
    %get3A_29 = vector.load %arg3[%get3A_27, %get3A_28] : memref<1x128xf32, #tpu.memory_space<vmem>>, vector<1x128xf32>
    %add3A_30 = vector.broadcast %get3A_29 : vector<1x128xf32> to vector<128x128xf32>
    %add3A_31 = arith.addf %dot_general3A_26, %add3A_30 : vector<128x128xf32>
    %swap3A = arith.constant 0 : index
    %swap3A_32 = arith.constant 0 : index
    %swap3A_33 = vector.load %arg4[%swap3A, %swap3A_32] : memref<2048x128xf32, #tpu.memory_space<vmem>>, vector<128x128xf32>
    tpu.vector_store %arg4[%swap3A, %swap3A_32], %add3A_31 {strides = array<i32>} : memref<2048x128xf32, #tpu.memory_space<vmem>>, vector<128x128xf32>,
    %mul3A_34 = arith.constant 16 : i32
    %mul3A_35 = arith.muli %arg0, %mul3A_34 : i32
    %add3A_36 = arith.constant 1 : i32
    %add3A_37 = arith.addi %mul3A_35, %add3A_36 : i32
    %get3A_38 = arith.constant 0 : index
    %get3A_39 = arith.index_cast %add3A_37 : i32 to index
    %get3A_40 = arith.constant 0 : index
    %get3A_41 = vector.load %arg2[%get3A_38, %get3A_39, %get3A_40] : memref<2x80x128xf32, #tpu.memory_space<vmem>>, vector<1x1x128xf32>
    %get3A_42 = vector.shape_cast %get3A_41 : vector<1x1x128xf32> to vector<1x128xf32>
    %get3A_43 = arith.constant 1 : index
    %get3A_44 = arith.index_cast %add3A_37 : i32 to index
    %get3A_45 = arith.constant 0 : index
    %get3A_46 = vector.load %arg2[%get3A_43, %get3A_44, %get3A_45] : memref<2x80x128xf32, #tpu.memory_space<vmem>>, vector<1x1x128xf32>
    %get3A_47 = vector.shape_cast %get3A_46 : vector<1x1x128xf32> to vector<1x128xf32>
    %add3A_48 = arith.addf %get3A_42, %get3A_47 : vector<1x128xf32>
    %rsqrt3A_49 = math.rsqrt %add3A_48 : vector<1x128xf32>
    %iota3A_50 = tpu.iota {dimensions = array<i32: 0>} : vector<128x128xi32>
    %iota3A_51 = tpu.iota {dimensions = array<i32: 1>} : vector<128x128xi32>
    %eq3A_52 = arith.cmpi eq, %iota3A_50, %iota3A_51 : vector<128x128xi32>
    %broadcast_in_dim3A_53 = vector.shape_cast %rsqrt3A_49 : vector<1x128xf32> to vector<1x128xf32>
    %broadcast_in_dim3A_54 = vector.broadcast %broadcast_in_dim3A_53 : vector<1x128xf32> to vector<128x128xf32>
    %jit3A_55 = arith.constant 0.000000e+00 : f32
    %broadcast_in_dim3A_56 = vector.broadcast %jit3A_55 : f32 to vector<128x128xf32>
    %select_n3A_57 = arith.select %eq3A_52, %broadcast_in_dim3A_54, %broadcast_in_dim3A_56 : vector<128x128xi1>, vector<128x128xf32>
    %slice3A_58 = vector.extract_strided_slice %add3A {offsets = [128, 0], sizes = [128, 128], strides = [1, 1]} : vector<2048x128xf32> to vector<128x128xf32>
    %dot_general3A_59 = arith.constant dense<0.000000e+00> : vector<128x128xf32>
    %dot_general3A_60 = tpu.matmul %select_n3A_57, %slice3A_58, %dot_general3A_59 {dimension_numbers = #tpu.dot_dimension_numbers<[1], [0], [0], [1], [0, 0, 1, 1], [], []>, transpose_lhs_hint = false} : vector<128x128xf32>, vector<128x128xf32>, vector<128x128xf32> -> vector<128x128xf32>
    %get3A_61 = arith.constant 0 : index
    %get3A_62 = arith.constant 0 : index
    %get3A_63 = vector.load %arg3[%get3A_61, %get3A_62] : memref<1x128xf32, #tpu.memory_space<vmem>>, vector<1x128xf32>
    %add3A_64 = vector.broadcast %get3A_63 : vector<1x128xf32> to vector<128x128xf32>
    %add3A_65 = arith.addf %dot_general3A_60, %add3A_64 : vector<128x128xf32>
    %swap3A_66 = arith.constant 128 : index
    %swap3A_67 = arith.constant 0 : index
    %swap3A_68 = vector.load %arg4[%swap3A_66, %swap3A_67] : memref<2048x128xf32, #tpu.memory_space<vmem>>, vector<128x128xf32>
    tpu.vector_store %arg4[%swap3A_66, %swap3A_67], %add3A_65 {strides = array<i32>} : memref<2048x128xf32, #tpu.memory_space<vmem>>, vector<128x128xf32>,
    %mul3A_69 = arith.constant 16 : i32
    %mul3A_70 = arith.muli %arg0, %mul3A_69 : i32
    %add3A_71 = arith.constant 2 : i32
    %add3A_72 = arith.addi %mul3A_70, %add3A_71 : i32
    %get3A_73 = arith.constant 0 : index
    %get3A_74 = arith.index_cast %add3A_72 : i32 to index
    %get3A_75 = arith.constant 0 : index
    %get3A_76 = vector.load %arg2[%get3A_73, %get3A_74, %get3A_75] : memref<2x80x128xf32, #tpu.memory_space<vmem>>, vector<1x1x128xf32>
    %get3A_77 = vector.shape_cast %get3A_76 : vector<1x1x128xf32> to vector<1x128xf32>
    %get3A_78 = arith.constant 1 : index
    %get3A_79 = arith.index_cast %add3A_72 : i32 to index
    %get3A_80 = arith.constant 0 : index
    %get3A_81 = vector.load %arg2[%get3A_78, %get3A_79, %get3A_80] : memref<2x80x128xf32, #tpu.memory_space<vmem>>, vector<1x1x128xf32>
    %get3A_82 = vector.shape_cast %get3A_81 : vector<1x1x128xf32> to vector<1x128xf32>
    %add3A_83 = arith.addf %get3A_77, %get3A_82 : vector<1x128xf32>
    %rsqrt3A_84 = math.rsqrt %add3A_83 : vector<1x128xf32>
    %iota3A_85 = tpu.iota {dimensions = array<i32: 0>} : vector<128x128xi32>
    %iota3A_86 = tpu.iota {dimensions = array<i32: 1>} : vector<128x128xi32>
    %eq3A_87 = arith.cmpi eq, %iota3A_85, %iota3A_86 : vector<128x128xi32>
    %broadcast_in_dim3A_88 = vector.shape_cast %rsqrt3A_84 : vector<1x128xf32> to vector<1x128xf32>
    %broadcast_in_dim3A_89 = vector.broadcast %broadcast_in_dim3A_88 : vector<1x128xf32> to vector<128x128xf32>
    %jit3A_90 = arith.constant 0.000000e+00 : f32
    %broadcast_in_dim3A_91 = vector.broadcast %jit3A_90 : f32 to vector<128x128xf32>
    %select_n3A_92 = arith.select %eq3A_87, %broadcast_in_dim3A_89, %broadcast_in_dim3A_91 : vector<128x128xi1>, vector<128x128xf32>
    %slice3A_93 = vector.extract_strided_slice %add3A {offsets = [256, 0], sizes = [128, 128], strides = [1, 1]} : vector<2048x128xf32> to vector<128x128xf32>
    %dot_general3A_94 = arith.constant dense<0.000000e+00> : vector<128x128xf32>
    %dot_general3A_95 = tpu.matmul %select_n3A_92, %slice3A_93, %dot_general3A_94 {dimension_numbers = #tpu.dot_dimension_numbers<[1], [0], [0], [1], [0, 0, 1, 1], [], []>, transpose_lhs_hint = false} : vector<128x128xf32>, vector<128x128xf32>, vector<128x128xf32> -> vector<128x128xf32>
    %get3A_96 = arith.constant 0 : index
    %get3A_97 = arith.constant 0 : index
    %get3A_98 = vector.load %arg3[%get3A_96, %get3A_97] : memref<1x128xf32, #tpu.memory_space<vmem>>, vector<1x128xf32>
    %add3A_99 = vector.broadcast %get3A_98 : vector<1x128xf32> to vector<128x128xf32>
    %add3A_100 = arith.addf %dot_general3A_95, %add3A_99 : vector<128x128xf32>
    %swap3A_101 = arith.constant 256 : index
    %swap3A_102 = arith.constant 0 : index
    %swap3A_103 = vector.load %arg4[%swap3A_101, %swap3A_102] : memref<2048x128xf32, #tpu.memory_space<vmem>>, vector<128x128xf32>
    tpu.vector_store %arg4[%swap3A_101, %swap3A_102], %add3A_100 {strides = array<i32>} : memref<2048x128xf32, #tpu.memory_space<vmem>>, vector<128x128xf32>,
    %mul3A_104 = arith.constant 16 : i32
    %mul3A_105 = arith.muli %arg0, %mul3A_104 : i32
    %add3A_106 = arith.constant 3 : i32
    %add3A_107 = arith.addi %mul3A_105, %add3A_106 : i32
    %get3A_108 = arith.constant 0 : index
    %get3A_109 = arith.index_cast %add3A_107 : i32 to index
    %get3A_110 = arith.constant 0 : index
    %get3A_111 = vector.load %arg2[%get3A_108, %get3A_109, %get3A_110] : memref<2x80x128xf32, #tpu.memory_space<vmem>>, vector<1x1x128xf32>
    %get3A_112 = vector.shape_cast %get3A_111 : vector<1x1x128xf32> to vector<1x128xf32>
    %get3A_113 = arith.constant 1 : index
    %get3A_114 = arith.index_cast %add3A_107 : i32 to index
    %get3A_115 = arith.constant 0 : index
    %get3A_116 = vector.load %arg2[%get3A_113, %get3A_114, %get3A_115] : memref<2x80x128xf32, #tpu.memory_space<vmem>>, vector<1x1x128xf32>
    %get3A_117 = vector.shape_cast %get3A_116 : vector<1x1x128xf32> to vector<1x128xf32>
    %add3A_118 = arith.addf %get3A_112, %get3A_117 : vector<1x128xf32>
    %rsqrt3A_119 = math.rsqrt %add3A_118 : vector<1x128xf32>
    %iota3A_120 = tpu.iota {dimensions = array<i32: 0>} : vector<128x128xi32>
    %iota3A_121 = tpu.iota {dimensions = array<i32: 1>} : vector<128x128xi32>
    %eq3A_122 = arith.cmpi eq, %iota3A_120, %iota3A_121 : vector<128x128xi32>
    %broadcast_in_dim3A_123 = vector.shape_cast %rsqrt3A_119 : vector<1x128xf32> to vector<1x128xf32>
    %broadcast_in_dim3A_124 = vector.broadcast %broadcast_in_dim3A_123 : vector<1x128xf32> to vector<128x128xf32>
    %jit3A_125 = arith.constant 0.000000e+00 : f32
    %broadcast_in_dim3A_126 = vector.broadcast %jit3A_125 : f32 to vector<128x128xf32>
    %select_n3A_127 = arith.select %eq3A_122, %broadcast_in_dim3A_124, %broadcast_in_dim3A_126 : vector<128x128xi1>, vector<128x128xf32>
    %slice3A_128 = vector.extract_strided_slice %add3A {offsets = [384, 0], sizes = [128, 128], strides = [1, 1]} : vector<2048x128xf32> to vector<128x128xf32>
    %dot_general3A_129 = arith.constant dense<0.000000e+00> : vector<128x128xf32>
    %dot_general3A_130 = tpu.matmul %select_n3A_127, %slice3A_128, %dot_general3A_129 {dimension_numbers = #tpu.dot_dimension_numbers<[1], [0], [0], [1], [0, 0, 1, 1], [], []>, transpose_lhs_hint = false} : vector<128x128xf32>, vector<128x128xf32>, vector<128x128xf32> -> vector<128x128xf32>
    %get3A_131 = arith.constant 0 : index
    %get3A_132 = arith.constant 0 : index
    %get3A_133 = vector.load %arg3[%get3A_131, %get3A_132] : memref<1x128xf32, #tpu.memory_space<vmem>>, vector<1x128xf32>
    %add3A_134 = vector.broadcast %get3A_133 : vector<1x128xf32> to vector<128x128xf32>
    %add3A_135 = arith.addf %dot_general3A_130, %add3A_134 : vector<128x128xf32>
    %swap3A_136 = arith.constant 384 : index
    %swap3A_137 = arith.constant 0 : index
    %swap3A_138 = vector.load %arg4[%swap3A_136, %swap3A_137] : memref<2048x128xf32, #tpu.memory_space<vmem>>, vector<128x128xf32>
    tpu.vector_store %arg4[%swap3A_136, %swap3A_137], %add3A_135 {strides = array<i32>} : memref<2048x128xf32, #tpu.memory_space<vmem>>, vector<128x128xf32>,
    %mul3A_139 = arith.constant 16 : i32
    %mul3A_140 = arith.muli %arg0, %mul3A_139 : i32
    %add3A_141 = arith.constant 4 : i32
    %add3A_142 = arith.addi %mul3A_140, %add3A_141 : i32
    %get3A_143 = arith.constant 0 : index
    %get3A_144 = arith.index_cast %add3A_142 : i32 to index
    %get3A_145 = arith.constant 0 : index
    %get3A_146 = vector.load %arg2[%get3A_143, %get3A_144, %get3A_145] : memref<2x80x128xf32, #tpu.memory_space<vmem>>, vector<1x1x128xf32>
    %get3A_147 = vector.shape_cast %get3A_146 : vector<1x1x128xf32> to vector<1x128xf32>
    %get3A_148 = arith.constant 1 : index
    %get3A_149 = arith.index_cast %add3A_142 : i32 to index
    %get3A_150 = arith.constant 0 : index
    %get3A_151 = vector.load %arg2[%get3A_148, %get3A_149, %get3A_150] : memref<2x80x128xf32, #tpu.memory_space<vmem>>, vector<1x1x128xf32>
    %get3A_152 = vector.shape_cast %get3A_151 : vector<1x1x128xf32> to vector<1x128xf32>
    %add3A_153 = arith.addf %get3A_147, %get3A_152 : vector<1x128xf32>
    %rsqrt3A_154 = math.rsqrt %add3A_153 : vector<1x128xf32>
    %iota3A_155 = tpu.iota {dimensions = array<i32: 0>} : vector<128x128xi32>
    %iota3A_156 = tpu.iota {dimensions = array<i32: 1>} : vector<128x128xi32>
    %eq3A_157 = arith.cmpi eq, %iota3A_155, %iota3A_156 : vector<128x128xi32>
    %broadcast_in_dim3A_158 = vector.shape_cast %rsqrt3A_154 : vector<1x128xf32> to vector<1x128xf32>
    %broadcast_in_dim3A_159 = vector.broadcast %broadcast_in_dim3A_158 : vector<1x128xf32> to vector<128x128xf32>
    %jit3A_160 = arith.constant 0.000000e+00 : f32
    %broadcast_in_dim3A_161 = vector.broadcast %jit3A_160 : f32 to vector<128x128xf32>
    %select_n3A_162 = arith.select %eq3A_157, %broadcast_in_dim3A_159, %broadcast_in_dim3A_161 : vector<128x128xi1>, vector<128x128xf32>
    %slice3A_163 = vector.extract_strided_slice %add3A {offsets = [512, 0], sizes = [128, 128], strides = [1, 1]} : vector<2048x128xf32> to vector<128x128xf32>
    %dot_general3A_164 = arith.constant dense<0.000000e+00> : vector<128x128xf32>
    %dot_general3A_165 = tpu.matmul %select_n3A_162, %slice3A_163, %dot_general3A_164 {dimension_numbers = #tpu.dot_dimension_numbers<[1], [0], [0], [1], [0, 0, 1, 1], [], []>, transpose_lhs_hint = false} : vector<128x128xf32>, vector<128x128xf32>, vector<128x128xf32> -> vector<128x128xf32>
    %get3A_166 = arith.constant 0 : index
    %get3A_167 = arith.constant 0 : index
    %get3A_168 = vector.load %arg3[%get3A_166, %get3A_167] : memref<1x128xf32, #tpu.memory_space<vmem>>, vector<1x128xf32>
    %add3A_169 = vector.broadcast %get3A_168 : vector<1x128xf32> to vector<128x128xf32>
    %add3A_170 = arith.addf %dot_general3A_165, %add3A_169 : vector<128x128xf32>
    %swap3A_171 = arith.constant 512 : index
    %swap3A_172 = arith.constant 0 : index
    %swap3A_173 = vector.load %arg4[%swap3A_171, %swap3A_172] : memref<2048x128xf32, #tpu.memory_space<vmem>>, vector<128x128xf32>
    tpu.vector_store %arg4[%swap3A_171, %swap3A_172], %add3A_170 {strides = array<i32>} : memref<2048x128xf32, #tpu.memory_space<vmem>>, vector<128x128xf32>,
    %mul3A_174 = arith.constant 16 : i32
    %mul3A_175 = arith.muli %arg0, %mul3A_174 : i32
    %add3A_176 = arith.constant 5 : i32
    %add3A_177 = arith.addi %mul3A_175, %add3A_176 : i32
    %get3A_178 = arith.constant 0 : index
    %get3A_179 = arith.index_cast %add3A_177 : i32 to index
    %get3A_180 = arith.constant 0 : index
    %get3A_181 = vector.load %arg2[%get3A_178, %get3A_179, %get3A_180] : memref<2x80x128xf32, #tpu.memory_space<vmem>>, vector<1x1x128xf32>
    %get3A_182 = vector.shape_cast %get3A_181 : vector<1x1x128xf32> to vector<1x128xf32>
    %get3A_183 = arith.constant 1 : index
    %get3A_184 = arith.index_cast %add3A_177 : i32 to index
    %get3A_185 = arith.constant 0 : index
    %get3A_186 = vector.load %arg2[%get3A_183, %get3A_184, %get3A_185] : memref<2x80x128xf32, #tpu.memory_space<vmem>>, vector<1x1x128xf32>
    %get3A_187 = vector.shape_cast %get3A_186 : vector<1x1x128xf32> to vector<1x128xf32>
    %add3A_188 = arith.addf %get3A_182, %get3A_187 : vector<1x128xf32>
    %rsqrt3A_189 = math.rsqrt %add3A_188 : vector<1x128xf32>
    %iota3A_190 = tpu.iota {dimensions = array<i32: 0>} : vector<128x128xi32>
    %iota3A_191 = tpu.iota {dimensions = array<i32: 1>} : vector<128x128xi32>
    %eq3A_192 = arith.cmpi eq, %iota3A_190, %iota3A_191 : vector<128x128xi32>
    %broadcast_in_dim3A_193 = vector.shape_cast %rsqrt3A_189 : vector<1x128xf32> to vector<1x128xf32>
    %broadcast_in_dim3A_194 = vector.broadcast %broadcast_in_dim3A_193 : vector<1x128xf32> to vector<128x128xf32>
    %jit3A_195 = arith.constant 0.000000e+00 : f32
    %broadcast_in_dim3A_196 = vector.broadcast %jit3A_195 : f32 to vector<128x128xf32>
    %select_n3A_197 = arith.select %eq3A_192, %broadcast_in_dim3A_194, %broadcast_in_dim3A_196 : vector<128x128xi1>, vector<128x128xf32>
    %slice3A_198 = vector.extract_strided_slice %add3A {offsets = [640, 0], sizes = [128, 128], strides = [1, 1]} : vector<2048x128xf32> to vector<128x128xf32>
    %dot_general3A_199 = arith.constant dense<0.000000e+00> : vector<128x128xf32>
    %dot_general3A_200 = tpu.matmul %select_n3A_197, %slice3A_198, %dot_general3A_199 {dimension_numbers = #tpu.dot_dimension_numbers<[1], [0], [0], [1], [0, 0, 1, 1], [], []>, transpose_lhs_hint = false} : vector<128x128xf32>, vector<128x128xf32>, vector<128x128xf32> -> vector<128x128xf32>
    %get3A_201 = arith.constant 0 : index
    %get3A_202 = arith.constant 0 : index
    %get3A_203 = vector.load %arg3[%get3A_201, %get3A_202] : memref<1x128xf32, #tpu.memory_space<vmem>>, vector<1x128xf32>
    %add3A_204 = vector.broadcast %get3A_203 : vector<1x128xf32> to vector<128x128xf32>
    %add3A_205 = arith.addf %dot_general3A_200, %add3A_204 : vector<128x128xf32>
    %swap3A_206 = arith.constant 640 : index
    %swap3A_207 = arith.constant 0 : index
    %swap3A_208 = vector.load %arg4[%swap3A_206, %swap3A_207] : memref<2048x128xf32, #tpu.memory_space<vmem>>, vector<128x128xf32>
    tpu.vector_store %arg4[%swap3A_206, %swap3A_207], %add3A_205 {strides = array<i32>} : memref<2048x128xf32, #tpu.memory_space<vmem>>, vector<128x128xf32>,
    %mul3A_209 = arith.constant 16 : i32
    %mul3A_210 = arith.muli %arg0, %mul3A_209 : i32
    %add3A_211 = arith.constant 6 : i32
    %add3A_212 = arith.addi %mul3A_210, %add3A_211 : i32
    %get3A_213 = arith.constant 0 : index
    %get3A_214 = arith.index_cast %add3A_212 : i32 to index
    %get3A_215 = arith.constant 0 : index
    %get3A_216 = vector.load %arg2[%get3A_213, %get3A_214, %get3A_215] : memref<2x80x128xf32, #tpu.memory_space<vmem>>, vector<1x1x128xf32>
    %get3A_217 = vector.shape_cast %get3A_216 : vector<1x1x128xf32> to vector<1x128xf32>
    %get3A_218 = arith.constant 1 : index
    %get3A_219 = arith.index_cast %add3A_212 : i32 to index
    %get3A_220 = arith.constant 0 : index
    %get3A_221 = vector.load %arg2[%get3A_218, %get3A_219, %get3A_220] : memref<2x80x128xf32, #tpu.memory_space<vmem>>, vector<1x1x128xf32>
    %get3A_222 = vector.shape_cast %get3A_221 : vector<1x1x128xf32> to vector<1x128xf32>
    %add3A_223 = arith.addf %get3A_217, %get3A_222 : vector<1x128xf32>
    %rsqrt3A_224 = math.rsqrt %add3A_223 : vector<1x128xf32>
    %iota3A_225 = tpu.iota {dimensions = array<i32: 0>} : vector<128x128xi32>
    %iota3A_226 = tpu.iota {dimensions = array<i32: 1>} : vector<128x128xi32>
    %eq3A_227 = arith.cmpi eq, %iota3A_225, %iota3A_226 : vector<128x128xi32>
    %broadcast_in_dim3A_228 = vector.shape_cast %rsqrt3A_224 : vector<1x128xf32> to vector<1x128xf32>
    %broadcast_in_dim3A_229 = vector.broadcast %broadcast_in_dim3A_228 : vector<1x128xf32> to vector<128x128xf32>
    %jit3A_230 = arith.constant 0.000000e+00 : f32
    %broadcast_in_dim3A_231 = vector.broadcast %jit3A_230 : f32 to vector<128x128xf32>
    %select_n3A_232 = arith.select %eq3A_227, %broadcast_in_dim3A_229, %broadcast_in_dim3A_231 : vector<128x128xi1>, vector<128x128xf32>
    %slice3A_233 = vector.extract_strided_slice %add3A {offsets = [768, 0], sizes = [128, 128], strides = [1, 1]} : vector<2048x128xf32> to vector<128x128xf32>
    %dot_general3A_234 = arith.constant dense<0.000000e+00> : vector<128x128xf32>
    %dot_general3A_235 = tpu.matmul %select_n3A_232, %slice3A_233, %dot_general3A_234 {dimension_numbers = #tpu.dot_dimension_numbers<[1], [0], [0], [1], [0, 0, 1, 1], [], []>, transpose_lhs_hint = false} : vector<128x128xf32>, vector<128x128xf32>, vector<128x128xf32> -> vector<128x128xf32>
    %get3A_236 = arith.constant 0 : index
    %get3A_237 = arith.constant 0 : index
    %get3A_238 = vector.load %arg3[%get3A_236, %get3A_237] : memref<1x128xf32, #tpu.memory_space<vmem>>, vector<1x128xf32>
    %add3A_239 = vector.broadcast %get3A_238 : vector<1x128xf32> to vector<128x128xf32>
    %add3A_240 = arith.addf %dot_general3A_235, %add3A_239 : vector<128x128xf32>
    %swap3A_241 = arith.constant 768 : index
    %swap3A_242 = arith.constant 0 : index
    %swap3A_243 = vector.load %arg4[%swap3A_241, %swap3A_242] : memref<2048x128xf32, #tpu.memory_space<vmem>>, vector<128x128xf32>
    tpu.vector_store %arg4[%swap3A_241, %swap3A_242], %add3A_240 {strides = array<i32>} : memref<2048x128xf32, #tpu.memory_space<vmem>>, vector<128x128xf32>,
    %mul3A_244 = arith.constant 16 : i32
    %mul3A_245 = arith.muli %arg0, %mul3A_244 : i32
    %add3A_246 = arith.constant 7 : i32
    %add3A_247 = arith.addi %mul3A_245, %add3A_246 : i32
    %get3A_248 = arith.constant 0 : index
    %get3A_249 = arith.index_cast %add3A_247 : i32 to index
    %get3A_250 = arith.constant 0 : index
    %get3A_251 = vector.load %arg2[%get3A_248, %get3A_249, %get3A_250] : memref<2x80x128xf32, #tpu.memory_space<vmem>>, vector<1x1x128xf32>
    %get3A_252 = vector.shape_cast %get3A_251 : vector<1x1x128xf32> to vector<1x128xf32>
    %get3A_253 = arith.constant 1 : index
    %get3A_254 = arith.index_cast %add3A_247 : i32 to index
    %get3A_255 = arith.constant 0 : index
    %get3A_256 = vector.load %arg2[%get3A_253, %get3A_254, %get3A_255] : memref<2x80x128xf32, #tpu.memory_space<vmem>>, vector<1x1x128xf32>
    %get3A_257 = vector.shape_cast %get3A_256 : vector<1x1x128xf32> to vector<1x128xf32>
    %add3A_258 = arith.addf %get3A_252, %get3A_257 : vector<1x128xf32>
    %rsqrt3A_259 = math.rsqrt %add3A_258 : vector<1x128xf32>
    %iota3A_260 = tpu.iota {dimensions = array<i32: 0>} : vector<128x128xi32>
    %iota3A_261 = tpu.iota {dimensions = array<i32: 1>} : vector<128x128xi32>
    %eq3A_262 = arith.cmpi eq, %iota3A_260, %iota3A_261 : vector<128x128xi32>
    %broadcast_in_dim3A_263 = vector.shape_cast %rsqrt3A_259 : vector<1x128xf32> to vector<1x128xf32>
    %broadcast_in_dim3A_264 = vector.broadcast %broadcast_in_dim3A_263 : vector<1x128xf32> to vector<128x128xf32>
    %jit3A_265 = arith.constant 0.000000e+00 : f32
    %broadcast_in_dim3A_266 = vector.broadcast %jit3A_265 : f32 to vector<128x128xf32>
    %select_n3A_267 = arith.select %eq3A_262, %broadcast_in_dim3A_264, %broadcast_in_dim3A_266 : vector<128x128xi1>, vector<128x128xf32>
    %slice3A_268 = vector.extract_strided_slice %add3A {offsets = [896, 0], sizes = [128, 128], strides = [1, 1]} : vector<2048x128xf32> to vector<128x128xf32>
    %dot_general3A_269 = arith.constant dense<0.000000e+00> : vector<128x128xf32>
    %dot_general3A_270 = tpu.matmul %select_n3A_267, %slice3A_268, %dot_general3A_269 {dimension_numbers = #tpu.dot_dimension_numbers<[1], [0], [0], [1], [0, 0, 1, 1], [], []>, transpose_lhs_hint = false} : vector<128x128xf32>, vector<128x128xf32>, vector<128x128xf32> -> vector<128x128xf32>
    %get3A_271 = arith.constant 0 : index
    %get3A_272 = arith.constant 0 : index
    %get3A_273 = vector.load %arg3[%get3A_271, %get3A_272] : memref<1x128xf32, #tpu.memory_space<vmem>>, vector<1x128xf32>
    %add3A_274 = vector.broadcast %get3A_273 : vector<1x128xf32> to vector<128x128xf32>
    %add3A_275 = arith.addf %dot_general3A_270, %add3A_274 : vector<128x128xf32>
    %swap3A_276 = arith.constant 896 : index
    %swap3A_277 = arith.constant 0 : index
    %swap3A_278 = vector.load %arg4[%swap3A_276, %swap3A_277] : memref<2048x128xf32, #tpu.memory_space<vmem>>, vector<128x128xf32>
    tpu.vector_store %arg4[%swap3A_276, %swap3A_277], %add3A_275 {strides = array<i32>} : memref<2048x128xf32, #tpu.memory_space<vmem>>, vector<128x128xf32>,
    %mul3A_279 = arith.constant 16 : i32
    %mul3A_280 = arith.muli %arg0, %mul3A_279 : i32
    %add3A_281 = arith.constant 8 : i32
    %add3A_282 = arith.addi %mul3A_280, %add3A_281 : i32
    %get3A_283 = arith.constant 0 : index
    %get3A_284 = arith.index_cast %add3A_282 : i32 to index
    %get3A_285 = arith.constant 0 : index
    %get3A_286 = vector.load %arg2[%get3A_283, %get3A_284, %get3A_285] : memref<2x80x128xf32, #tpu.memory_space<vmem>>, vector<1x1x128xf32>
    %get3A_287 = vector.shape_cast %get3A_286 : vector<1x1x128xf32> to vector<1x128xf32>
    %get3A_288 = arith.constant 1 : index
    %get3A_289 = arith.index_cast %add3A_282 : i32 to index
    %get3A_290 = arith.constant 0 : index
    %get3A_291 = vector.load %arg2[%get3A_288, %get3A_289, %get3A_290] : memref<2x80x128xf32, #tpu.memory_space<vmem>>, vector<1x1x128xf32>
    %get3A_292 = vector.shape_cast %get3A_291 : vector<1x1x128xf32> to vector<1x128xf32>
    %add3A_293 = arith.addf %get3A_287, %get3A_292 : vector<1x128xf32>
    %rsqrt3A_294 = math.rsqrt %add3A_293 : vector<1x128xf32>
    %iota3A_295 = tpu.iota {dimensions = array<i32: 0>} : vector<128x128xi32>
    %iota3A_296 = tpu.iota {dimensions = array<i32: 1>} : vector<128x128xi32>
    %eq3A_297 = arith.cmpi eq, %iota3A_295, %iota3A_296 : vector<128x128xi32>
    %broadcast_in_dim3A_298 = vector.shape_cast %rsqrt3A_294 : vector<1x128xf32> to vector<1x128xf32>
    %broadcast_in_dim3A_299 = vector.broadcast %broadcast_in_dim3A_298 : vector<1x128xf32> to vector<128x128xf32>
    %jit3A_300 = arith.constant 0.000000e+00 : f32
    %broadcast_in_dim3A_301 = vector.broadcast %jit3A_300 : f32 to vector<128x128xf32>
    %select_n3A_302 = arith.select %eq3A_297, %broadcast_in_dim3A_299, %broadcast_in_dim3A_301 : vector<128x128xi1>, vector<128x128xf32>
    %slice3A_303 = vector.extract_strided_slice %add3A {offsets = [1024, 0], sizes = [128, 128], strides = [1, 1]} : vector<2048x128xf32> to vector<128x128xf32>
    %dot_general3A_304 = arith.constant dense<0.000000e+00> : vector<128x128xf32>
    %dot_general3A_305 = tpu.matmul %select_n3A_302, %slice3A_303, %dot_general3A_304 {dimension_numbers = #tpu.dot_dimension_numbers<[1], [0], [0], [1], [0, 0, 1, 1], [], []>, transpose_lhs_hint = false} : vector<128x128xf32>, vector<128x128xf32>, vector<128x128xf32> -> vector<128x128xf32>
    %get3A_306 = arith.constant 0 : index
    %get3A_307 = arith.constant 0 : index
    %get3A_308 = vector.load %arg3[%get3A_306, %get3A_307] : memref<1x128xf32, #tpu.memory_space<vmem>>, vector<1x128xf32>
    %add3A_309 = vector.broadcast %get3A_308 : vector<1x128xf32> to vector<128x128xf32>
    %add3A_310 = arith.addf %dot_general3A_305, %add3A_309 : vector<128x128xf32>
    %swap3A_311 = arith.constant 1024 : index
    %swap3A_312 = arith.constant 0 : index
    %swap3A_313 = vector.load %arg4[%swap3A_311, %swap3A_312] : memref<2048x128xf32, #tpu.memory_space<vmem>>, vector<128x128xf32>
    tpu.vector_store %arg4[%swap3A_311, %swap3A_312], %add3A_310 {strides = array<i32>} : memref<2048x128xf32, #tpu.memory_space<vmem>>, vector<128x128xf32>,
    %mul3A_314 = arith.constant 16 : i32
    %mul3A_315 = arith.muli %arg0, %mul3A_314 : i32
    %add3A_316 = arith.constant 9 : i32
    %add3A_317 = arith.addi %mul3A_315, %add3A_316 : i32
    %get3A_318 = arith.constant 0 : index
    %get3A_319 = arith.index_cast %add3A_317 : i32 to index
    %get3A_320 = arith.constant 0 : index
    %get3A_321 = vector.load %arg2[%get3A_318, %get3A_319, %get3A_320] : memref<2x80x128xf32, #tpu.memory_space<vmem>>, vector<1x1x128xf32>
    %get3A_322 = vector.shape_cast %get3A_321 : vector<1x1x128xf32> to vector<1x128xf32>
    %get3A_323 = arith.constant 1 : index
    %get3A_324 = arith.index_cast %add3A_317 : i32 to index
    %get3A_325 = arith.constant 0 : index
    %get3A_326 = vector.load %arg2[%get3A_323, %get3A_324, %get3A_325] : memref<2x80x128xf32, #tpu.memory_space<vmem>>, vector<1x1x128xf32>
    %get3A_327 = vector.shape_cast %get3A_326 : vector<1x1x128xf32> to vector<1x128xf32>
    %add3A_328 = arith.addf %get3A_322, %get3A_327 : vector<1x128xf32>
    %rsqrt3A_329 = math.rsqrt %add3A_328 : vector<1x128xf32>
    %iota3A_330 = tpu.iota {dimensions = array<i32: 0>} : vector<128x128xi32>
    %iota3A_331 = tpu.iota {dimensions = array<i32: 1>} : vector<128x128xi32>
    %eq3A_332 = arith.cmpi eq, %iota3A_330, %iota3A_331 : vector<128x128xi32>
    %broadcast_in_dim3A_333 = vector.shape_cast %rsqrt3A_329 : vector<1x128xf32> to vector<1x128xf32>
    %broadcast_in_dim3A_334 = vector.broadcast %broadcast_in_dim3A_333 : vector<1x128xf32> to vector<128x128xf32>
    %jit3A_335 = arith.constant 0.000000e+00 : f32
    %broadcast_in_dim3A_336 = vector.broadcast %jit3A_335 : f32 to vector<128x128xf32>
    %select_n3A_337 = arith.select %eq3A_332, %broadcast_in_dim3A_334, %broadcast_in_dim3A_336 : vector<128x128xi1>, vector<128x128xf32>
    %slice3A_338 = vector.extract_strided_slice %add3A {offsets = [1152, 0], sizes = [128, 128], strides = [1, 1]} : vector<2048x128xf32> to vector<128x128xf32>
    %dot_general3A_339 = arith.constant dense<0.000000e+00> : vector<128x128xf32>
    %dot_general3A_340 = tpu.matmul %select_n3A_337, %slice3A_338, %dot_general3A_339 {dimension_numbers = #tpu.dot_dimension_numbers<[1], [0], [0], [1], [0, 0, 1, 1], [], []>, transpose_lhs_hint = false} : vector<128x128xf32>, vector<128x128xf32>, vector<128x128xf32> -> vector<128x128xf32>
    %get3A_341 = arith.constant 0 : index
    %get3A_342 = arith.constant 0 : index
    %get3A_343 = vector.load %arg3[%get3A_341, %get3A_342] : memref<1x128xf32, #tpu.memory_space<vmem>>, vector<1x128xf32>
    %add3A_344 = vector.broadcast %get3A_343 : vector<1x128xf32> to vector<128x128xf32>
    %add3A_345 = arith.addf %dot_general3A_340, %add3A_344 : vector<128x128xf32>
    %swap3A_346 = arith.constant 1152 : index
    %swap3A_347 = arith.constant 0 : index
    %swap3A_348 = vector.load %arg4[%swap3A_346, %swap3A_347] : memref<2048x128xf32, #tpu.memory_space<vmem>>, vector<128x128xf32>
    tpu.vector_store %arg4[%swap3A_346, %swap3A_347], %add3A_345 {strides = array<i32>} : memref<2048x128xf32, #tpu.memory_space<vmem>>, vector<128x128xf32>,
    %mul3A_349 = arith.constant 16 : i32
    %mul3A_350 = arith.muli %arg0, %mul3A_349 : i32
    %add3A_351 = arith.constant 10 : i32
    %add3A_352 = arith.addi %mul3A_350, %add3A_351 : i32
    %get3A_353 = arith.constant 0 : index
    %get3A_354 = arith.index_cast %add3A_352 : i32 to index
    %get3A_355 = arith.constant 0 : index
    %get3A_356 = vector.load %arg2[%get3A_353, %get3A_354, %get3A_355] : memref<2x80x128xf32, #tpu.memory_space<vmem>>, vector<1x1x128xf32>
    %get3A_357 = vector.shape_cast %get3A_356 : vector<1x1x128xf32> to vector<1x128xf32>
    %get3A_358 = arith.constant 1 : index
    %get3A_359 = arith.index_cast %add3A_352 : i32 to index
    %get3A_360 = arith.constant 0 : index
    %get3A_361 = vector.load %arg2[%get3A_358, %get3A_359, %get3A_360] : memref<2x80x128xf32, #tpu.memory_space<vmem>>, vector<1x1x128xf32>
    %get3A_362 = vector.shape_cast %get3A_361 : vector<1x1x128xf32> to vector<1x128xf32>
    %add3A_363 = arith.addf %get3A_357, %get3A_362 : vector<1x128xf32>
    %rsqrt3A_364 = math.rsqrt %add3A_363 : vector<1x128xf32>
    %iota3A_365 = tpu.iota {dimensions = array<i32: 0>} : vector<128x128xi32>
    %iota3A_366 = tpu.iota {dimensions = array<i32: 1>} : vector<128x128xi32>
    %eq3A_367 = arith.cmpi eq, %iota3A_365, %iota3A_366 : vector<128x128xi32>
    %broadcast_in_dim3A_368 = vector.shape_cast %rsqrt3A_364 : vector<1x128xf32> to vector<1x128xf32>
    %broadcast_in_dim3A_369 = vector.broadcast %broadcast_in_dim3A_368 : vector<1x128xf32> to vector<128x128xf32>
    %jit3A_370 = arith.constant 0.000000e+00 : f32
    %broadcast_in_dim3A_371 = vector.broadcast %jit3A_370 : f32 to vector<128x128xf32>
    %select_n3A_372 = arith.select %eq3A_367, %broadcast_in_dim3A_369, %broadcast_in_dim3A_371 : vector<128x128xi1>, vector<128x128xf32>
    %slice3A_373 = vector.extract_strided_slice %add3A {offsets = [1280, 0], sizes = [128, 128], strides = [1, 1]} : vector<2048x128xf32> to vector<128x128xf32>
    %dot_general3A_374 = arith.constant dense<0.000000e+00> : vector<128x128xf32>
    %dot_general3A_375 = tpu.matmul %select_n3A_372, %slice3A_373, %dot_general3A_374 {dimension_numbers = #tpu.dot_dimension_numbers<[1], [0], [0], [1], [0, 0, 1, 1], [], []>, transpose_lhs_hint = false} : vector<128x128xf32>, vector<128x128xf32>, vector<128x128xf32> -> vector<128x128xf32>
    %get3A_376 = arith.constant 0 : index
    %get3A_377 = arith.constant 0 : index
    %get3A_378 = vector.load %arg3[%get3A_376, %get3A_377] : memref<1x128xf32, #tpu.memory_space<vmem>>, vector<1x128xf32>
    %add3A_379 = vector.broadcast %get3A_378 : vector<1x128xf32> to vector<128x128xf32>
    %add3A_380 = arith.addf %dot_general3A_375, %add3A_379 : vector<128x128xf32>
    %swap3A_381 = arith.constant 1280 : index
    %swap3A_382 = arith.constant 0 : index
    %swap3A_383 = vector.load %arg4[%swap3A_381, %swap3A_382] : memref<2048x128xf32, #tpu.memory_space<vmem>>, vector<128x128xf32>
    tpu.vector_store %arg4[%swap3A_381, %swap3A_382], %add3A_380 {strides = array<i32>} : memref<2048x128xf32, #tpu.memory_space<vmem>>, vector<128x128xf32>,
    %mul3A_384 = arith.constant 16 : i32
    %mul3A_385 = arith.muli %arg0, %mul3A_384 : i32
    %add3A_386 = arith.constant 11 : i32
    %add3A_387 = arith.addi %mul3A_385, %add3A_386 : i32
    %get3A_388 = arith.constant 0 : index
    %get3A_389 = arith.index_cast %add3A_387 : i32 to index
    %get3A_390 = arith.constant 0 : index
    %get3A_391 = vector.load %arg2[%get3A_388, %get3A_389, %get3A_390] : memref<2x80x128xf32, #tpu.memory_space<vmem>>, vector<1x1x128xf32>
    %get3A_392 = vector.shape_cast %get3A_391 : vector<1x1x128xf32> to vector<1x128xf32>
    %get3A_393 = arith.constant 1 : index
    %get3A_394 = arith.index_cast %add3A_387 : i32 to index
    %get3A_395 = arith.constant 0 : index
    %get3A_396 = vector.load %arg2[%get3A_393, %get3A_394, %get3A_395] : memref<2x80x128xf32, #tpu.memory_space<vmem>>, vector<1x1x128xf32>
    %get3A_397 = vector.shape_cast %get3A_396 : vector<1x1x128xf32> to vector<1x128xf32>
    %add3A_398 = arith.addf %get3A_392, %get3A_397 : vector<1x128xf32>
    %rsqrt3A_399 = math.rsqrt %add3A_398 : vector<1x128xf32>
    %iota3A_400 = tpu.iota {dimensions = array<i32: 0>} : vector<128x128xi32>
    %iota3A_401 = tpu.iota {dimensions = array<i32: 1>} : vector<128x128xi32>
    %eq3A_402 = arith.cmpi eq, %iota3A_400, %iota3A_401 : vector<128x128xi32>
    %broadcast_in_dim3A_403 = vector.shape_cast %rsqrt3A_399 : vector<1x128xf32> to vector<1x128xf32>
    %broadcast_in_dim3A_404 = vector.broadcast %broadcast_in_dim3A_403 : vector<1x128xf32> to vector<128x128xf32>
    %jit3A_405 = arith.constant 0.000000e+00 : f32
    %broadcast_in_dim3A_406 = vector.broadcast %jit3A_405 : f32 to vector<128x128xf32>
    %select_n3A_407 = arith.select %eq3A_402, %broadcast_in_dim3A_404, %broadcast_in_dim3A_406 : vector<128x128xi1>, vector<128x128xf32>
    %slice3A_408 = vector.extract_strided_slice %add3A {offsets = [1408, 0], sizes = [128, 128], strides = [1, 1]} : vector<2048x128xf32> to vector<128x128xf32>
    %dot_general3A_409 = arith.constant dense<0.000000e+00> : vector<128x128xf32>
    %dot_general3A_410 = tpu.matmul %select_n3A_407, %slice3A_408, %dot_general3A_409 {dimension_numbers = #tpu.dot_dimension_numbers<[1], [0], [0], [1], [0, 0, 1, 1], [], []>, transpose_lhs_hint = false} : vector<128x128xf32>, vector<128x128xf32>, vector<128x128xf32> -> vector<128x128xf32>
    %get3A_411 = arith.constant 0 : index
    %get3A_412 = arith.constant 0 : index
    %get3A_413 = vector.load %arg3[%get3A_411, %get3A_412] : memref<1x128xf32, #tpu.memory_space<vmem>>, vector<1x128xf32>
    %add3A_414 = vector.broadcast %get3A_413 : vector<1x128xf32> to vector<128x128xf32>
    %add3A_415 = arith.addf %dot_general3A_410, %add3A_414 : vector<128x128xf32>
    %swap3A_416 = arith.constant 1408 : index
    %swap3A_417 = arith.constant 0 : index
    %swap3A_418 = vector.load %arg4[%swap3A_416, %swap3A_417] : memref<2048x128xf32, #tpu.memory_space<vmem>>, vector<128x128xf32>
    tpu.vector_store %arg4[%swap3A_416, %swap3A_417], %add3A_415 {strides = array<i32>} : memref<2048x128xf32, #tpu.memory_space<vmem>>, vector<128x128xf32>,
    %mul3A_419 = arith.constant 16 : i32
    %mul3A_420 = arith.muli %arg0, %mul3A_419 : i32
    %add3A_421 = arith.constant 12 : i32
    %add3A_422 = arith.addi %mul3A_420, %add3A_421 : i32
    %get3A_423 = arith.constant 0 : index
    %get3A_424 = arith.index_cast %add3A_422 : i32 to index
    %get3A_425 = arith.constant 0 : index
    %get3A_426 = vector.load %arg2[%get3A_423, %get3A_424, %get3A_425] : memref<2x80x128xf32, #tpu.memory_space<vmem>>, vector<1x1x128xf32>
    %get3A_427 = vector.shape_cast %get3A_426 : vector<1x1x128xf32> to vector<1x128xf32>
    %get3A_428 = arith.constant 1 : index
    %get3A_429 = arith.index_cast %add3A_422 : i32 to index
    %get3A_430 = arith.constant 0 : index
    %get3A_431 = vector.load %arg2[%get3A_428, %get3A_429, %get3A_430] : memref<2x80x128xf32, #tpu.memory_space<vmem>>, vector<1x1x128xf32>
    %get3A_432 = vector.shape_cast %get3A_431 : vector<1x1x128xf32> to vector<1x128xf32>
    %add3A_433 = arith.addf %get3A_427, %get3A_432 : vector<1x128xf32>
    %rsqrt3A_434 = math.rsqrt %add3A_433 : vector<1x128xf32>
    %iota3A_435 = tpu.iota {dimensions = array<i32: 0>} : vector<128x128xi32>
    %iota3A_436 = tpu.iota {dimensions = array<i32: 1>} : vector<128x128xi32>
    %eq3A_437 = arith.cmpi eq, %iota3A_435, %iota3A_436 : vector<128x128xi32>
    %broadcast_in_dim3A_438 = vector.shape_cast %rsqrt3A_434 : vector<1x128xf32> to vector<1x128xf32>
    %broadcast_in_dim3A_439 = vector.broadcast %broadcast_in_dim3A_438 : vector<1x128xf32> to vector<128x128xf32>
    %jit3A_440 = arith.constant 0.000000e+00 : f32
    %broadcast_in_dim3A_441 = vector.broadcast %jit3A_440 : f32 to vector<128x128xf32>
    %select_n3A_442 = arith.select %eq3A_437, %broadcast_in_dim3A_439, %broadcast_in_dim3A_441 : vector<128x128xi1>, vector<128x128xf32>
    %slice3A_443 = vector.extract_strided_slice %add3A {offsets = [1536, 0], sizes = [128, 128], strides = [1, 1]} : vector<2048x128xf32> to vector<128x128xf32>
    %dot_general3A_444 = arith.constant dense<0.000000e+00> : vector<128x128xf32>
    %dot_general3A_445 = tpu.matmul %select_n3A_442, %slice3A_443, %dot_general3A_444 {dimension_numbers = #tpu.dot_dimension_numbers<[1], [0], [0], [1], [0, 0, 1, 1], [], []>, transpose_lhs_hint = false} : vector<128x128xf32>, vector<128x128xf32>, vector<128x128xf32> -> vector<128x128xf32>
    %get3A_446 = arith.constant 0 : index
    %get3A_447 = arith.constant 0 : index
    %get3A_448 = vector.load %arg3[%get3A_446, %get3A_447] : memref<1x128xf32, #tpu.memory_space<vmem>>, vector<1x128xf32>
    %add3A_449 = vector.broadcast %get3A_448 : vector<1x128xf32> to vector<128x128xf32>
    %add3A_450 = arith.addf %dot_general3A_445, %add3A_449 : vector<128x128xf32>
    %swap3A_451 = arith.constant 1536 : index
    %swap3A_452 = arith.constant 0 : index
    %swap3A_453 = vector.load %arg4[%swap3A_451, %swap3A_452] : memref<2048x128xf32, #tpu.memory_space<vmem>>, vector<128x128xf32>
    tpu.vector_store %arg4[%swap3A_451, %swap3A_452], %add3A_450 {strides = array<i32>} : memref<2048x128xf32, #tpu.memory_space<vmem>>, vector<128x128xf32>,
    %mul3A_454 = arith.constant 16 : i32
    %mul3A_455 = arith.muli %arg0, %mul3A_454 : i32
    %add3A_456 = arith.constant 13 : i32
    %add3A_457 = arith.addi %mul3A_455, %add3A_456 : i32
    %get3A_458 = arith.constant 0 : index
    %get3A_459 = arith.index_cast %add3A_457 : i32 to index
    %get3A_460 = arith.constant 0 : index
    %get3A_461 = vector.load %arg2[%get3A_458, %get3A_459, %get3A_460] : memref<2x80x128xf32, #tpu.memory_space<vmem>>, vector<1x1x128xf32>
    %get3A_462 = vector.shape_cast %get3A_461 : vector<1x1x128xf32> to vector<1x128xf32>
    %get3A_463 = arith.constant 1 : index
    %get3A_464 = arith.index_cast %add3A_457 : i32 to index
    %get3A_465 = arith.constant 0 : index
    %get3A_466 = vector.load %arg2[%get3A_463, %get3A_464, %get3A_465] : memref<2x80x128xf32, #tpu.memory_space<vmem>>, vector<1x1x128xf32>
    %get3A_467 = vector.shape_cast %get3A_466 : vector<1x1x128xf32> to vector<1x128xf32>
    %add3A_468 = arith.addf %get3A_462, %get3A_467 : vector<1x128xf32>
    %rsqrt3A_469 = math.rsqrt %add3A_468 : vector<1x128xf32>
    %iota3A_470 = tpu.iota {dimensions = array<i32: 0>} : vector<128x128xi32>
    %iota3A_471 = tpu.iota {dimensions = array<i32: 1>} : vector<128x128xi32>
    %eq3A_472 = arith.cmpi eq, %iota3A_470, %iota3A_471 : vector<128x128xi32>
    %broadcast_in_dim3A_473 = vector.shape_cast %rsqrt3A_469 : vector<1x128xf32> to vector<1x128xf32>
    %broadcast_in_dim3A_474 = vector.broadcast %broadcast_in_dim3A_473 : vector<1x128xf32> to vector<128x128xf32>
    %jit3A_475 = arith.constant 0.000000e+00 : f32
    %broadcast_in_dim3A_476 = vector.broadcast %jit3A_475 : f32 to vector<128x128xf32>
    %select_n3A_477 = arith.select %eq3A_472, %broadcast_in_dim3A_474, %broadcast_in_dim3A_476 : vector<128x128xi1>, vector<128x128xf32>
    %slice3A_478 = vector.extract_strided_slice %add3A {offsets = [1664, 0], sizes = [128, 128], strides = [1, 1]} : vector<2048x128xf32> to vector<128x128xf32>
    %dot_general3A_479 = arith.constant dense<0.000000e+00> : vector<128x128xf32>
    %dot_general3A_480 = tpu.matmul %select_n3A_477, %slice3A_478, %dot_general3A_479 {dimension_numbers = #tpu.dot_dimension_numbers<[1], [0], [0], [1], [0, 0, 1, 1], [], []>, transpose_lhs_hint = false} : vector<128x128xf32>, vector<128x128xf32>, vector<128x128xf32> -> vector<128x128xf32>
    %get3A_481 = arith.constant 0 : index
    %get3A_482 = arith.constant 0 : index
    %get3A_483 = vector.load %arg3[%get3A_481, %get3A_482] : memref<1x128xf32, #tpu.memory_space<vmem>>, vector<1x128xf32>
    %add3A_484 = vector.broadcast %get3A_483 : vector<1x128xf32> to vector<128x128xf32>
    %add3A_485 = arith.addf %dot_general3A_480, %add3A_484 : vector<128x128xf32>
    %swap3A_486 = arith.constant 1664 : index
    %swap3A_487 = arith.constant 0 : index
    %swap3A_488 = vector.load %arg4[%swap3A_486, %swap3A_487] : memref<2048x128xf32, #tpu.memory_space<vmem>>, vector<128x128xf32>
    tpu.vector_store %arg4[%swap3A_486, %swap3A_487], %add3A_485 {strides = array<i32>} : memref<2048x128xf32, #tpu.memory_space<vmem>>, vector<128x128xf32>,
    %mul3A_489 = arith.constant 16 : i32
    %mul3A_490 = arith.muli %arg0, %mul3A_489 : i32
    %add3A_491 = arith.constant 14 : i32
    %add3A_492 = arith.addi %mul3A_490, %add3A_491 : i32
    %get3A_493 = arith.constant 0 : index
    %get3A_494 = arith.index_cast %add3A_492 : i32 to index
    %get3A_495 = arith.constant 0 : index
    %get3A_496 = vector.load %arg2[%get3A_493, %get3A_494, %get3A_495] : memref<2x80x128xf32, #tpu.memory_space<vmem>>, vector<1x1x128xf32>
    %get3A_497 = vector.shape_cast %get3A_496 : vector<1x1x128xf32> to vector<1x128xf32>
    %get3A_498 = arith.constant 1 : index
    %get3A_499 = arith.index_cast %add3A_492 : i32 to index
    %get3A_500 = arith.constant 0 : index
    %get3A_501 = vector.load %arg2[%get3A_498, %get3A_499, %get3A_500] : memref<2x80x128xf32, #tpu.memory_space<vmem>>, vector<1x1x128xf32>
    %get3A_502 = vector.shape_cast %get3A_501 : vector<1x1x128xf32> to vector<1x128xf32>
    %add3A_503 = arith.addf %get3A_497, %get3A_502 : vector<1x128xf32>
    %rsqrt3A_504 = math.rsqrt %add3A_503 : vector<1x128xf32>
    %iota3A_505 = tpu.iota {dimensions = array<i32: 0>} : vector<128x128xi32>
    %iota3A_506 = tpu.iota {dimensions = array<i32: 1>} : vector<128x128xi32>
    %eq3A_507 = arith.cmpi eq, %iota3A_505, %iota3A_506 : vector<128x128xi32>
    %broadcast_in_dim3A_508 = vector.shape_cast %rsqrt3A_504 : vector<1x128xf32> to vector<1x128xf32>
    %broadcast_in_dim3A_509 = vector.broadcast %broadcast_in_dim3A_508 : vector<1x128xf32> to vector<128x128xf32>
    %jit3A_510 = arith.constant 0.000000e+00 : f32
    %broadcast_in_dim3A_511 = vector.broadcast %jit3A_510 : f32 to vector<128x128xf32>
    %select_n3A_512 = arith.select %eq3A_507, %broadcast_in_dim3A_509, %broadcast_in_dim3A_511 : vector<128x128xi1>, vector<128x128xf32>
    %slice3A_513 = vector.extract_strided_slice %add3A {offsets = [1792, 0], sizes = [128, 128], strides = [1, 1]} : vector<2048x128xf32> to vector<128x128xf32>
    %dot_general3A_514 = arith.constant dense<0.000000e+00> : vector<128x128xf32>
    %dot_general3A_515 = tpu.matmul %select_n3A_512, %slice3A_513, %dot_general3A_514 {dimension_numbers = #tpu.dot_dimension_numbers<[1], [0], [0], [1], [0, 0, 1, 1], [], []>, transpose_lhs_hint = false} : vector<128x128xf32>, vector<128x128xf32>, vector<128x128xf32> -> vector<128x128xf32>
    %get3A_516 = arith.constant 0 : index
    %get3A_517 = arith.constant 0 : index
    %get3A_518 = vector.load %arg3[%get3A_516, %get3A_517] : memref<1x128xf32, #tpu.memory_space<vmem>>, vector<1x128xf32>
    %add3A_519 = vector.broadcast %get3A_518 : vector<1x128xf32> to vector<128x128xf32>
    %add3A_520 = arith.addf %dot_general3A_515, %add3A_519 : vector<128x128xf32>
    %swap3A_521 = arith.constant 1792 : index
    %swap3A_522 = arith.constant 0 : index
    %swap3A_523 = vector.load %arg4[%swap3A_521, %swap3A_522] : memref<2048x128xf32, #tpu.memory_space<vmem>>, vector<128x128xf32>
    tpu.vector_store %arg4[%swap3A_521, %swap3A_522], %add3A_520 {strides = array<i32>} : memref<2048x128xf32, #tpu.memory_space<vmem>>, vector<128x128xf32>,
    %mul3A_524 = arith.constant 16 : i32
    %mul3A_525 = arith.muli %arg0, %mul3A_524 : i32
    %add3A_526 = arith.constant 15 : i32
    %add3A_527 = arith.addi %mul3A_525, %add3A_526 : i32
    %get3A_528 = arith.constant 0 : index
    %get3A_529 = arith.index_cast %add3A_527 : i32 to index
    %get3A_530 = arith.constant 0 : index
    %get3A_531 = vector.load %arg2[%get3A_528, %get3A_529, %get3A_530] : memref<2x80x128xf32, #tpu.memory_space<vmem>>, vector<1x1x128xf32>
    %get3A_532 = vector.shape_cast %get3A_531 : vector<1x1x128xf32> to vector<1x128xf32>
    %get3A_533 = arith.constant 1 : index
    %get3A_534 = arith.index_cast %add3A_527 : i32 to index
    %get3A_535 = arith.constant 0 : index
    %get3A_536 = vector.load %arg2[%get3A_533, %get3A_534, %get3A_535] : memref<2x80x128xf32, #tpu.memory_space<vmem>>, vector<1x1x128xf32>
    %get3A_537 = vector.shape_cast %get3A_536 : vector<1x1x128xf32> to vector<1x128xf32>
    %add3A_538 = arith.addf %get3A_532, %get3A_537 : vector<1x128xf32>
    %rsqrt3A_539 = math.rsqrt %add3A_538 : vector<1x128xf32>
    %iota3A_540 = tpu.iota {dimensions = array<i32: 0>} : vector<128x128xi32>
    %iota3A_541 = tpu.iota {dimensions = array<i32: 1>} : vector<128x128xi32>
    %eq3A_542 = arith.cmpi eq, %iota3A_540, %iota3A_541 : vector<128x128xi32>
    %broadcast_in_dim3A_543 = vector.shape_cast %rsqrt3A_539 : vector<1x128xf32> to vector<1x128xf32>
    %broadcast_in_dim3A_544 = vector.broadcast %broadcast_in_dim3A_543 : vector<1x128xf32> to vector<128x128xf32>
    %jit3A_545 = arith.constant 0.000000e+00 : f32
    %broadcast_in_dim3A_546 = vector.broadcast %jit3A_545 : f32 to vector<128x128xf32>
    %select_n3A_547 = arith.select %eq3A_542, %broadcast_in_dim3A_544, %broadcast_in_dim3A_546 : vector<128x128xi1>, vector<128x128xf32>
    %slice3A_548 = vector.extract_strided_slice %add3A {offsets = [1920, 0], sizes = [128, 128], strides = [1, 1]} : vector<2048x128xf32> to vector<128x128xf32>
    %dot_general3A_549 = arith.constant dense<0.000000e+00> : vector<128x128xf32>
    %dot_general3A_550 = tpu.matmul %select_n3A_547, %slice3A_548, %dot_general3A_549 {dimension_numbers = #tpu.dot_dimension_numbers<[1], [0], [0], [1], [0, 0, 1, 1], [], []>, transpose_lhs_hint = false} : vector<128x128xf32>, vector<128x128xf32>, vector<128x128xf32> -> vector<128x128xf32>
    %get3A_551 = arith.constant 0 : index
    %get3A_552 = arith.constant 0 : index
    %get3A_553 = vector.load %arg3[%get3A_551, %get3A_552] : memref<1x128xf32, #tpu.memory_space<vmem>>, vector<1x128xf32>
    %add3A_554 = vector.broadcast %get3A_553 : vector<1x128xf32> to vector<128x128xf32>
    %add3A_555 = arith.addf %dot_general3A_550, %add3A_554 : vector<128x128xf32>
    %swap3A_556 = arith.constant 1920 : index
    %swap3A_557 = arith.constant 0 : index
    %swap3A_558 = vector.load %arg4[%swap3A_556, %swap3A_557] : memref<2048x128xf32, #tpu.memory_space<vmem>>, vector<128x128xf32>
    tpu.vector_store %arg4[%swap3A_556, %swap3A_557], %add3A_555 {strides = array<i32>} : memref<2048x128xf32, #tpu.memory_space<vmem>>, vector<128x128xf32>,
    return
  }
  func.func @transform_0(%arg0: i32) -> (i32, i32, i32) {
    %c0_i32 = arith.constant 0 : i32
    %c0_i32_0 = arith.constant 0 : i32
    %c0_i32_1 = arith.constant 0 : i32
    return %c0_i32, %arg0, %c0_i32_0 : i32, i32, i32
  }
  func.func @transform_1(%arg0: i32) -> (i32, i32, i32) {
    %c0_i32 = arith.constant 0 : i32
    %c0_i32_0 = arith.constant 0 : i32
    %c0_i32_1 = arith.constant 0 : i32
    %c0_i32_2 = arith.constant 0 : i32
    return %c0_i32, %c0_i32_0, %c0_i32_1 : i32, i32, i32
  }
  func.func @transform_2(%arg0: i32) -> (i32, i32) {
    %c0_i32 = arith.constant 0 : i32
    %c0_i32_0 = arith.constant 0 : i32
    %c0_i32_1 = arith.constant 0 : i32
    return %c0_i32, %c0_i32_0 : i32, i32
  }
  func.func @transform_3(%arg0: i32) -> (i32, i32) {
    %c0_i32 = arith.constant 0 : i32
    %c0_i32_0 = arith.constant 0 : i32
    return %arg0, %c0_i32 : i32, i32
  }
}

</mosaic_0001>

<sc_bundles>
// kernel: kernel.6.cloned.1.call-start
scs
__scs_entry_jumppad:
0x0: {  	(pc) =	sbr.rel $0x88, $3  }
0x1: {  	(tag) =	ssettag $0x0;
	lr =	simm.s32 $0x1  }
0x2: {  	[smem:$0x3F9D] =	sst lr;
	_ =	strace $0xD0000000  }
0x3: {  	_ = 	snop  }
0x4: {  	_ = 	snop  }
0x5: {  	_ = 	snop  }
0x6: {  	_ = 	snop  }
0x7: {  	_ = 	snop  }
__scs_overlays_trampoline_lowered:
0x8: {  	[smem:$0x3FAC] =	sst s0  }
0x9: {  	[smem:$0x3FAD] =	sst s1  }
0xa: {  	[smem:$0x3FAE] =	sst s2  }
0xb: {  	[smem:$0x3FAF] =	sst s3  }
0xc: {  	[smem:$0x3FB0] =	sst s4  }
0xd: {  	[smem:$0x3FB1] =	sst s5  }
0xe: {  	[smem:$0x3FB2] =	sst s6  }
0xf: {  	[smem:$0x3FB3] =	sst s7  }
0x10: {  	[smem:$0x3FB4] =	sst s8  }
0x11: {  	[smem:$0x3FB5] =	sst s9;
	s0 =	simm.s32 @!p0 $0x0  }
0x12: {  	s1 =	sld [smem:$0x3F9B];
	s0 =	simm.s32 @p0 $0x1  }
0x13: {  	[smem:$0x3FB6] =	sst s0;
	s0 =	simm.s32 @!p1 $0x0  }
0x14: {  	s2 =	sld [smem:$0x3F9A];
	s0 =	simm.s32 @p1 $0x1  }
0x15: {  	[smem:$0x3FB7] =	sst s0;
	s0 =	simm.s32 @!p2 $0x0  }
0x16: {  	s3 =	sld [smem:$0x3FDB];
	s0 =	simm.s32 @p2 $0x1  }
0x17: {  	s4 =	simm.s32 $0x1BF5;
	[smem:$0x3FB9] =	sst s0  }
0x18: {  	s0 =	sld [smem:$0x3F9C];
	_ =	swait.ge [sflag:s4], $0x0  }
0x19: {  	s7 =	sld [smem:$0x3F9D]  }
0x1a: {  	s8 =	sadd.s32 $0xFFFFE003, lr  }
0x1b: {  	s9 =	sadd.s32 $0xFFFFFEF7, lr;
	s5 =	simm.s32 $0xFFFFFFFF;
	p2 =	slt.u32 s8, $0xFFFFF086  }
0x1c: {  	p1 =	slt.u32 s9, $0xF7A;
	s5 =	simm.s32 @!p2 $0x0  }
0x1d: {  	s5 =	simm.s32 @p1 $0x1;
	p0 =	seq.s32 s7, s2  }
0x1e: {  	s7 =	smul.u32 @!p0 $0xF7A, s2;
	p2 =	seq.s32 @!p0 s5, $0x0  }
0x1f: {  	s9 =	smul.u32 $0xF7A, s1;
	s8 =	simm.s32 @!p0 $0x1BF5;
	p2 =	por !p2, p0  }
0x20: {  	[sflag:s8] =	ssyncset.s32 @!p0 $0xFFFFF086;
	s6 =	sadd.s32 @!p0 s3, s7;
	s7 =	simm.s32 @!p0 $0x108  }
0x21: {  	s3 =	sadd.s32 s3, s9;
	s6 =	sadd.s32 @!p0 $0x88, s6;
	s7 =	simm.s32 @p2 $0x1082  }
0x22: {  	[simem:s7], [sflag:s8] =	dma.local @!p0 [hbm:s6], $0xF7A  }
0x23: {  	s9 =	sor.u32 $0xD0000000, s2;
	s6 =	simm.s32 $0x108;
	_ =	swait.ge @!p0 [sflag:s8], $0x0  }
0x24: {  	s3 =	sadd.s32 $0x88, s3;
	s6 =	simm.s32 @!p1 $0x1082;
	[sflag:s4] =	ssyncset.s32 $0xFFFFF086  }
0x25: {  	[simem:s6], [sflag:s4] =	dma.local [hbm:s3], $0xF7A  }
0x26: {  	[smem:$0x3F9D] =	sst s1;
	(tag) =	ssettag s2;
	_ =	strace s9  }
0x27: {  	s1 =	sld [smem:$0x3FAD]  }
0x28: {  	s2 =	sld [smem:$0x3FAE]  }
0x29: {  	s4 =	sld [smem:$0x3FB0]  }
0x2a: {  	p0 =	seq.s32 s5, $0x0;
	s5 =	sld [smem:$0x3FB1]  }
0x2b: {  	s6 =	sld [smem:$0x3FB2]  }
0x2c: {  	s7 =	sld [smem:$0x3FB3]  }
0x2d: {  	s3 =	simm.s32 $0x108;
	s8 =	sld [smem:$0x3FB4]  }
0x2e: {  	s3 =	simm.s32 @!p0 $0x1082;
	s9 =	sld [smem:$0x3FB5]  }
0x2f: {  	lr =	sadd.s32 s0, s3;
	s0 =	sld [smem:$0x3FAC]  }
0x30: {  	s3 =	sld [smem:$0x3FAF]  }
0x31: {  	[smem:$0x3FB8] =	sst s10  }
0x32: {  	s10 =	sld [smem:$0x3FB6];
	_ =	sdelay $0x3  }
0x33: {  	p0 =	seq.s32 s10, $0x1;
	s10 =	sld [smem:$0x3FB8];
	_ =	sdelay $0x3  }
0x34: {  	[smem:$0x3FB8] =	sst s10  }
0x35: {  	s10 =	sld [smem:$0x3FB7];
	_ =	sdelay $0x3  }
0x36: {  	p1 =	seq.s32 s10, $0x1;
	s10 =	sld [smem:$0x3FB8];
	_ =	sdelay $0x3  }
0x37: {  	[smem:$0x3FB8] =	sst s10  }
0x38: {  	s10 =	sld [smem:$0x3FB9]  }
0x39: {  	_ = 	snop;
	(pc) =	sbr.ind lr, $3  }
0x3a: {  	_ = 	snop  }
0x3b: {  	_ = 	snop  }
0x3c: {  	p2 =	seq.s32 s10, $0x1;
	s10 =	sld [smem:$0x3FB8]  }
0x3d: {  	_ =	shalt  }
0x3e: {  	_ =	shalt  }
0x3f: {  	_ =	shalt  }
0x40: {  	_ =	shalt  }
0x41: {  	_ =	shalt  }
0x42: {  	_ =	shalt  }
0x43: {  	_ =	shalt  }
0x44: {  	_ =	shalt  }
0x45: {  	_ =	shalt  }
0x46: {  	_ =	shalt  }
0x47: {  	_ =	shalt  }
0x48: {  	_ =	shalt  }
0x49: {  	_ =	shalt  }
0x4a: {  	_ =	shalt  }
0x4b: {  	_ =	shalt  }
0x4c: {  	_ =	shalt  }
0x4d: {  	_ =	shalt  }
0x4e: {  	_ =	shalt  }
0x4f: {  	_ =	shalt  }
0x50: {  	_ =	shalt  }
0x51: {  	_ =	shalt  }
0x52: {  	_ =	shalt  }
0x53: {  	_ =	shalt  }
0x54: {  	_ =	shalt  }
0x55: {  	_ =	shalt  }
0x56: {  	_ =	shalt  }
0x57: {  	_ =	shalt  }
0x58: {  	_ =	shalt  }
0x59: {  	_ =	shalt  }
0x5a: {  	_ =	shalt  }
0x5b: {  	_ =	shalt  }
0x5c: {  	_ =	shalt  }
0x5d: {  	_ =	shalt  }
0x5e: {  	_ =	shalt  }
0x5f: {  	_ =	shalt  }
0x60: {  	_ =	shalt  }
0x61: {  	_ =	shalt  }
0x62: {  	_ =	shalt  }
0x63: {  	_ =	shalt  }
0x64: {  	_ =	shalt  }
0x65: {  	_ =	shalt  }
0x66: {  	_ =	shalt  }
0x67: {  	_ =	shalt  }
0x68: {  	_ =	shalt  }
0x69: {  	_ =	shalt  }
0x6a: {  	_ =	shalt  }
0x6b: {  	_ =	shalt  }
0x6c: {  	_ =	shalt  }
0x6d: {  	_ =	shalt  }
0x6e: {  	_ =	shalt  }
0x6f: {  	_ =	shalt  }
0x70: {  	_ =	shalt  }
0x71: {  	_ =	shalt  }
0x72: {  	_ =	shalt  }
0x73: {  	_ =	shalt  }
0x74: {  	_ =	shalt  }
0x75: {  	_ =	shalt  }
0x76: {  	_ =	shalt  }
0x77: {  	_ =	shalt  }
0x78: {  	_ =	shalt  }
0x79: {  	_ =	shalt  }
0x7a: {  	_ =	shalt  }
0x7b: {  	_ =	shalt  }
0x7c: {  	_ =	shalt  }
0x7d: {  	_ =	shalt  }
0x7e: {  	_ =	shalt  }
0x7f: {  	_ =	shalt  }
0x80: {  	_ =	shalt  }
0x81: {  	_ =	shalt  }
0x82: {  	_ =	shalt  }
0x83: {  	_ =	shalt  }
0x84: {  	_ =	shalt  }
0x85: {  	_ =	shalt  }
0x86: {  	_ =	shalt  }
0x87: {  	_ =	shalt  }
.Lfunc_end0:
.L_simem_size_0:
called_computation_lowered:
.L_overlay_start_0:
0x88: {  	s2 =	sld [smem:$0x3FD9]  }
0x89: {  	s3 =	sld [smem:$0x3FFE];
	_ =	sdelay $0x1  }
0x8a: {  	s1 =	srdreg.scid  }
0x8b: {  	s0 =	sand.u32 $0x1, s1  }
0x8c: {  	s17 =	sshll.u32 s0, $0xA;
	s2 =	sadd.s32 s3, s2  }
0x8d: {  	s2 =	sadd.s32 s2, s17  }
0x8e: {  	[smem:$0x3FC4] =	sst s2  }
0x8f: {  	_ = 	snop  }
0x90: {  	s2 =	sld [smem:$0x3FD0];
	(tm) =	ssettm $0x1  }
0x91: {  	s18 =	sld [smem:$0x3FFB];
	_ =	sdelay $0x3  }
0x92: {  	_ =	strace s18  }
0x93: {  	s3 =	sld [smem:$0x3FFC];
	_ =	sdelay $0x3  }
0x94: {  	_ =	strace s3  }
0x95: {  	s3 =	sld [smem:$0x3FFD];
	_ =	sdelay $0x3  }
0x96: {  	_ =	strace s3  }
0x97: {  	_ =	strace $0x8FFFFFFF  }
0x98: {  	s19 =	sld [smem:$0x3FDB];
	_ =	sdelay $0x1  }
0x99: {  	s4 =	simm.s32 $_scs_section_size  }
0x9a: {  	s5 =	simm.s32 $_size__tile_overlayer_lowered;
	s6 =	simm.s32 $_tile_overlayer_lowered  }
0x9b: {  	s22 =	simm.s32 $0x1BFF;
	s21 =	sshll.u32 s6, $0x1;
	s3 =	sadd.s32 s4, s19  }
0x9c: {  	s7 =	simm.s32 $0x0;
	s20 =	sshll.u32 s5, $0x1;
	s5 =	sadd.s32 s21, s3  }
0x9d: {  	[timem:s7], [sflag:s22] =	dma.local [hbm:s5], s20  }
0x9e: {  	_ =	swait.ge [sflag:s22], s20  }
0x9f: {  	s4 =	ssub.s32 $0x0, s20;
	[sflag:s22] =	ssyncset.done $0x0  }
0xa0: {  	[sflag:s22] =	ssyncadd.s32 s4;
	_ =	sdelay $0x1  }
0xa1: {  	s23 =	simm.s32 $0x1B8B  }
0xa2: {  	_ =	swait.ge [sflag:s23], $0x1  }
0xa3: {  	[sflag:s23] =	ssyncset.done $0x0  }
0xa4: {  	s25 =	simm.s32 $0x1B8E;
	s24 =	sld [smem:$0x3FFE];
	[sflag:s23] =	ssyncadd.s32 $0xFFFFFFFF  }
0xa5: {  	s26 =	simm.s32 $execute0_lowered;
	[smem:$0x3FD2] =	sst s25  }
0xa6: {  	s5 =	sshll.u32 s26, $0x1;
	_ =	strace $0x80000046;
	[dreg:$0x1] =	wrdreg $0xFFFFFFFF  }
0xa7: {  	s28 =	simm.s32 $_size_execute0_lowered;
	s3 =	sadd.s32 s3, s5;
	[dreg:$0x0] =	wrdreg $0x0  }
0xa8: {  	s5 =	sshll.u32 s28, $0x1;
	[dreg:$0x2] =	wrdreg s3  }
0xa9: {  	[dreg:$0x3] =	wrdreg s5  }
0xaa: {  	[dreg:$0x4] =	wrdreg $0xC0  }
0xab: {  	_ =	task [dreg:s7], $0x5FFFF  }
0xac: {  	[dreg:$0x1] =	wrdreg $0xFFFFFFFF  }
0xad: {  	[dreg:$0x0] =	wrdreg $0x60  }
0xae: {  	[dreg:$0x2] =	wrdreg s2  }
0xaf: {  	[dreg:$0x3] =	wrdreg s24  }
0xb0: {  	[dreg:$0x4] =	wrdreg $0x2B000  }
0xb1: {  	[dreg:$0x5] =	wrdreg $0x9  }
0xb2: {  	_ =	task.clear_ibuf [dreg:s7], $0x6FFFF;
	_ =	strace $0x90000046  }
0xb3: {  	s29 =	simm.s32 $0x9;
	_ =	strace $0x80000048  }
0xb4: {  	_ =	swait.ge [sflag:s29], $0x1  }
0xb5: {  	[sflag:s29] =	ssyncadd.s32 $0xFFFFFFFF  }
0xb6: {  	_ =	strace $0x90000048  }
0xb7: {  	_ =	sfence  }
0xb8: {  	s30 =	sld [smem:$0x0];
	_ =	sdelay $0x2  }
0xb9: {  	s31 =	sshll.u32 s1, $0xD;
	s1 =	sshrl.u32 s1, $0x2  }
0xba: {  	s3 =	sand.u32 $0x4000, s31;
	s1 =	sadd.s32 s1, s30  }
0xbb: {  	s0 =	sor.u32 s3, s0;
	s1 =	sshll.u32 s1, $0x11  }
0xbc: {  	s0 =	sor.u32 s1, s0  }
0xbd: {  	s0 =	sadd.s32 $0x8F2B, s0  }
0xbe: {  	[sflag:s0] =	ssyncadd.remote.s32 $0x1  }
0xbf: {  	_ =	sfence.sel $0xFFFF  }
0xc0: {  	[dreg:$0x0] =	wrdreg $0xFFFFFFFF;
	(pc) =	sbr.abs _section_cstart, $3  }
0xc1: {  	[dreg:$0x1] =	wrdreg $0xFFFFFFFF  }
0xc2: {  	_ =	task.clear_ibuf [dreg:s7], $0x2FFFF;
	_ =	strace $0x9FFFFFFF  }
0xc3: {  	(tm) =	ssettm $0x7FFFFFFF  }
tec
execute0_lowered:
.L_overlay_start_1:
0x0: {  	(tag) =	ssettag $0x1  }
0x1: {  	s3 =	rddreg [dreg:$0x0]  }
0x2: {  	s4 =	rddreg [dreg:$0x1]  }
0x3: {  	s0 =	srdreg.scid;
	s1 =	rddreg [dreg:$0x2]  }
0x4: {  	s13 =	stileid.u32;
	s2 =	simm.s32 $0x0;
	s10 =	simm.s32 $0x2400  }
0x5: {  	s11 =	simm.s32 $0x80;
	s5 =	sand.u32 $0x1, s0;
	s0 =	rddreg [dreg:$0x3]  }
0x6: {  	s12 =	simm.s32 $0x2800;
	s15 =	simm.s32 $0x0;
	[smem:$0x7FF] =	sst s2  }
0x7: {  	s9 =	smul.u32 $0xA00, s13;
	p0 =	sne.s32 s13, $0x0;
	s6 =	sshll.u32 s5, $0x4  }
0x8: {  	_ =	strace $0x80000047;
	s29 =	ssub.s32 $0x2, s5;
	s7 =	sor.u32 s13, s6  }
0x9: {  	s14 =	sshrl.u32 @!p0 s1, $0x3;
	s8 =	sshll.u32 s7, $0x7;
	s7 =	smul.u32 $0x2400, s7  }
0xa: {  	s6 =	sadd.s32 s6, s4;
	s31 =	sshrl.u32 s29, $0x1;
	s9 =	sshrl.u32 s9, $0x2  }
0xb: {  	s13 =	simm.s32 $0x1;
	s6 =	sadd.s32 $0x3C00, s6;
	s30 =	sshrl.u32 s7, $0x3  }
0xc: {  	s8 =	sadd.s32 s8, s4;
	s7 =	ssub.s32 s29, s31;
	s5 =	sadd.s32 s3, s30  }
0xd: {  	s3 =	sadd.s32 s9, s1;
	s7 =	smax.u32 s7, $0x1;
	s9 =	simm.s32 $0x2  }
0xe: {  	v0 =	vimm.f32 $0.0e+00;
	v1 =	vimm.f32 $1.000000000e+00;
	s4 =	sadd.s32 $0x9C80, s5;
	s5 =	sadd.s32 $0x2C00, s8;
	s8 =	simm.s32 $0x2880  }
.LBB2_1:
0xf: {  	[tilespmem:$0x2880] =	vst v0  }
0x10: {  	[tilespmem:$0x2890] =	vst v0  }
0x11: {  	[tilespmem:$0x28A0] =	vst v0  }
0x12: {  	[tilespmem:$0x28B0] =	vst v0  }
0x13: {  	[tilespmem:$0x28C0] =	vst v0  }
0x14: {  	[tilespmem:$0x28D0] =	vst v0  }
0x15: {  	[tilespmem:$0x28E0] =	vst v0  }
0x16: {  	[tilespmem:$0x28F0] =	vst v0  }
0x17: {  	[tilespmem:$0x2900] =	vst v0  }
0x18: {  	[tilespmem:$0x2910] =	vst v0  }
0x19: {  	[tilespmem:$0x2920] =	vst v0  }
0x1a: {  	[tilespmem:$0x2930] =	vst v0  }
0x1b: {  	[tilespmem:$0x2940] =	vst v0  }
0x1c: {  	[tilespmem:$0x2950] =	vst v0  }
0x1d: {  	[tilespmem:$0x2960] =	vst v0  }
0x1e: {  	[tilespmem:$0x2970] =	vst v0  }
0x1f: {  	[tilespmem:$0x2980] =	vst v0  }
0x20: {  	[tilespmem:$0x2990] =	vst v0  }
0x21: {  	[tilespmem:$0x29A0] =	vst v0  }
0x22: {  	[tilespmem:$0x29B0] =	vst v0  }
0x23: {  	[tilespmem:$0x29C0] =	vst v0  }
0x24: {  	[tilespmem:$0x29D0] =	vst v0  }
0x25: {  	[tilespmem:$0x29E0] =	vst v0  }
0x26: {  	[tilespmem:$0x29F0] =	vst v0  }
0x27: {  	[tilespmem:$0x2A00] =	vst v0  }
0x28: {  	[tilespmem:$0x2A10] =	vst v0  }
0x29: {  	[tilespmem:$0x2A20] =	vst v0  }
0x2a: {  	[tilespmem:$0x2A30] =	vst v0  }
0x2b: {  	[tilespmem:$0x2A40] =	vst v0  }
0x2c: {  	[tilespmem:$0x2A50] =	vst v0  }
0x2d: {  	[tilespmem:$0x2A60] =	vst v0  }
0x2e: {  	[tilespmem:$0x2A70] =	vst v0  }
0x2f: {  	[tilespmem:$0x2A80] =	vst v0  }
0x30: {  	[tilespmem:$0x2A90] =	vst v0  }
0x31: {  	[tilespmem:$0x2AA0] =	vst v0  }
0x32: {  	[tilespmem:$0x2AB0] =	vst v0  }
0x33: {  	[tilespmem:$0x2AC0] =	vst v0  }
0x34: {  	[tilespmem:$0x2AD0] =	vst v0  }
0x35: {  	[tilespmem:$0x2AE0] =	vst v0  }
0x36: {  	[tilespmem:$0x2AF0] =	vst v0  }
0x37: {  	[tilespmem:$0x2800] =	vst v1  }
0x38: {  	[tilespmem:$0x2810] =	vst v1  }
0x39: {  	[tilespmem:$0x2820] =	vst v1  }
0x3a: {  	[tilespmem:$0x2830] =	vst v1  }
0x3b: {  	[tilespmem:$0x2840] =	vst v1  }
0x3c: {  	[tilespmem:$0x2850] =	vst v1  }
0x3d: {  	[tilespmem:$0x2860] =	vst v1  }
0x3e: {  	[tilespmem:$0x2870] =	vst v1  }
0x3f: {  	[spmem:s3] =	stream.linear.scatter [tilespmem:s8], [sflag:$0x2], $0x280, $0x38;
	[tilespmem:$0x2D80] =	vst v63  }
0x40: {  	_ =	swait.ge [sflag:s9], $0x280  }
0x41: {  	[sflag:s9] =	ssyncset.done $0x0  }
0x42: {  	[sflag:s9] =	ssyncadd.s32 $0xFFFFFD80  }
0x43: {  	[tilespmem:s2], [sflag:$0x2] =	stream.linear.gather [hbm4b:s4+s2], $0x2400, $0x38;
	[tilespmem:$0x2D80] =	vst v63  }
0x44: {  	_ =	swait.ge [sflag:s9], $0x2400  }
0x45: {  	[sflag:s9] =	ssyncset.done $0x0  }
0x46: {  	[sflag:s9] =	ssyncadd.s32 $0xFFFFDC00  }
0x47: {  	[tilespmem:s10], [sflag:$0x2] =	stream.linear.gather [hbm4b:s5+s2], $0x400, $0x38;
	[tilespmem:$0x2D80] =	vst v63  }
0x48: {  	_ =	swait.ge [sflag:s9], $0x400  }
0x49: {  	[sflag:s9] =	ssyncset.done $0x0  }
0x4a: {  	[sflag:s9] =	ssyncadd.s32 $0xFFFFFC00  }
0x4b: {  	s16 =	simm.s32 $0x0;
	[bflag:$0x0] =	sbarrier.arrive $0xFFFF  }
.LBB2_2:
0x4c: {  	p1 =	sne.s32 s16, $0x9E00  }
.Ltmp0:
0x4d: {  	_ = 	snop;
	(pc) =	sbr.rel @p1 .LBB2_2-.Ltmp0, $3  }
0x4e: {  	_ =	sdelay $0x1  }
0x4f: {  	s17 =	sshra.s32 s16, $0x2;
	s16 =	sadd.s32 $0x200, s16  }
0x50: {  	[spmem:s1] =	stream.indirect.scatter.add.f32 [tilespmem:s12], [sflag:$0x1], $0x1, s17, s11, $0xb8;
	[tilespmem:$0x2D80] =	vst v63  }
0x51: {  	_ =	swait.ge [sflag:s13], $0x80  }
0x52: {  	s16 =	simm.s32 $0x4F;
	[sflag:s13] =	ssyncset.done $0x0  }
.LBB2_4:
0x53: {  	p1 =	sne.s32 s16, $0x1;
	s16 =	sadd.s32 $0xFFFFFFFF, s16;
	[sflag:s13] =	ssyncadd.s32 $0xFFFFFF80  }
.Ltmp1:
0x54: {  	(pc) =	sbr.rel @p1 .LBB2_4-.Ltmp1, $3  }
0x55: {  	_ =	sdelay $0x1  }
0x56: {  	_ =	swait.ge [sflag:s13], $0x80  }
0x57: {  	[sflag:s13] =	ssyncset.done $0x0  }
0x58: {  	[sflag:s13] =	ssyncadd.s32 $0xFFFFFF80;
	s16 =	simm.s32 @!p0 $0x1  }
0x59: {  	s17 =	simm.s32 @!p0 $0x20;
	s18 =	simm.s32 @!p0 $0x10;
	s15 =	sadd.s32 $0x1, s15  }
0x5a: {  	s19 =	simm.s32 @!p0 $0x1C02;
	[bflag:$0x0] =	sbarrier.arrive $0xFFFF;
	p1 =	sne.s32 s15, s7  }
0x5b: {  	[hbm:s6@s17], [sflag:s19] =	dma.strided @!p0 [spmem:s14@s18], $0x500, s16, $0x10   }
.Ltmp2:
0x5c: {  	_ = 	snop;
	(pc) =	sbr.rel @p1 .LBB2_1-.Ltmp2, $4  }
0x5d: {  	s16 =	simm.s32 @!p0 $0x2  }
0x5e: {  	_ =	swait.ge @!p0 [sflag:s16], $0x500  }
0x5f: {  	[sflag:s16] =	ssyncset.done @!p0 $0x0  }
0x60: {  	[sflag:s16] =	ssyncadd.s32 @!p0 $0xFFFFFB00  }
0x61: {  	_ =	sfence.sel $0x180000  }
0x62: {  	[bflag:$0x0] =	sbarrier.arrive $0xFFFF  }
0x63: {  	_ =	strace $0x90000047  }
0x64: {  	s0 =	sadd.s32 @!p0 $0x100000, s0;
	[bflag:$0x2] =	sbarrier.arrive $0xFFFF  }
0x65: {  	[sflag:s0] =	ssyncadd.tile.s32 @!p0 $0x1;
	_ =	shalt  }
.Lfunc_end2:
_tile_overlayer_lowered:
.L_overlay_start_2:
0x66: {  	(tag) =	ssettag $0x2  }
0x67: {  	s0 =	rddreg [dreg:$0x0];
	s2 =	stileid.u32  }
0x68: {  	s1 =	rddreg [dreg:$0x1];
	p0 =	sne.s32 s2, $0x0  }
0x69: {  	s3 =	rddreg [dreg:$0x2];
	[bflag:$0x3] =	sbarrier.arrive $0xFFFF;
	s2 =	simm.s32 @!p0 $0x1C02  }
0x6a: {  	[timem:s3], [sflag:s2] =	dma.local @!p0 [hbm:s0], s1  }
0x6b: {  	s0 =	simm.s32 @!p0 $0x2  }
0x6c: {  	_ =	swait.ge @!p0 [sflag:s0], s1  }
0x6d: {  	s1 =	ssub.s32 @!p0 $0x0, s1;
	[sflag:s0] =	ssyncset.done @!p0 $0x0  }
0x6e: {  	[sflag:s0] =	ssyncadd.s32 @!p0 s1  }
0x6f: {  	[bflag:$0x3] =	sbarrier.arrive $0xFFFF  }
0x70: {  	_ =	shalt  }

// kernel: kernel.9.cloned.1.call-start
scs
__scs_entry_jumppad:
0x0: {  	(pc) =	sbr.rel $0x88, $3  }
0x1: {  	(tag) =	ssettag $0x0;
	lr =	simm.s32 $0x1  }
0x2: {  	[smem:$0x3F9D] =	sst lr;
	_ =	strace $0xD0000000  }
0x3: {  	_ = 	snop  }
0x4: {  	_ = 	snop  }
0x5: {  	_ = 	snop  }
0x6: {  	_ = 	snop  }
0x7: {  	_ = 	snop  }
__scs_overlays_trampoline_lowered:
0x8: {  	[smem:$0x3FAC] =	sst s0  }
0x9: {  	[smem:$0x3FAD] =	sst s1  }
0xa: {  	[smem:$0x3FAE] =	sst s2  }
0xb: {  	[smem:$0x3FAF] =	sst s3  }
0xc: {  	[smem:$0x3FB0] =	sst s4  }
0xd: {  	[smem:$0x3FB1] =	sst s5  }
0xe: {  	[smem:$0x3FB2] =	sst s6  }
0xf: {  	[smem:$0x3FB3] =	sst s7  }
0x10: {  	[smem:$0x3FB4] =	sst s8  }
0x11: {  	[smem:$0x3FB5] =	sst s9;
	s0 =	simm.s32 @!p0 $0x0  }
0x12: {  	s1 =	sld [smem:$0x3F9B];
	s0 =	simm.s32 @p0 $0x1  }
0x13: {  	[smem:$0x3FB6] =	sst s0;
	s0 =	simm.s32 @!p1 $0x0  }
0x14: {  	s2 =	sld [smem:$0x3F9A];
	s0 =	simm.s32 @p1 $0x1  }
0x15: {  	[smem:$0x3FB7] =	sst s0;
	s0 =	simm.s32 @!p2 $0x0  }
0x16: {  	s3 =	sld [smem:$0x3FDB];
	s0 =	simm.s32 @p2 $0x1  }
0x17: {  	s4 =	simm.s32 $0x1BF5;
	[smem:$0x3FB9] =	sst s0  }
0x18: {  	s0 =	sld [smem:$0x3F9C];
	_ =	swait.ge [sflag:s4], $0x0  }
0x19: {  	s7 =	sld [smem:$0x3F9D]  }
0x1a: {  	s8 =	sadd.s32 $0xFFFFE003, lr  }
0x1b: {  	s9 =	sadd.s32 $0xFFFFFEF7, lr;
	s5 =	simm.s32 $0xFFFFFFFF;
	p2 =	slt.u32 s8, $0xFFFFF086  }
0x1c: {  	p1 =	slt.u32 s9, $0xF7A;
	s5 =	simm.s32 @!p2 $0x0  }
0x1d: {  	s5 =	simm.s32 @p1 $0x1;
	p0 =	seq.s32 s7, s2  }
0x1e: {  	s7 =	smul.u32 @!p0 $0xF7A, s2;
	p2 =	seq.s32 @!p0 s5, $0x0  }
0x1f: {  	s9 =	smul.u32 $0xF7A, s1;
	s8 =	simm.s32 @!p0 $0x1BF5;
	p2 =	por !p2, p0  }
0x20: {  	[sflag:s8] =	ssyncset.s32 @!p0 $0xFFFFF086;
	s6 =	sadd.s32 @!p0 s3, s7;
	s7 =	simm.s32 @!p0 $0x108  }
0x21: {  	s3 =	sadd.s32 s3, s9;
	s6 =	sadd.s32 @!p0 $0x88, s6;
	s7 =	simm.s32 @p2 $0x1082  }
0x22: {  	[simem:s7], [sflag:s8] =	dma.local @!p0 [hbm:s6], $0xF7A  }
0x23: {  	s9 =	sor.u32 $0xD0000000, s2;
	s6 =	simm.s32 $0x108;
	_ =	swait.ge @!p0 [sflag:s8], $0x0  }
0x24: {  	s3 =	sadd.s32 $0x88, s3;
	s6 =	simm.s32 @!p1 $0x1082;
	[sflag:s4] =	ssyncset.s32 $0xFFFFF086  }
0x25: {  	[simem:s6], [sflag:s4] =	dma.local [hbm:s3], $0xF7A  }
0x26: {  	[smem:$0x3F9D] =	sst s1;
	(tag) =	ssettag s2;
	_ =	strace s9  }
0x27: {  	s1 =	sld [smem:$0x3FAD]  }
0x28: {  	s2 =	sld [smem:$0x3FAE]  }
0x29: {  	s4 =	sld [smem:$0x3FB0]  }
0x2a: {  	p0 =	seq.s32 s5, $0x0;
	s5 =	sld [smem:$0x3FB1]  }
0x2b: {  	s6 =	sld [smem:$0x3FB2]  }
0x2c: {  	s7 =	sld [smem:$0x3FB3]  }
0x2d: {  	s3 =	simm.s32 $0x108;
	s8 =	sld [smem:$0x3FB4]  }
0x2e: {  	s3 =	simm.s32 @!p0 $0x1082;
	s9 =	sld [smem:$0x3FB5]  }
0x2f: {  	lr =	sadd.s32 s0, s3;
	s0 =	sld [smem:$0x3FAC]  }
0x30: {  	s3 =	sld [smem:$0x3FAF]  }
0x31: {  	[smem:$0x3FB8] =	sst s10  }
0x32: {  	s10 =	sld [smem:$0x3FB6];
	_ =	sdelay $0x3  }
0x33: {  	p0 =	seq.s32 s10, $0x1;
	s10 =	sld [smem:$0x3FB8];
	_ =	sdelay $0x3  }
0x34: {  	[smem:$0x3FB8] =	sst s10  }
0x35: {  	s10 =	sld [smem:$0x3FB7];
	_ =	sdelay $0x3  }
0x36: {  	p1 =	seq.s32 s10, $0x1;
	s10 =	sld [smem:$0x3FB8];
	_ =	sdelay $0x3  }
0x37: {  	[smem:$0x3FB8] =	sst s10  }
0x38: {  	s10 =	sld [smem:$0x3FB9]  }
0x39: {  	_ = 	snop;
	(pc) =	sbr.ind lr, $3  }
0x3a: {  	_ = 	snop  }
0x3b: {  	_ = 	snop  }
0x3c: {  	p2 =	seq.s32 s10, $0x1;
	s10 =	sld [smem:$0x3FB8]  }
0x3d: {  	_ =	shalt  }
0x3e: {  	_ =	shalt  }
0x3f: {  	_ =	shalt  }
0x40: {  	_ =	shalt  }
0x41: {  	_ =	shalt  }
0x42: {  	_ =	shalt  }
0x43: {  	_ =	shalt  }
0x44: {  	_ =	shalt  }
0x45: {  	_ =	shalt  }
0x46: {  	_ =	shalt  }
0x47: {  	_ =	shalt  }
0x48: {  	_ =	shalt  }
0x49: {  	_ =	shalt  }
0x4a: {  	_ =	shalt  }
0x4b: {  	_ =	shalt  }
0x4c: {  	_ =	shalt  }
0x4d: {  	_ =	shalt  }
0x4e: {  	_ =	shalt  }
0x4f: {  	_ =	shalt  }
0x50: {  	_ =	shalt  }
0x51: {  	_ =	shalt  }
0x52: {  	_ =	shalt  }
0x53: {  	_ =	shalt  }
0x54: {  	_ =	shalt  }
0x55: {  	_ =	shalt  }
0x56: {  	_ =	shalt  }
0x57: {  	_ =	shalt  }
0x58: {  	_ =	shalt  }
0x59: {  	_ =	shalt  }
0x5a: {  	_ =	shalt  }
0x5b: {  	_ =	shalt  }
0x5c: {  	_ =	shalt  }
0x5d: {  	_ =	shalt  }
0x5e: {  	_ =	shalt  }
0x5f: {  	_ =	shalt  }
0x60: {  	_ =	shalt  }
0x61: {  	_ =	shalt  }
0x62: {  	_ =	shalt  }
0x63: {  	_ =	shalt  }
0x64: {  	_ =	shalt  }
0x65: {  	_ =	shalt  }
0x66: {  	_ =	shalt  }
0x67: {  	_ =	shalt  }
0x68: {  	_ =	shalt  }
0x69: {  	_ =	shalt  }
0x6a: {  	_ =	shalt  }
0x6b: {  	_ =	shalt  }
0x6c: {  	_ =	shalt  }
0x6d: {  	_ =	shalt  }
0x6e: {  	_ =	shalt  }
0x6f: {  	_ =	shalt  }
0x70: {  	_ =	shalt  }
0x71: {  	_ =	shalt  }
0x72: {  	_ =	shalt  }
0x73: {  	_ =	shalt  }
0x74: {  	_ =	shalt  }
0x75: {  	_ =	shalt  }
0x76: {  	_ =	shalt  }
0x77: {  	_ =	shalt  }
0x78: {  	_ =	shalt  }
0x79: {  	_ =	shalt  }
0x7a: {  	_ =	shalt  }
0x7b: {  	_ =	shalt  }
0x7c: {  	_ =	shalt  }
0x7d: {  	_ =	shalt  }
0x7e: {  	_ =	shalt  }
0x7f: {  	_ =	shalt  }
0x80: {  	_ =	shalt  }
0x81: {  	_ =	shalt  }
0x82: {  	_ =	shalt  }
0x83: {  	_ =	shalt  }
0x84: {  	_ =	shalt  }
0x85: {  	_ =	shalt  }
0x86: {  	_ =	shalt  }
0x87: {  	_ =	shalt  }
.Lfunc_end0:
.L_simem_size_0:
called_computation.1_lowered:
.L_overlay_start_0:
0x88: {  	s2 =	sld [smem:$0x3FD9]  }
0x89: {  	s3 =	sld [smem:$0x3FFE];
	_ =	sdelay $0x1  }
0x8a: {  	s1 =	srdreg.scid  }
0x8b: {  	s0 =	sand.u32 $0x1, s1  }
0x8c: {  	s17 =	sshll.u32 s0, $0xA;
	s2 =	sadd.s32 s3, s2  }
0x8d: {  	s2 =	sadd.s32 s2, s17  }
0x8e: {  	[smem:$0x3FC4] =	sst s2  }
0x8f: {  	_ = 	snop  }
0x90: {  	s2 =	sld [smem:$0x3FD0];
	(tm) =	ssettm $0x1  }
0x91: {  	s18 =	sld [smem:$0x3FFB];
	_ =	sdelay $0x3  }
0x92: {  	_ =	strace s18  }
0x93: {  	s3 =	sld [smem:$0x3FFC];
	_ =	sdelay $0x3  }
0x94: {  	_ =	strace s3  }
0x95: {  	s3 =	sld [smem:$0x3FFD];
	_ =	sdelay $0x3  }
0x96: {  	_ =	strace s3  }
0x97: {  	_ =	strace $0x8FFFFFFF  }
0x98: {  	s19 =	sld [smem:$0x3FDB];
	_ =	sdelay $0x1  }
0x99: {  	s4 =	simm.s32 $_scs_section_size  }
0x9a: {  	s5 =	simm.s32 $_size__tile_overlayer_lowered;
	s6 =	simm.s32 $_tile_overlayer_lowered  }
0x9b: {  	s22 =	simm.s32 $0x1BFF;
	s21 =	sshll.u32 s6, $0x1;
	s3 =	sadd.s32 s4, s19  }
0x9c: {  	s7 =	simm.s32 $0x0;
	s20 =	sshll.u32 s5, $0x1;
	s5 =	sadd.s32 s21, s3  }
0x9d: {  	[timem:s7], [sflag:s22] =	dma.local [hbm:s5], s20  }
0x9e: {  	_ =	swait.ge [sflag:s22], s20  }
0x9f: {  	s4 =	ssub.s32 $0x0, s20;
	[sflag:s22] =	ssyncset.done $0x0  }
0xa0: {  	[sflag:s22] =	ssyncadd.s32 s4;
	_ =	sdelay $0x1  }
0xa1: {  	s23 =	simm.s32 $0x1B8B  }
0xa2: {  	_ =	swait.ge [sflag:s23], $0x1  }
0xa3: {  	[sflag:s23] =	ssyncset.done $0x0  }
0xa4: {  	s25 =	simm.s32 $0x1B8E;
	s24 =	sld [smem:$0x3FFE];
	[sflag:s23] =	ssyncadd.s32 $0xFFFFFFFF  }
0xa5: {  	s26 =	simm.s32 $execute0_lowered;
	[smem:$0x3FD2] =	sst s25  }
0xa6: {  	s5 =	sshll.u32 s26, $0x1;
	_ =	strace $0x80000049;
	[dreg:$0x1] =	wrdreg $0xFFFFFFFF  }
0xa7: {  	s28 =	simm.s32 $_size_execute0_lowered;
	s3 =	sadd.s32 s3, s5;
	[dreg:$0x0] =	wrdreg $0x0  }
0xa8: {  	s5 =	sshll.u32 s28, $0x1;
	[dreg:$0x2] =	wrdreg s3  }
0xa9: {  	[dreg:$0x3] =	wrdreg s5  }
0xaa: {  	[dreg:$0x4] =	wrdreg $0xC0  }
0xab: {  	_ =	task [dreg:s7], $0x5FFFF  }
0xac: {  	[dreg:$0x1] =	wrdreg $0xFFFFFFFF  }
0xad: {  	[dreg:$0x0] =	wrdreg $0x60  }
0xae: {  	[dreg:$0x2] =	wrdreg s2  }
0xaf: {  	[dreg:$0x3] =	wrdreg s24  }
0xb0: {  	[dreg:$0x4] =	wrdreg $0xA8000  }
0xb1: {  	[dreg:$0x5] =	wrdreg $0x9  }
0xb2: {  	_ =	task.clear_ibuf [dreg:s7], $0x6FFFF;
	_ =	strace $0x90000049  }
0xb3: {  	s29 =	simm.s32 $0x9;
	_ =	strace $0x8000004B  }
0xb4: {  	_ =	swait.ge [sflag:s29], $0x1  }
0xb5: {  	[sflag:s29] =	ssyncadd.s32 $0xFFFFFFFF  }
0xb6: {  	_ =	strace $0x9000004B  }
0xb7: {  	_ =	sfence  }
0xb8: {  	s30 =	sld [smem:$0x0];
	_ =	sdelay $0x2  }
0xb9: {  	s31 =	sshll.u32 s1, $0xD;
	s1 =	sshrl.u32 s1, $0x2  }
0xba: {  	s3 =	sand.u32 $0x4000, s31;
	s1 =	sadd.s32 s1, s30  }
0xbb: {  	s0 =	sor.u32 s3, s0;
	s1 =	sshll.u32 s1, $0x11  }
0xbc: {  	s0 =	sor.u32 s1, s0  }
0xbd: {  	s0 =	sadd.s32 $0x8F2B, s0  }
0xbe: {  	[sflag:s0] =	ssyncadd.remote.s32 $0x1  }
0xbf: {  	_ =	sfence.sel $0xFFFF  }
0xc0: {  	[dreg:$0x0] =	wrdreg $0xFFFFFFFF;
	(pc) =	sbr.abs _section_cstart, $3  }
0xc1: {  	[dreg:$0x1] =	wrdreg $0xFFFFFFFF  }
0xc2: {  	_ =	task.clear_ibuf [dreg:s7], $0x2FFFF;
	_ =	strace $0x9FFFFFFF  }
0xc3: {  	(tm) =	ssettm $0x7FFFFFFF  }
tec
execute0_lowered:
.L_overlay_start_1:
0x0: {  	(tag) =	ssettag $0x1  }
0x1: {  	s0 =	rddreg [dreg:$0x0]  }
0x2: {  	s5 =	rddreg [dreg:$0x1]  }
0x3: {  	s1 =	rddreg [dreg:$0x2]  }
0x4: {  	s2 =	srdreg.scid;
	s3 =	simm.s32 $0x0;
	s26 =	stileid.u32  }
0x5: {  	s18 =	simm.s32 $0x2800;
	s19 =	simm.s32 $0x3;
	s20 =	simm.s32 $0x1400  }
0x6: {  	s21 =	simm.s32 $0x80;
	s22 =	simm.s32 $0x6800;
	s23 =	simm.s32 $0x1  }
0x7: {  	s24 =	simm.s32 $0x2;
	s25 =	simm.s32 $0x1380;
	s28 =	simm.s32 $0x2780  }
0x8: {  	s6 =	sand.u32 $0x1, s2;
	[smem:$0x7FF] =	sst s3;
	s8 =	smul.u32 $0x2800, s26  }
0x9: {  	s10 =	smul.u32 $0x50000, s26;
	s4 =	sshll.u32 s6, $0x4;
	_ =	strace $0x8000004A  }
0xa: {  	s9 =	smul.u32 $0x28000, s6;
	s6 =	ssub.s32 $0x2, s6;
	s7 =	sor.u32 s26, s4  }
0xb: {  	s29 =	sshrl.u32 s6, $0x1;
	s30 =	sshrl.u32 s10, $0x2;
	s26 =	simm.s32 $0x2700  }
0xc: {  	s4 =	sshll.u32 s7, $0x7;
	s8 =	sadd.s32 s8, s9;
	s7 =	smul.u32 $0x2400, s7  }
0xd: {  	s17 =	ssub.s32 s6, s29;
	s15 =	sadd.s32 s4, s5;
	s4 =	sadd.s32 $0x3C00, s5  }
0xe: {  	s16 =	sadd.s32 s8, s5;
	s5 =	sadd.s32 s30, s1;
	s17 =	smax.u32 s17, $0x1  }
0xf: {  	s31 =	sshrl.u32 s7, $0x3;
	s6 =	sadd.s32 $0x4000, s5;
	s7 =	sadd.s32 $0x8000, s5  }
0x10: {  	s9 =	sadd.s32 $0xC000, s5;
	s10 =	sadd.s32 $0x10000, s5;
	s14 =	sadd.s32 $0x2C00, s15  }
0x11: {  	s15 =	sadd.s32 $0x1C00, s15;
	s16 =	sadd.s32 $0x2BC00, s16;
	s8 =	sadd.s32 s0, s31  }
0x12: {  	v0 =	vimm.f32 $0.0e+00;
	s11 =	sadd.s32 $0x9C80, s8;
	s12 =	sadd.s32 $0x9F00, s8;
	s13 =	sadd.s32 $0x280, s8  }
.LBB2_1:
0x13: {  	s31 =	simm.s32 $0x0;
	s0 =	simm.s32 $0x200  }
.LBB2_2:
0x14: {  	p0 =	sne.s32 s0, $0xFE00;
	[tilespmem:s31+$0x2870] =	vst v0  }
0x15: {  	[tilespmem:s31+$0x2800] =	vst v0  }
0x16: {  	[tilespmem:s31+$0x2810] =	vst v0  }
.Ltmp0:
0x17: {  	[tilespmem:s31+$0x2820] =	vst v0;
	(pc) =	sbr.rel @p0 .LBB2_2-.Ltmp0, $4  }
0x18: {  	[tilespmem:s31+$0x2830] =	vst v0  }
0x19: {  	[tilespmem:s31+$0x2840] =	vst v0  }
0x1a: {  	[tilespmem:s31+$0x2850] =	vst v0  }
0x1b: {  	[tilespmem:s31+$0x2860] =	vst v0;
	s31 =	sshra.s32 s0, $0x2;
	s0 =	sadd.s32 $0x200, s0  }
0x1c: {  	[tilespmem:s31+$0x2870] =	vst v0  }
0x1d: {  	[tilespmem:s31+$0x2800] =	vst v0  }
0x1e: {  	[tilespmem:s31+$0x2810] =	vst v0  }
0x1f: {  	[tilespmem:s31+$0x2820] =	vst v0  }
0x20: {  	[tilespmem:s31+$0x2830] =	vst v0  }
0x21: {  	[tilespmem:s31+$0x2840] =	vst v0  }
0x22: {  	[tilespmem:s31+$0x2850] =	vst v0  }
0x23: {  	[tilespmem:s31+$0x2860] =	vst v0  }
0x24: {  	[spmem:s5] =	stream.linear.scatter [tilespmem:s18], [sflag:$0x3], $0x4000, $0x38;
	[tilespmem:$0x1E800] =	vst v63  }
0x25: {  	_ =	swait.ge [sflag:s19], $0x4000  }
0x26: {  	[sflag:s19] =	ssyncset.done $0x0  }
0x27: {  	[sflag:s19] =	ssyncadd.s32 $0xFFFFC000  }
0x28: {  	[spmem:s6] =	stream.linear.scatter [tilespmem:s18], [sflag:$0x3], $0x4000, $0x38;
	[tilespmem:$0x1E800] =	vst v63  }
0x29: {  	_ =	swait.ge [sflag:s19], $0x4000  }
0x2a: {  	[sflag:s19] =	ssyncset.done $0x0  }
0x2b: {  	[sflag:s19] =	ssyncadd.s32 $0xFFFFC000  }
0x2c: {  	[spmem:s7] =	stream.linear.scatter [tilespmem:s18], [sflag:$0x3], $0x4000, $0x38;
	[tilespmem:$0x1E800] =	vst v63  }
0x2d: {  	_ =	swait.ge [sflag:s19], $0x4000  }
0x2e: {  	[sflag:s19] =	ssyncset.done $0x0  }
0x2f: {  	[sflag:s19] =	ssyncadd.s32 $0xFFFFC000  }
0x30: {  	[spmem:s9] =	stream.linear.scatter [tilespmem:s18], [sflag:$0x3], $0x4000, $0x38;
	[tilespmem:$0x1E800] =	vst v63  }
0x31: {  	_ =	swait.ge [sflag:s19], $0x4000  }
0x32: {  	[sflag:s19] =	ssyncset.done $0x0  }
0x33: {  	[sflag:s19] =	ssyncadd.s32 $0xFFFFC000  }
0x34: {  	[spmem:s10] =	stream.linear.scatter [tilespmem:s18], [sflag:$0x3], $0x4000, $0x38;
	[tilespmem:$0x1E800] =	vst v63  }
0x35: {  	_ =	swait.ge [sflag:s19], $0x4000  }
0x36: {  	[sflag:s19] =	ssyncset.done $0x0  }
0x37: {  	[sflag:s19] =	ssyncadd.s32 $0xFFFFC000  }
0x38: {  	s0 =	simm.s32 $0x0;
	[bflag:$0x0] =	sbarrier.arrive $0xFFFF  }
0x39: {  	[tilespmem:s0], [sflag:$0x3] =	stream.linear.gather [hbm4b:s11+s0], $0x1400, $0x38;
	[tilespmem:$0x1E800] =	vst v63  }
0x3a: {  	_ =	swait.ge [sflag:s19], $0x1400  }
0x3b: {  	[sflag:s19] =	ssyncset.done $0x0  }
0x3c: {  	[sflag:s19] =	ssyncadd.s32 $0xFFFFEC00  }
0x3d: {  	[tilespmem:s20], [sflag:$0x3] =	stream.linear.gather [hbm4b:s8+s0], $0x1400, $0x38;
	[tilespmem:$0x1E800] =	vst v63  }
0x3e: {  	_ =	swait.ge [sflag:s19], $0x1400  }
0x3f: {  	[sflag:s19] =	ssyncset.done $0x0  }
0x40: {  	[sflag:s19] =	ssyncadd.s32 $0xFFFFEC00  }
0x41: {  	[tilespmem:s18], [sflag:$0x1] =	stream.indirect.gather [hbm4b:s4+s21], $0x80, s0, s21, $0xb8;
	[tilespmem:$0x1E800] =	vst v63  }
0x42: {  	s30 =	simm.s32 $0x80  }
0x43: {  	[tilespmem:s22], [sflag:$0x2] =	stream.indirect.gather [hbm4b:s4+s21], $0x80, s30, s21, $0xb8;
	[tilespmem:$0x1E800] =	vst v63  }
0x44: {  	_ =	swait.ge [sflag:s23], $0x4000  }
0x45: {  	[sflag:s23] =	ssyncset.done $0x0  }
0x46: {  	s2 =	simm.s32 $0x1400;
	[sflag:s23] =	ssyncadd.s32 $0xFFFFC000  }
0x47: {  	[spmem:s1] =	stream.indirect.scatter.add.f32 [tilespmem:s18], [sflag:$0x3], $0x80, s2, s21, $0xb8;
	[tilespmem:$0x1E800] =	vst v63  }
0x48: {  	_ =	swait.ge [sflag:s19], $0x4000  }
0x49: {  	[sflag:s19] =	ssyncset.done $0x0  }
0x4a: {  	s29 =	simm.s32 $0x100;
	[sflag:s19] =	ssyncadd.s32 $0xFFFFC000  }
0x4b: {  	[tilespmem:s18], [sflag:$0x1] =	stream.indirect.gather [hbm4b:s4+s21], $0x80, s29, s21, $0xb8;
	[tilespmem:$0x1E800] =	vst v63  }
0x4c: {  	_ =	swait.ge [sflag:s24], $0x4000  }
0x4d: {  	[sflag:s24] =	ssyncset.done $0x0  }
0x4e: {  	s30 =	simm.s32 $0x1480;
	[sflag:s24] =	ssyncadd.s32 $0xFFFFC000  }
0x4f: {  	[spmem:s1] =	stream.indirect.scatter.add.f32 [tilespmem:s22], [sflag:$0x3], $0x80, s30, s21, $0xb8;
	[tilespmem:$0x1E800] =	vst v63  }
0x50: {  	_ =	swait.ge [sflag:s19], $0x4000  }
0x51: {  	s31 =	simm.s32 $0x100;
	s0 =	simm.s32 $0x800;
	[sflag:s19] =	ssyncset.done $0x0  }
.LBB2_4:
0x52: {  	s2 =	sadd.s32 $0x80, s31  }
0x53: {  	[sflag:s19] =	ssyncadd.s32 $0xFFFFC000;
	s29 =	smov.u32 s0;
	s30 =	sadd.s32 $0x400, s0  }
0x54: {  	[tilespmem:s22], [sflag:$0x2] =	stream.indirect.gather [hbm4b:s4+s21], $0x80, s2, s21, $0xb8;
	[tilespmem:$0x1E800] =	vst v63  }
0x55: {  	p0 =	sne.s32 s0, $0x4800;
	_ =	swait.ge [sflag:s23], $0x4000  }
0x56: {  	[sflag:s23] =	ssyncset.done $0x0  }
0x57: {  	s0 =	sadd.s32 $0x1400, s31;
	[sflag:s23] =	ssyncadd.s32 $0xFFFFC000  }
0x58: {  	[spmem:s1] =	stream.indirect.scatter.add.f32 [tilespmem:s18], [sflag:$0x3], $0x80, s0, s21, $0xb8;
	[tilespmem:$0x1E800] =	vst v63  }
0x59: {  	_ =	swait.ge [sflag:s19], $0x4000  }
0x5a: {  	[sflag:s19] =	ssyncset.done $0x0  }
0x5b: {  	s0 =	sadd.s32 $0x100, s31;
	[sflag:s19] =	ssyncadd.s32 $0xFFFFC000  }
0x5c: {  	[tilespmem:s18], [sflag:$0x1] =	stream.indirect.gather [hbm4b:s4+s21], $0x80, s0, s21, $0xb8;
	[tilespmem:$0x1E800] =	vst v63  }
0x5d: {  	_ =	swait.ge [sflag:s24], $0x4000  }
.Ltmp1:
0x5e: {  	[sflag:s24] =	ssyncset.done $0x0;
	(pc) =	sbr.rel @p0 .LBB2_4-.Ltmp1, $4  }
0x5f: {  	s0 =	sadd.s32 $0x1480, s31;
	[sflag:s24] =	ssyncadd.s32 $0xFFFFC000  }
0x60: {  	[spmem:s1] =	stream.indirect.scatter.add.f32 [tilespmem:s22], [sflag:$0x3], $0x80, s0, s21, $0xb8;
	[tilespmem:$0x1E800] =	vst v63  }
0x61: {  	_ =	swait.ge [sflag:s19], $0x4000  }
0x62: {  	s31 =	sshra.s32 s29, $0x2;
	s0 =	smov.u32 s30;
	[sflag:s19] =	ssyncset.done $0x0  }
0x63: {  	s0 =	sadd.s32 $0x80, s31;
	[sflag:s19] =	ssyncadd.s32 $0xFFFFC000  }
0x64: {  	[tilespmem:s22], [sflag:$0x2] =	stream.indirect.gather [hbm4b:s4+s21], $0x80, s0, s21, $0xb8;
	[tilespmem:$0x1E800] =	vst v63  }
0x65: {  	_ =	swait.ge [sflag:s23], $0x4000  }
0x66: {  	[sflag:s23] =	ssyncset.done $0x0  }
0x67: {  	s30 =	sadd.s32 $0x1400, s31;
	[sflag:s23] =	ssyncadd.s32 $0xFFFFC000  }
0x68: {  	[spmem:s1] =	stream.indirect.scatter.add.f32 [tilespmem:s18], [sflag:$0x3], $0x80, s30, s21, $0xb8;
	[tilespmem:$0x1E800] =	vst v63  }
0x69: {  	_ =	swait.ge [sflag:s19], $0x4000  }
0x6a: {  	[sflag:s19] =	ssyncset.done $0x0  }
0x6b: {  	s2 =	sadd.s32 $0x100, s31;
	[sflag:s19] =	ssyncadd.s32 $0xFFFFC000  }
0x6c: {  	[tilespmem:s18], [sflag:$0x1] =	stream.indirect.gather [hbm4b:s4+s21], $0x80, s2, s21, $0xb8;
	[tilespmem:$0x1E800] =	vst v63  }
0x6d: {  	_ =	swait.ge [sflag:s24], $0x4000  }
0x6e: {  	[sflag:s24] =	ssyncset.done $0x0  }
0x6f: {  	s29 =	sadd.s32 $0x1480, s31;
	[sflag:s24] =	ssyncadd.s32 $0xFFFFC000  }
0x70: {  	[spmem:s1] =	stream.indirect.scatter.add.f32 [tilespmem:s22], [sflag:$0x3], $0x80, s29, s21, $0xb8;
	[tilespmem:$0x1E800] =	vst v63  }
0x71: {  	_ =	swait.ge [sflag:s19], $0x4000  }
0x72: {  	[sflag:s19] =	ssyncset.done $0x0  }
0x73: {  	[sflag:s19] =	ssyncadd.s32 $0xFFFFC000  }
0x74: {  	[tilespmem:s22], [sflag:$0x2] =	stream.indirect.gather [hbm4b:s4+s21], $0x80, s25, s21, $0xb8;
	[tilespmem:$0x1E800] =	vst v63  }
0x75: {  	_ =	swait.ge [sflag:s23], $0x4000  }
0x76: {  	[sflag:s23] =	ssyncset.done $0x0  }
0x77: {  	[sflag:s23] =	ssyncadd.s32 $0xFFFFC000  }
0x78: {  	[spmem:s1] =	stream.indirect.scatter.add.f32 [tilespmem:s18], [sflag:$0x3], $0x80, s26, s21, $0xb8;
	[tilespmem:$0x1E800] =	vst v63  }
0x79: {  	_ =	swait.ge [sflag:s19], $0x4000  }
0x7a: {  	[sflag:s19] =	ssyncset.done $0x0  }
0x7b: {  	[sflag:s19] =	ssyncadd.s32 $0xFFFFC000  }
0x7c: {  	_ =	swait.ge [sflag:s24], $0x4000  }
0x7d: {  	[sflag:s24] =	ssyncset.done $0x0  }
0x7e: {  	[sflag:s24] =	ssyncadd.s32 $0xFFFFC000  }
0x7f: {  	[spmem:s1] =	stream.indirect.scatter.add.f32 [tilespmem:s22], [sflag:$0x3], $0x80, s28, s21, $0xb8;
	[tilespmem:$0x1E800] =	vst v63  }
0x80: {  	_ =	swait.ge [sflag:s19], $0x4000  }
0x81: {  	[sflag:s19] =	ssyncset.done $0x0  }
0x82: {  	s30 =	simm.s32 $0x0;
	[sflag:s19] =	ssyncadd.s32 $0xFFFFC000  }
0x83: {  	[tilespmem:s30], [sflag:$0x3] =	stream.linear.gather [hbm4b:s12+s30], $0x1000, $0x38;
	[tilespmem:$0x1E800] =	vst v63  }
0x84: {  	_ =	swait.ge [sflag:s19], $0x1000  }
0x85: {  	[sflag:s19] =	ssyncset.done $0x0  }
0x86: {  	[sflag:s19] =	ssyncadd.s32 $0xFFFFF000  }
0x87: {  	[tilespmem:s20], [sflag:$0x3] =	stream.linear.gather [hbm4b:s13+s30], $0x1000, $0x38;
	[tilespmem:$0x1E800] =	vst v63  }
0x88: {  	_ =	swait.ge [sflag:s19], $0x1000  }
0x89: {  	[sflag:s19] =	ssyncset.done $0x0  }
0x8a: {  	s2 =	simm.s32 $0x1000;
	[sflag:s19] =	ssyncadd.s32 $0xFFFFF000  }
0x8b: {  	[tilespmem:s2], [sflag:$0x3] =	stream.linear.gather [hbm4b:s14+s30], $0x400, $0x38;
	[tilespmem:$0x1E800] =	vst v63  }
0x8c: {  	_ =	swait.ge [sflag:s19], $0x400  }
0x8d: {  	[sflag:s19] =	ssyncset.done $0x0  }
0x8e: {  	s29 =	simm.s32 $0x2400;
	[sflag:s19] =	ssyncadd.s32 $0xFFFFFC00  }
0x8f: {  	[tilespmem:s29], [sflag:$0x3] =	stream.linear.gather [hbm4b:s15+s30], $0x400, $0x38;
	[tilespmem:$0x1E800] =	vst v63  }
0x90: {  	_ =	swait.ge [sflag:s19], $0x400  }
0x91: {  	[sflag:s19] =	ssyncset.done $0x0  }
0x92: {  	[sflag:s19] =	ssyncadd.s32 $0xFFFFFC00  }
0x93: {  	[tilespmem:s18], [sflag:$0x1] =	stream.indirect.gather [hbm4b:s4+s21], $0x80, s30, s21, $0xb8;
	[tilespmem:$0x1E800] =	vst v63  }
0x94: {  	s30 =	simm.s32 $0x80  }
0x95: {  	[tilespmem:s22], [sflag:$0x2] =	stream.indirect.gather [hbm4b:s4+s21], $0x80, s30, s21, $0xb8;
	[tilespmem:$0x1E800] =	vst v63  }
0x96: {  	_ =	swait.ge [sflag:s23], $0x4000  }
0x97: {  	[sflag:s23] =	ssyncset.done $0x0  }
0x98: {  	s2 =	simm.s32 $0x1400;
	[sflag:s23] =	ssyncadd.s32 $0xFFFFC000  }
0x99: {  	[spmem:s1] =	stream.indirect.scatter.add.f32 [tilespmem:s18], [sflag:$0x3], $0x80, s2, s21, $0xb8;
	[tilespmem:$0x1E800] =	vst v63  }
0x9a: {  	_ =	swait.ge [sflag:s19], $0x4000  }
0x9b: {  	[sflag:s19] =	ssyncset.done $0x0  }
0x9c: {  	s29 =	simm.s32 $0x100;
	[sflag:s19] =	ssyncadd.s32 $0xFFFFC000  }
0x9d: {  	[tilespmem:s18], [sflag:$0x1] =	stream.indirect.gather [hbm4b:s4+s21], $0x80, s29, s21, $0xb8;
	[tilespmem:$0x1E800] =	vst v63  }
0x9e: {  	_ =	swait.ge [sflag:s24], $0x4000  }
0x9f: {  	[sflag:s24] =	ssyncset.done $0x0  }
0xa0: {  	s30 =	simm.s32 $0x1480;
	[sflag:s24] =	ssyncadd.s32 $0xFFFFC000  }
0xa1: {  	[spmem:s1] =	stream.indirect.scatter.add.f32 [tilespmem:s22], [sflag:$0x3], $0x80, s30, s21, $0xb8;
	[tilespmem:$0x1E800] =	vst v63  }
0xa2: {  	_ =	swait.ge [sflag:s19], $0x4000  }
0xa3: {  	s31 =	simm.s32 $0x100;
	s0 =	simm.s32 $0x800;
	[sflag:s19] =	ssyncset.done $0x0  }
.LBB2_6:
0xa4: {  	s2 =	sadd.s32 $0x80, s31  }
0xa5: {  	[sflag:s19] =	ssyncadd.s32 $0xFFFFC000;
	s29 =	smov.u32 s0;
	s30 =	sadd.s32 $0x400, s0  }
0xa6: {  	[tilespmem:s22], [sflag:$0x2] =	stream.indirect.gather [hbm4b:s4+s21], $0x80, s2, s21, $0xb8;
	[tilespmem:$0x1E800] =	vst v63  }
0xa7: {  	p0 =	sne.s32 s0, $0x4800;
	_ =	swait.ge [sflag:s23], $0x4000  }
0xa8: {  	[sflag:s23] =	ssyncset.done $0x0  }
0xa9: {  	s0 =	sadd.s32 $0x1400, s31;
	[sflag:s23] =	ssyncadd.s32 $0xFFFFC000  }
0xaa: {  	[spmem:s1] =	stream.indirect.scatter.add.f32 [tilespmem:s18], [sflag:$0x3], $0x80, s0, s21, $0xb8;
	[tilespmem:$0x1E800] =	vst v63  }
0xab: {  	_ =	swait.ge [sflag:s19], $0x4000  }
0xac: {  	[sflag:s19] =	ssyncset.done $0x0  }
0xad: {  	s0 =	sadd.s32 $0x100, s31;
	[sflag:s19] =	ssyncadd.s32 $0xFFFFC000  }
0xae: {  	[tilespmem:s18], [sflag:$0x1] =	stream.indirect.gather [hbm4b:s4+s21], $0x80, s0, s21, $0xb8;
	[tilespmem:$0x1E800] =	vst v63  }
0xaf: {  	_ =	swait.ge [sflag:s24], $0x4000  }
.Ltmp2:
0xb0: {  	[sflag:s24] =	ssyncset.done $0x0;
	(pc) =	sbr.rel @p0 .LBB2_6-.Ltmp2, $4  }
0xb1: {  	s0 =	sadd.s32 $0x1480, s31;
	[sflag:s24] =	ssyncadd.s32 $0xFFFFC000  }
0xb2: {  	[spmem:s1] =	stream.indirect.scatter.add.f32 [tilespmem:s22], [sflag:$0x3], $0x80, s0, s21, $0xb8;
	[tilespmem:$0x1E800] =	vst v63  }
0xb3: {  	_ =	swait.ge [sflag:s19], $0x4000  }
0xb4: {  	s31 =	sshra.s32 s29, $0x2;
	s0 =	smov.u32 s30;
	[sflag:s19] =	ssyncset.done $0x0  }
0xb5: {  	s0 =	sadd.s32 $0x80, s31;
	[sflag:s19] =	ssyncadd.s32 $0xFFFFC000  }
0xb6: {  	[tilespmem:s22], [sflag:$0x2] =	stream.indirect.gather [hbm4b:s4+s21], $0x80, s0, s21, $0xb8;
	[tilespmem:$0x1E800] =	vst v63  }
0xb7: {  	_ =	swait.ge [sflag:s23], $0x4000  }
0xb8: {  	[sflag:s23] =	ssyncset.done $0x0  }
0xb9: {  	s2 =	sadd.s32 $0x1400, s31;
	[sflag:s23] =	ssyncadd.s32 $0xFFFFC000  }
0xba: {  	[spmem:s1] =	stream.indirect.scatter.add.f32 [tilespmem:s18], [sflag:$0x3], $0x80, s2, s21, $0xb8;
	[tilespmem:$0x1E800] =	vst v63  }
0xbb: {  	_ =	swait.ge [sflag:s19], $0x4000  }
0xbc: {  	[sflag:s19] =	ssyncset.done $0x0  }
0xbd: {  	s29 =	sadd.s32 $0x100, s31;
	[sflag:s19] =	ssyncadd.s32 $0xFFFFC000  }
0xbe: {  	[tilespmem:s18], [sflag:$0x1] =	stream.indirect.gather [hbm4b:s4+s21], $0x80, s29, s21, $0xb8;
	[tilespmem:$0x1E800] =	vst v63  }
0xbf: {  	_ =	swait.ge [sflag:s24], $0x4000  }
0xc0: {  	[sflag:s24] =	ssyncset.done $0x0  }
0xc1: {  	s30 =	sadd.s32 $0x1480, s31;
	[sflag:s24] =	ssyncadd.s32 $0xFFFFC000  }
0xc2: {  	[spmem:s1] =	stream.indirect.scatter.add.f32 [tilespmem:s22], [sflag:$0x3], $0x80, s30, s21, $0xb8;
	[tilespmem:$0x1E800] =	vst v63  }
0xc3: {  	_ =	swait.ge [sflag:s19], $0x4000  }
0xc4: {  	[sflag:s19] =	ssyncset.done $0x0  }
0xc5: {  	[sflag:s19] =	ssyncadd.s32 $0xFFFFC000  }
0xc6: {  	[tilespmem:s22], [sflag:$0x2] =	stream.indirect.gather [hbm4b:s4+s21], $0x80, s25, s21, $0xb8;
	[tilespmem:$0x1E800] =	vst v63  }
0xc7: {  	_ =	swait.ge [sflag:s23], $0x4000  }
0xc8: {  	[sflag:s23] =	ssyncset.done $0x0  }
0xc9: {  	[sflag:s23] =	ssyncadd.s32 $0xFFFFC000  }
0xca: {  	[spmem:s1] =	stream.indirect.scatter.add.f32 [tilespmem:s18], [sflag:$0x3], $0x80, s26, s21, $0xb8;
	[tilespmem:$0x1E800] =	vst v63  }
0xcb: {  	_ =	swait.ge [sflag:s19], $0x4000  }
0xcc: {  	[sflag:s19] =	ssyncset.done $0x0  }
0xcd: {  	[sflag:s19] =	ssyncadd.s32 $0xFFFFC000  }
0xce: {  	_ =	swait.ge [sflag:s24], $0x4000  }
0xcf: {  	[sflag:s24] =	ssyncset.done $0x0  }
0xd0: {  	[sflag:s24] =	ssyncadd.s32 $0xFFFFC000  }
0xd1: {  	[spmem:s1] =	stream.indirect.scatter.add.f32 [tilespmem:s22], [sflag:$0x3], $0x80, s28, s21, $0xb8;
	[tilespmem:$0x1E800] =	vst v63  }
0xd2: {  	s31 =	stileid.u32;
	_ =	swait.ge [sflag:s19], $0x4000  }
0xd3: {  	s3 =	sadd.s32 $0x1, s3;
	s0 =	sshll.u32 s31, $0x6;
	[sflag:s19] =	ssyncset.done $0x0  }
0xd4: {  	p0 =	sne.s32 s3, s17;
	s0 =	sor.u32 $0x1C03, s0;
	[sflag:s19] =	ssyncadd.s32 $0xFFFFC000  }
.Ltmp3:
0xd5: {  	s2 =	sshrl.u32 s5, $0x3;
	[bflag:$0x0] =	sbarrier.arrive $0xFFFF;
	(pc) =	sbr.rel @p0 .LBB2_1-.Ltmp3, $4  }
0xd6: {  	[hbm:s16], [sflag:s0] =	dma.local [spmem:s2], $0x2800  }
0xd7: {  	_ =	swait.ge [sflag:s19], $0x2800  }
0xd8: {  	[sflag:s19] =	ssyncset.done $0x0  }
0xd9: {  	[sflag:s19] =	ssyncadd.s32 $0xFFFFD800  }
0xda: {  	_ =	sfence.sel $0x180000  }
0xdb: {  	[bflag:$0x0] =	sbarrier.arrive $0xFFFF  }
0xdc: {  	_ =	strace $0x9000004A  }
0xdd: {  	s0 =	stileid.u32;
	[bflag:$0x2] =	sbarrier.arrive $0xFFFF  }
0xde: {  	p0 =	sne.s32 s0, $0x0;
	s0 =	rddreg [dreg:$0x3]  }
0xdf: {  	s0 =	sadd.s32 @!p0 $0x100000, s0  }
0xe0: {  	[sflag:s0] =	ssyncadd.tile.s32 @!p0 $0x1;
	_ =	shalt  }
.Lfunc_end2:
_tile_overlayer_lowered:
.L_overlay_start_2:
0xe1: {  	(tag) =	ssettag $0x2  }
0xe2: {  	s0 =	rddreg [dreg:$0x0];
	s2 =	stileid.u32  }
0xe3: {  	s1 =	rddreg [dreg:$0x1];
	p0 =	sne.s32 s2, $0x0  }
0xe4: {  	s3 =	rddreg [dreg:$0x2];
	[bflag:$0x3] =	sbarrier.arrive $0xFFFF;
	s2 =	simm.s32 @!p0 $0x1C03  }
0xe5: {  	[timem:s3], [sflag:s2] =	dma.local @!p0 [hbm:s0], s1  }
0xe6: {  	s0 =	simm.s32 @!p0 $0x3  }
0xe7: {  	_ =	swait.ge @!p0 [sflag:s0], s1  }
0xe8: {  	s1 =	ssub.s32 @!p0 $0x0, s1;
	[sflag:s0] =	ssyncset.done @!p0 $0x0  }
0xe9: {  	[sflag:s0] =	ssyncadd.s32 @!p0 s1  }
0xea: {  	[bflag:$0x3] =	sbarrier.arrive $0xFFFF  }
0xeb: {  	_ =	shalt  }

</sc_bundles>
